<compile_context>
chip_gen: v7x
topology: tpu7x:2x2x1
jax: 0.10.2.dev20260603
libtpu: 0.0.44.dev20260713+nightly
codegen_flags: <defaults>
</compile_context>

<pallas_src>
import functools

import jax
import jax.numpy as jnp
from jax import lax
from jax.experimental import pallas as pl
from jax.experimental.pallas import tpu as pltpu
from jax.experimental.pallas import tpu_sc as plsc

BATCH = 4096
SEQ = 200
EMBED = 64
NC = 2
NS = 16
NW = NC * NS
TOKENS = BATCH * SEQ
TOK_PER_W = TOKENS // NW
R = 4
C = R * SEQ
CHUNKS = TOK_PER_W // C
NLANE = 16
NVEC = EMBED // NLANE


def _body(x_hbm, tok_hbm, pos_hbm, out_hbm, idx_v, rows_v, pos_v,
          gsem0, gsem1, ssem0, ssem1):
    c = lax.axis_index("c")
    s = lax.axis_index("s")
    wid = s * NC + c
    base0 = wid * TOK_PER_W
    gsems = (gsem0, gsem1)
    ssems = (ssem0, ssem1)

    pltpu.sync_copy(pos_hbm, pos_v)

    def start_gather(g, buf):
        base = base0 + g * C
        pltpu.sync_copy(x_hbm.at[pl.ds(base, C)], idx_v.at[buf])
        return pltpu.async_copy(
            tok_hbm.at[idx_v.at[buf]], rows_v.at[buf], gsems[buf]
        )

    def start_scatter(g, buf):
        return pltpu.async_copy(
            rows_v.at[buf], out_hbm.at[pl.ds(base0 + g * C, C)], ssems[buf]
        )

    def add_pos(buf):
        @plsc.parallel_loop(0, SEQ, unroll=8)
        def _(r):
            for cc in range(NVEC):
                v = pos_v[r, pl.ds(cc * NLANE, NLANE)]
                for k in range(R):
                    plsc.addupdate(
                        rows_v.at[buf, k * SEQ + r, pl.ds(cc * NLANE, NLANE)], v
                    )

    def wait_gather(buf):
        pltpu.make_async_copy(
            tok_hbm.at[idx_v.at[buf]], rows_v.at[buf], gsems[buf]
        ).wait()

    def wait_scatter(g, buf):
        pltpu.make_async_copy(
            rows_v.at[buf], out_hbm.at[pl.ds(base0 + g * C, C)], ssems[buf]
        ).wait()

    start_gather(0, 0)
    start_gather(1, 1)
    wait_gather(0)
    add_pos(0)
    start_scatter(0, 0)

    def pair(h, carry):
        for b in range(2):
            g = 1 + h * 2 + b
            buf = 1 - b
            nxt = b
            wait_scatter(g - 1, nxt)
            start_gather(g + 1, nxt)
            wait_gather(buf)
            add_pos(buf)
            start_scatter(g, buf)
        return carry

    lax.fori_loop(0, (CHUNKS - 2) // 2, pair, 0)

    g_last = CHUNKS - 1
    wait_scatter(g_last - 1, 0)
    wait_gather(1)
    add_pos(1)
    start_scatter(g_last, 1)
    wait_scatter(g_last, 1)


@functools.partial(jax.jit)
def _tpemb(x_flat, token_table, pos_table):
    mesh = plsc.VectorSubcoreMesh(
        core_axis_name="c", subcore_axis_name="s", num_cores=NC, num_subcores=NS
    )
    f = pl.kernel(
        _body,
        out_type=jax.ShapeDtypeStruct((TOKENS, EMBED), jnp.float32),
        mesh=mesh,
        scratch_types=[
            pltpu.VMEM((2, C), jnp.int32),
            pltpu.VMEM((2, C, EMBED), jnp.float32),
            pltpu.VMEM((SEQ, EMBED), jnp.float32),
            pltpu.SemaphoreType.DMA,
            pltpu.SemaphoreType.DMA,
            pltpu.SemaphoreType.DMA,
            pltpu.SemaphoreType.DMA,
        ],
        compiler_params=pltpu.CompilerParams(use_tc_tiling_on_sc=False),
    )
    return f(x_flat, token_table, pos_table)


def kernel(x, token_table, pos_table):
    x_flat = x.reshape(-1).astype(jnp.int32)
    out = _tpemb(x_flat, token_table, pos_table)
    return out.reshape(BATCH, SEQ, EMBED)

# --- scband reference (transcript-rebuilt; emitter-appended) ---
"""Pipeline reference for scband-token-and-position-embedding-29858612642183 (READ-ONLY COPY).

The authoritative reference and input builder live on the scoring server;
editing this copy changes nothing except your own understanding.
"""

import jax, jax.numpy as jnp
import numpy as np

BATCH = 4096
SEQ = 200
VOCAB = 100000
MAXLEN = 200
EMBED = 64

def setup_inputs(seed: int = 0) -> dict:
    key = jax.random.key(seed)
    k1, k2, k3 = jax.random.split(key, 3)
    x = jax.random.randint(k1, (BATCH, SEQ), 0, VOCAB, dtype=jnp.int64 if jax.config.jax_enable_x64 else jnp.int32)
    token_table = jax.random.normal(k2, (VOCAB, EMBED), dtype=jnp.float32) * 0.05
    pos_table = jax.random.normal(k3, (MAXLEN, EMBED), dtype=jnp.float32) * 0.05
    return {"x": x, "token_table": token_table, "pos_table": pos_table}

def reference(x, token_table, pos_table):
    # TokenAndPositionEmbedding.call:
    #   seq_len = tf.shape(x)[-1]
    #   positions = tf.range(seq_len)
    #   return token_emb(x) + pos_emb(positions)
    seq_len = x.shape[-1]
    positions = jnp.arange(seq_len)
    tok = jnp.take(token_table, x, axis=0)            # [B, S, D] gather
    pos = jnp.take(pos_table, positions, axis=0)      # [S, D] gather
    return tok + pos[None, :, :]

if __name__ == "__main__":
    import jax
    _d = setup_inputs()
    print(jax.jit(kernel)(*tuple(_d.values())))

</pallas_src>

<mosaic_0001>
#map = affine_map<(d0, d1) -> (0)>
#map1 = affine_map<(d0, d1) -> (0, 0)>
module attributes {stable_mosaic.version = 14 : i64} {
  func.func @_body(%arg0: i32, %arg1: i32, %arg2: memref<819200xi32, #tpu.memory_space<hbm>>, %arg3: memref<100000x64xf32, #tpu.memory_space<hbm>>, %arg4: memref<200x64xf32, #tpu.memory_space<hbm>>, %arg5: memref<819200x64xf32, #tpu.memory_space<hbm>>, %arg6: memref<2x800xi32, #tpu.memory_space<vmem>>, %arg7: memref<2x800x64xf32, #tpu.memory_space<vmem>>, %arg8: memref<200x64xf32, #tpu.memory_space<vmem>>, %arg9: memref<!tpu.dma_semaphore, #tpu.memory_space<semaphore_mem>>, %arg10: memref<!tpu.dma_semaphore, #tpu.memory_space<semaphore_mem>>, %arg11: memref<!tpu.dma_semaphore, #tpu.memory_space<semaphore_mem>>, %arg12: memref<!tpu.dma_semaphore, #tpu.memory_space<semaphore_mem>>) attributes {dimension_semantics = [#tpu.dimension_semantics<core_parallel>, #tpu.dimension_semantics<subcore_parallel>], iteration_bounds = array<i64: 2, 16>, scalar_prefetch = 0 : i64, scratch_operands = 7 : i64, tpu.core_type = #tpu.core_type<sc_vector_subcore>, window_params = [{transform_indices = #map}, {transform_indices = #map1}, {transform_indices = #map1}, {transform_indices = #map1}]} {
    %mul3A = arith.constant 2 : i32
    %mul3A_0 = arith.muli %arg1, %mul3A : i32
    %add3A = arith.addi %mul3A_0, %arg0 : i32
    %mul3A_1 = arith.constant 25600 : i32
    %mul3A_2 = arith.muli %add3A, %mul3A_1 : i32
    "tpu.region"() ({
      %run_scoped3A_124 = tpu.sem_alloc : memref<!tpu.dma_semaphore, #tpu.memory_space<semaphore_mem>>
      tpu.enqueue_dma source(%arg4 : memref<200x64xf32, #tpu.memory_space<hbm>>) target(%arg8 : memref<200x64xf32, #tpu.memory_space<vmem>>) target_semaphore(%run_scoped3A_124 : memref<!tpu.dma_semaphore, #tpu.memory_space<semaphore_mem>>)
      tpu.wait_dma2 semaphore(%run_scoped3A_124 : memref<!tpu.dma_semaphore, #tpu.memory_space<semaphore_mem>>) src(%arg4 : memref<200x64xf32, #tpu.memory_space<hbm>>) dst(%arg8 : memref<200x64xf32, #tpu.memory_space<vmem>>)
      tpu.yield
    }) : () -> ()
    %add3A_3 = arith.constant 0 : i32
    %add3A_4 = arith.addi %mul3A_2, %add3A_3 : i32
    %run_scoped3A = arith.constant 0 : i32
    "tpu.region"() ({
      %run_scoped3A_124 = tpu.sem_alloc : memref<!tpu.dma_semaphore, #tpu.memory_space<semaphore_mem>>
      %dma_start3A_125 = arith.constant 0 : i32
      %dma_start3A_126 = tpu.memref_slice %arg6[%run_scoped3A, %dma_start3A_125] : memref<2x800xi32, #tpu.memory_space<vmem>> -> memref<1x800xi32, #tpu.memory_space<vmem>>
      %dma_start3A_127 = tpu.memref_squeeze %dma_start3A_126 : memref<1x800xi32, #tpu.memory_space<vmem>> -> memref<800xi32, #tpu.memory_space<vmem>>
      %dma_start3A_128 = tpu.memref_slice %arg2[%add3A_4] : memref<819200xi32, #tpu.memory_space<hbm>> -> memref<800xi32, #tpu.memory_space<hbm>>
      %dma_start3A_129 = arith.constant 0 : i32
      %dma_start3A_130 = tpu.memref_slice %arg6[%run_scoped3A, %dma_start3A_129] : memref<2x800xi32, #tpu.memory_space<vmem>> -> memref<1x800xi32, #tpu.memory_space<vmem>>
      %dma_start3A_131 = tpu.memref_squeeze %dma_start3A_130 : memref<1x800xi32, #tpu.memory_space<vmem>> -> memref<800xi32, #tpu.memory_space<vmem>>
      %dma_start3A_132 = tpu.memref_slice %arg2[%add3A_4] : memref<819200xi32, #tpu.memory_space<hbm>> -> memref<800xi32, #tpu.memory_space<hbm>>
      tpu.enqueue_dma source(%dma_start3A_132 : memref<800xi32, #tpu.memory_space<hbm>>) target(%dma_start3A_131 : memref<800xi32, #tpu.memory_space<vmem>>) target_semaphore(%run_scoped3A_124 : memref<!tpu.dma_semaphore, #tpu.memory_space<semaphore_mem>>)
      %dma_wait3A_133 = arith.constant 0 : i32
      %dma_wait3A_134 = tpu.memref_slice %arg6[%run_scoped3A, %dma_wait3A_133] : memref<2x800xi32, #tpu.memory_space<vmem>> -> memref<1x800xi32, #tpu.memory_space<vmem>>
      %dma_wait3A_135 = tpu.memref_squeeze %dma_wait3A_134 : memref<1x800xi32, #tpu.memory_space<vmem>> -> memref<800xi32, #tpu.memory_space<vmem>>
      %dma_wait3A_136 = tpu.memref_slice %arg2[%add3A_4] : memref<819200xi32, #tpu.memory_space<hbm>> -> memref<800xi32, #tpu.memory_space<hbm>>
      %dma_wait3A_137 = arith.constant 0 : i32
      %dma_wait3A_138 = tpu.memref_slice %arg6[%run_scoped3A, %dma_wait3A_137] : memref<2x800xi32, #tpu.memory_space<vmem>> -> memref<1x800xi32, #tpu.memory_space<vmem>>
      %dma_wait3A_139 = tpu.memref_squeeze %dma_wait3A_138 : memref<1x800xi32, #tpu.memory_space<vmem>> -> memref<800xi32, #tpu.memory_space<vmem>>
      %dma_wait3A_140 = tpu.memref_slice %arg2[%add3A_4] : memref<819200xi32, #tpu.memory_space<hbm>> -> memref<800xi32, #tpu.memory_space<hbm>>
      tpu.wait_dma2 semaphore(%run_scoped3A_124 : memref<!tpu.dma_semaphore, #tpu.memory_space<semaphore_mem>>) src(%dma_wait3A_140 : memref<800xi32, #tpu.memory_space<hbm>>) dst(%dma_wait3A_139 : memref<800xi32, #tpu.memory_space<vmem>>)
      tpu.yield
    }) : () -> ()
    %dma_start3A = arith.constant 0 : i32
    %dma_start3A_5 = arith.constant 0 : i32
    %dma_start3A_6 = arith.constant 0 : i32
    %dma_start3A_7 = arith.constant 0 : i32
    %dma_start3A_8 = tpu.memref_slice %arg7[%dma_start3A_5, %dma_start3A_6, %dma_start3A_7] : memref<2x800x64xf32, #tpu.memory_space<vmem>> -> memref<1x800x64xf32, #tpu.memory_space<vmem>>
    %dma_start3A_9 = tpu.memref_squeeze %dma_start3A_8 : memref<1x800x64xf32, #tpu.memory_space<vmem>> -> memref<800x64xf32, #tpu.memory_space<vmem>>
    %dma_start3A_10 = arith.constant 0 : i32
    %dma_start3A_11 = tpu.memref_slice %arg6[%dma_start3A, %dma_start3A_10] : memref<2x800xi32, #tpu.memory_space<vmem>> -> memref<1x800xi32, #tpu.memory_space<vmem>>
    %dma_start3A_12 = tpu.memref_squeeze %dma_start3A_11 : memref<1x800xi32, #tpu.memory_space<vmem>> -> memref<800xi32, #tpu.memory_space<vmem>>
    %dma_start3A_13 = arith.constant 0 : i32
    %dma_start3A_14 = arith.constant 0 : i32
    %dma_start3A_15 = tpu.memref_slice %arg3[%dma_start3A_13, %dma_start3A_14] : memref<100000x64xf32, #tpu.memory_space<hbm>> -> memref<100000x64xf32, #tpu.memory_space<hbm>>
    tpu.enqueue_indirect_dma source(%dma_start3A_15 : memref<100000x64xf32, #tpu.memory_space<hbm>>) target(%dma_start3A_9 : memref<800x64xf32, #tpu.memory_space<vmem>>) offsets(%dma_start3A_12 : memref<800xi32, #tpu.memory_space<vmem>>) semaphore(%arg9 : memref<!tpu.dma_semaphore, #tpu.memory_space<semaphore_mem>>)
    %add3A_16 = arith.constant 800 : i32
    %add3A_17 = arith.addi %mul3A_2, %add3A_16 : i32
    %run_scoped3A_18 = arith.constant 1 : i32
    "tpu.region"() ({
      %run_scoped3A_124 = tpu.sem_alloc : memref<!tpu.dma_semaphore, #tpu.memory_space<semaphore_mem>>
      %dma_start3A_125 = arith.constant 0 : i32
      %dma_start3A_126 = tpu.memref_slice %arg6[%run_scoped3A_18, %dma_start3A_125] : memref<2x800xi32, #tpu.memory_space<vmem>> -> memref<1x800xi32, #tpu.memory_space<vmem>>
      %dma_start3A_127 = tpu.memref_squeeze %dma_start3A_126 : memref<1x800xi32, #tpu.memory_space<vmem>> -> memref<800xi32, #tpu.memory_space<vmem>>
      %dma_start3A_128 = tpu.memref_slice %arg2[%add3A_17] : memref<819200xi32, #tpu.memory_space<hbm>> -> memref<800xi32, #tpu.memory_space<hbm>>
      %dma_start3A_129 = arith.constant 0 : i32
      %dma_start3A_130 = tpu.memref_slice %arg6[%run_scoped3A_18, %dma_start3A_129] : memref<2x800xi32, #tpu.memory_space<vmem>> -> memref<1x800xi32, #tpu.memory_space<vmem>>
      %dma_start3A_131 = tpu.memref_squeeze %dma_start3A_130 : memref<1x800xi32, #tpu.memory_space<vmem>> -> memref<800xi32, #tpu.memory_space<vmem>>
      %dma_start3A_132 = tpu.memref_slice %arg2[%add3A_17] : memref<819200xi32, #tpu.memory_space<hbm>> -> memref<800xi32, #tpu.memory_space<hbm>>
      tpu.enqueue_dma source(%dma_start3A_132 : memref<800xi32, #tpu.memory_space<hbm>>) target(%dma_start3A_131 : memref<800xi32, #tpu.memory_space<vmem>>) target_semaphore(%run_scoped3A_124 : memref<!tpu.dma_semaphore, #tpu.memory_space<semaphore_mem>>)
      %dma_wait3A_133 = arith.constant 0 : i32
      %dma_wait3A_134 = tpu.memref_slice %arg6[%run_scoped3A_18, %dma_wait3A_133] : memref<2x800xi32, #tpu.memory_space<vmem>> -> memref<1x800xi32, #tpu.memory_space<vmem>>
      %dma_wait3A_135 = tpu.memref_squeeze %dma_wait3A_134 : memref<1x800xi32, #tpu.memory_space<vmem>> -> memref<800xi32, #tpu.memory_space<vmem>>
      %dma_wait3A_136 = tpu.memref_slice %arg2[%add3A_17] : memref<819200xi32, #tpu.memory_space<hbm>> -> memref<800xi32, #tpu.memory_space<hbm>>
      %dma_wait3A_137 = arith.constant 0 : i32
      %dma_wait3A_138 = tpu.memref_slice %arg6[%run_scoped3A_18, %dma_wait3A_137] : memref<2x800xi32, #tpu.memory_space<vmem>> -> memref<1x800xi32, #tpu.memory_space<vmem>>
      %dma_wait3A_139 = tpu.memref_squeeze %dma_wait3A_138 : memref<1x800xi32, #tpu.memory_space<vmem>> -> memref<800xi32, #tpu.memory_space<vmem>>
      %dma_wait3A_140 = tpu.memref_slice %arg2[%add3A_17] : memref<819200xi32, #tpu.memory_space<hbm>> -> memref<800xi32, #tpu.memory_space<hbm>>
      tpu.wait_dma2 semaphore(%run_scoped3A_124 : memref<!tpu.dma_semaphore, #tpu.memory_space<semaphore_mem>>) src(%dma_wait3A_140 : memref<800xi32, #tpu.memory_space<hbm>>) dst(%dma_wait3A_139 : memref<800xi32, #tpu.memory_space<vmem>>)
      tpu.yield
    }) : () -> ()
    %dma_start3A_19 = arith.constant 1 : i32
    %dma_start3A_20 = arith.constant 1 : i32
    %dma_start3A_21 = arith.constant 0 : i32
    %dma_start3A_22 = arith.constant 0 : i32
    %dma_start3A_23 = tpu.memref_slice %arg7[%dma_start3A_20, %dma_start3A_21, %dma_start3A_22] : memref<2x800x64xf32, #tpu.memory_space<vmem>> -> memref<1x800x64xf32, #tpu.memory_space<vmem>>
    %dma_start3A_24 = tpu.memref_squeeze %dma_start3A_23 : memref<1x800x64xf32, #tpu.memory_space<vmem>> -> memref<800x64xf32, #tpu.memory_space<vmem>>
    %dma_start3A_25 = arith.constant 0 : i32
    %dma_start3A_26 = tpu.memref_slice %arg6[%dma_start3A_19, %dma_start3A_25] : memref<2x800xi32, #tpu.memory_space<vmem>> -> memref<1x800xi32, #tpu.memory_space<vmem>>
    %dma_start3A_27 = tpu.memref_squeeze %dma_start3A_26 : memref<1x800xi32, #tpu.memory_space<vmem>> -> memref<800xi32, #tpu.memory_space<vmem>>
    %dma_start3A_28 = arith.constant 0 : i32
    %dma_start3A_29 = arith.constant 0 : i32
    %dma_start3A_30 = tpu.memref_slice %arg3[%dma_start3A_28, %dma_start3A_29] : memref<100000x64xf32, #tpu.memory_space<hbm>> -> memref<100000x64xf32, #tpu.memory_space<hbm>>
    tpu.enqueue_indirect_dma source(%dma_start3A_30 : memref<100000x64xf32, #tpu.memory_space<hbm>>) target(%dma_start3A_24 : memref<800x64xf32, #tpu.memory_space<vmem>>) offsets(%dma_start3A_27 : memref<800xi32, #tpu.memory_space<vmem>>) semaphore(%arg10 : memref<!tpu.dma_semaphore, #tpu.memory_space<semaphore_mem>>)
    %dma_wait3A = arith.constant 0 : i32
    %dma_wait3A_31 = arith.constant 0 : i32
    %dma_wait3A_32 = arith.constant 0 : i32
    %dma_wait3A_33 = arith.constant 0 : i32
    %dma_wait3A_34 = tpu.memref_slice %arg7[%dma_wait3A_31, %dma_wait3A_32, %dma_wait3A_33] : memref<2x800x64xf32, #tpu.memory_space<vmem>> -> memref<1x800x64xf32, #tpu.memory_space<vmem>>
    %dma_wait3A_35 = tpu.memref_squeeze %dma_wait3A_34 : memref<1x800x64xf32, #tpu.memory_space<vmem>> -> memref<800x64xf32, #tpu.memory_space<vmem>>
    %dma_wait3A_36 = arith.constant 0 : i32
    %dma_wait3A_37 = tpu.memref_slice %arg6[%dma_wait3A, %dma_wait3A_36] : memref<2x800xi32, #tpu.memory_space<vmem>> -> memref<1x800xi32, #tpu.memory_space<vmem>>
    %dma_wait3A_38 = tpu.memref_squeeze %dma_wait3A_37 : memref<1x800xi32, #tpu.memory_space<vmem>> -> memref<800xi32, #tpu.memory_space<vmem>>
    %dma_wait3A_39 = arith.constant 0 : i32
    %dma_wait3A_40 = arith.constant 0 : i32
    %dma_wait3A_41 = tpu.memref_slice %arg3[%dma_wait3A_39, %dma_wait3A_40] : memref<100000x64xf32, #tpu.memory_space<hbm>> -> memref<100000x64xf32, #tpu.memory_space<hbm>>
    tpu.wait_indirect_dma semaphore(%arg9 : memref<!tpu.dma_semaphore, #tpu.memory_space<semaphore_mem>>) src(%dma_wait3A_41 : memref<100000x64xf32, #tpu.memory_space<hbm>>) dst(%dma_wait3A_35 : memref<800x64xf32, #tpu.memory_space<vmem>>)
    %parallel_loop3A = arith.constant 0 : i32
    %parallel_loop3A_42 = arith.constant 200 : i32
    %parallel_loop3A_43 = arith.constant 1 : i32
    scf.for %parallel_loop3A_124 = %parallel_loop3A to %parallel_loop3A_42 step %parallel_loop3A_43  : i32 {
      %parallel_loop3A_125 = arith.index_cast %parallel_loop3A_124 : i32 to index
      %parallel_loop3A_126 = arith.constant 0 : index
      %parallel_loop3A_127 = tpu.vector_load %arg8[%parallel_loop3A_125, %parallel_loop3A_126] {strides = array<i32>} : memref<200x64xf32, #tpu.memory_space<vmem>>, vector<1x16xf32>,
      %parallel_loop3A_128 = vector.shape_cast %parallel_loop3A_127 : vector<1x16xf32> to vector<16xf32>
      %parallel_loop3A_129 = arith.constant 0 : i32
      %parallel_loop3A_130 = arith.addi %parallel_loop3A_129, %parallel_loop3A_124 : i32
      %parallel_loop3A_131 = arith.constant 0 : i32
      %parallel_loop3A_132 = arith.index_cast %parallel_loop3A_131 : i32 to index
      %parallel_loop3A_133 = arith.index_cast %parallel_loop3A_130 : i32 to index
      %parallel_loop3A_134 = arith.constant 0 : index
      %parallel_loop3A_135 = tpu.vector_load %arg7[%parallel_loop3A_132, %parallel_loop3A_133, %parallel_loop3A_134] {strides = array<i32>} : memref<2x800x64xf32, #tpu.memory_space<vmem>>, vector<1x1x16xf32>,
      %parallel_loop3A_136 = vector.shape_cast %parallel_loop3A_135 : vector<1x1x16xf32> to vector<16xf32>
      %parallel_loop3A_137 = vector.shape_cast %parallel_loop3A_128 : vector<16xf32> to vector<1x1x16xf32>
      tpu.vector_store %arg7[%parallel_loop3A_132, %parallel_loop3A_133, %parallel_loop3A_134], %parallel_loop3A_137 {add = true, strides = array<i32>} : memref<2x800x64xf32, #tpu.memory_space<vmem>>, vector<1x1x16xf32>,
      %parallel_loop3A_138 = arith.constant 200 : i32
      %parallel_loop3A_139 = arith.addi %parallel_loop3A_138, %parallel_loop3A_124 : i32
      %parallel_loop3A_140 = arith.constant 0 : i32
      %parallel_loop3A_141 = arith.index_cast %parallel_loop3A_140 : i32 to index
      %parallel_loop3A_142 = arith.index_cast %parallel_loop3A_139 : i32 to index
      %parallel_loop3A_143 = arith.constant 0 : index
      %parallel_loop3A_144 = tpu.vector_load %arg7[%parallel_loop3A_141, %parallel_loop3A_142, %parallel_loop3A_143] {strides = array<i32>} : memref<2x800x64xf32, #tpu.memory_space<vmem>>, vector<1x1x16xf32>,
      %parallel_loop3A_145 = vector.shape_cast %parallel_loop3A_144 : vector<1x1x16xf32> to vector<16xf32>
      %parallel_loop3A_146 = vector.shape_cast %parallel_loop3A_128 : vector<16xf32> to vector<1x1x16xf32>
      tpu.vector_store %arg7[%parallel_loop3A_141, %parallel_loop3A_142, %parallel_loop3A_143], %parallel_loop3A_146 {add = true, strides = array<i32>} : memref<2x800x64xf32, #tpu.memory_space<vmem>>, vector<1x1x16xf32>,
      %parallel_loop3A_147 = arith.constant 400 : i32
      %parallel_loop3A_148 = arith.addi %parallel_loop3A_147, %parallel_loop3A_124 : i32
      %parallel_loop3A_149 = arith.constant 0 : i32
      %parallel_loop3A_150 = arith.index_cast %parallel_loop3A_149 : i32 to index
      %parallel_loop3A_151 = arith.index_cast %parallel_loop3A_148 : i32 to index
      %parallel_loop3A_152 = arith.constant 0 : index
      %parallel_loop3A_153 = tpu.vector_load %arg7[%parallel_loop3A_150, %parallel_loop3A_151, %parallel_loop3A_152] {strides = array<i32>} : memref<2x800x64xf32, #tpu.memory_space<vmem>>, vector<1x1x16xf32>,
      %parallel_loop3A_154 = vector.shape_cast %parallel_loop3A_153 : vector<1x1x16xf32> to vector<16xf32>
      %parallel_loop3A_155 = vector.shape_cast %parallel_loop3A_128 : vector<16xf32> to vector<1x1x16xf32>
      tpu.vector_store %arg7[%parallel_loop3A_150, %parallel_loop3A_151, %parallel_loop3A_152], %parallel_loop3A_155 {add = true, strides = array<i32>} : memref<2x800x64xf32, #tpu.memory_space<vmem>>, vector<1x1x16xf32>,
      %parallel_loop3A_156 = arith.constant 600 : i32
      %parallel_loop3A_157 = arith.addi %parallel_loop3A_156, %parallel_loop3A_124 : i32
      %parallel_loop3A_158 = arith.constant 0 : i32
      %parallel_loop3A_159 = arith.index_cast %parallel_loop3A_158 : i32 to index
      %parallel_loop3A_160 = arith.index_cast %parallel_loop3A_157 : i32 to index
      %parallel_loop3A_161 = arith.constant 0 : index
      %parallel_loop3A_162 = tpu.vector_load %arg7[%parallel_loop3A_159, %parallel_loop3A_160, %parallel_loop3A_161] {strides = array<i32>} : memref<2x800x64xf32, #tpu.memory_space<vmem>>, vector<1x1x16xf32>,
      %parallel_loop3A_163 = vector.shape_cast %parallel_loop3A_162 : vector<1x1x16xf32> to vector<16xf32>
      %parallel_loop3A_164 = vector.shape_cast %parallel_loop3A_128 : vector<16xf32> to vector<1x1x16xf32>
      tpu.vector_store %arg7[%parallel_loop3A_159, %parallel_loop3A_160, %parallel_loop3A_161], %parallel_loop3A_164 {add = true, strides = array<i32>} : memref<2x800x64xf32, #tpu.memory_space<vmem>>, vector<1x1x16xf32>,
      %parallel_loop3A_165 = arith.index_cast %parallel_loop3A_124 : i32 to index
      %parallel_loop3A_166 = arith.constant 16 : index
      %parallel_loop3A_167 = tpu.vector_load %arg8[%parallel_loop3A_165, %parallel_loop3A_166] {strides = array<i32>} : memref<200x64xf32, #tpu.memory_space<vmem>>, vector<1x16xf32>,
      %parallel_loop3A_168 = vector.shape_cast %parallel_loop3A_167 : vector<1x16xf32> to vector<16xf32>
      %parallel_loop3A_169 = arith.constant 0 : i32
      %parallel_loop3A_170 = arith.addi %parallel_loop3A_169, %parallel_loop3A_124 : i32
      %parallel_loop3A_171 = arith.constant 0 : i32
      %parallel_loop3A_172 = arith.index_cast %parallel_loop3A_171 : i32 to index
      %parallel_loop3A_173 = arith.index_cast %parallel_loop3A_170 : i32 to index
      %parallel_loop3A_174 = arith.constant 16 : index
      %parallel_loop3A_175 = tpu.vector_load %arg7[%parallel_loop3A_172, %parallel_loop3A_173, %parallel_loop3A_174] {strides = array<i32>} : memref<2x800x64xf32, #tpu.memory_space<vmem>>, vector<1x1x16xf32>,
      %parallel_loop3A_176 = vector.shape_cast %parallel_loop3A_175 : vector<1x1x16xf32> to vector<16xf32>
      %parallel_loop3A_177 = vector.shape_cast %parallel_loop3A_168 : vector<16xf32> to vector<1x1x16xf32>
      tpu.vector_store %arg7[%parallel_loop3A_172, %parallel_loop3A_173, %parallel_loop3A_174], %parallel_loop3A_177 {add = true, strides = array<i32>} : memref<2x800x64xf32, #tpu.memory_space<vmem>>, vector<1x1x16xf32>,
      %parallel_loop3A_178 = arith.constant 200 : i32
      %parallel_loop3A_179 = arith.addi %parallel_loop3A_178, %parallel_loop3A_124 : i32
      %parallel_loop3A_180 = arith.constant 0 : i32
      %parallel_loop3A_181 = arith.index_cast %parallel_loop3A_180 : i32 to index
      %parallel_loop3A_182 = arith.index_cast %parallel_loop3A_179 : i32 to index
      %parallel_loop3A_183 = arith.constant 16 : index
      %parallel_loop3A_184 = tpu.vector_load %arg7[%parallel_loop3A_181, %parallel_loop3A_182, %parallel_loop3A_183] {strides = array<i32>} : memref<2x800x64xf32, #tpu.memory_space<vmem>>, vector<1x1x16xf32>,
      %parallel_loop3A_185 = vector.shape_cast %parallel_loop3A_184 : vector<1x1x16xf32> to vector<16xf32>
      %parallel_loop3A_186 = vector.shape_cast %parallel_loop3A_168 : vector<16xf32> to vector<1x1x16xf32>
      tpu.vector_store %arg7[%parallel_loop3A_181, %parallel_loop3A_182, %parallel_loop3A_183], %parallel_loop3A_186 {add = true, strides = array<i32>} : memref<2x800x64xf32, #tpu.memory_space<vmem>>, vector<1x1x16xf32>,
      %parallel_loop3A_187 = arith.constant 400 : i32
      %parallel_loop3A_188 = arith.addi %parallel_loop3A_187, %parallel_loop3A_124 : i32
      %parallel_loop3A_189 = arith.constant 0 : i32
      %parallel_loop3A_190 = arith.index_cast %parallel_loop3A_189 : i32 to index
      %parallel_loop3A_191 = arith.index_cast %parallel_loop3A_188 : i32 to index
      %parallel_loop3A_192 = arith.constant 16 : index
      %parallel_loop3A_193 = tpu.vector_load %arg7[%parallel_loop3A_190, %parallel_loop3A_191, %parallel_loop3A_192] {strides = array<i32>} : memref<2x800x64xf32, #tpu.memory_space<vmem>>, vector<1x1x16xf32>,
      %parallel_loop3A_194 = vector.shape_cast %parallel_loop3A_193 : vector<1x1x16xf32> to vector<16xf32>
      %parallel_loop3A_195 = vector.shape_cast %parallel_loop3A_168 : vector<16xf32> to vector<1x1x16xf32>
      tpu.vector_store %arg7[%parallel_loop3A_190, %parallel_loop3A_191, %parallel_loop3A_192], %parallel_loop3A_195 {add = true, strides = array<i32>} : memref<2x800x64xf32, #tpu.memory_space<vmem>>, vector<1x1x16xf32>,
      %parallel_loop3A_196 = arith.constant 600 : i32
      %parallel_loop3A_197 = arith.addi %parallel_loop3A_196, %parallel_loop3A_124 : i32
      %parallel_loop3A_198 = arith.constant 0 : i32
      %parallel_loop3A_199 = arith.index_cast %parallel_loop3A_198 : i32 to index
      %parallel_loop3A_200 = arith.index_cast %parallel_loop3A_197 : i32 to index
      %parallel_loop3A_201 = arith.constant 16 : index
      %parallel_loop3A_202 = tpu.vector_load %arg7[%parallel_loop3A_199, %parallel_loop3A_200, %parallel_loop3A_201] {strides = array<i32>} : memref<2x800x64xf32, #tpu.memory_space<vmem>>, vector<1x1x16xf32>,
      %parallel_loop3A_203 = vector.shape_cast %parallel_loop3A_202 : vector<1x1x16xf32> to vector<16xf32>
      %parallel_loop3A_204 = vector.shape_cast %parallel_loop3A_168 : vector<16xf32> to vector<1x1x16xf32>
      tpu.vector_store %arg7[%parallel_loop3A_199, %parallel_loop3A_200, %parallel_loop3A_201], %parallel_loop3A_204 {add = true, strides = array<i32>} : memref<2x800x64xf32, #tpu.memory_space<vmem>>, vector<1x1x16xf32>,
      %parallel_loop3A_205 = arith.index_cast %parallel_loop3A_124 : i32 to index
      %parallel_loop3A_206 = arith.constant 32 : index
      %parallel_loop3A_207 = tpu.vector_load %arg8[%parallel_loop3A_205, %parallel_loop3A_206] {strides = array<i32>} : memref<200x64xf32, #tpu.memory_space<vmem>>, vector<1x16xf32>,
      %parallel_loop3A_208 = vector.shape_cast %parallel_loop3A_207 : vector<1x16xf32> to vector<16xf32>
      %parallel_loop3A_209 = arith.constant 0 : i32
      %parallel_loop3A_210 = arith.addi %parallel_loop3A_209, %parallel_loop3A_124 : i32
      %parallel_loop3A_211 = arith.constant 0 : i32
      %parallel_loop3A_212 = arith.index_cast %parallel_loop3A_211 : i32 to index
      %parallel_loop3A_213 = arith.index_cast %parallel_loop3A_210 : i32 to index
      %parallel_loop3A_214 = arith.constant 32 : index
      %parallel_loop3A_215 = tpu.vector_load %arg7[%parallel_loop3A_212, %parallel_loop3A_213, %parallel_loop3A_214] {strides = array<i32>} : memref<2x800x64xf32, #tpu.memory_space<vmem>>, vector<1x1x16xf32>,
      %parallel_loop3A_216 = vector.shape_cast %parallel_loop3A_215 : vector<1x1x16xf32> to vector<16xf32>
      %parallel_loop3A_217 = vector.shape_cast %parallel_loop3A_208 : vector<16xf32> to vector<1x1x16xf32>
      tpu.vector_store %arg7[%parallel_loop3A_212, %parallel_loop3A_213, %parallel_loop3A_214], %parallel_loop3A_217 {add = true, strides = array<i32>} : memref<2x800x64xf32, #tpu.memory_space<vmem>>, vector<1x1x16xf32>,
      %parallel_loop3A_218 = arith.constant 200 : i32
      %parallel_loop3A_219 = arith.addi %parallel_loop3A_218, %parallel_loop3A_124 : i32
      %parallel_loop3A_220 = arith.constant 0 : i32
      %parallel_loop3A_221 = arith.index_cast %parallel_loop3A_220 : i32 to index
      %parallel_loop3A_222 = arith.index_cast %parallel_loop3A_219 : i32 to index
      %parallel_loop3A_223 = arith.constant 32 : index
      %parallel_loop3A_224 = tpu.vector_load %arg7[%parallel_loop3A_221, %parallel_loop3A_222, %parallel_loop3A_223] {strides = array<i32>} : memref<2x800x64xf32, #tpu.memory_space<vmem>>, vector<1x1x16xf32>,
      %parallel_loop3A_225 = vector.shape_cast %parallel_loop3A_224 : vector<1x1x16xf32> to vector<16xf32>
      %parallel_loop3A_226 = vector.shape_cast %parallel_loop3A_208 : vector<16xf32> to vector<1x1x16xf32>
      tpu.vector_store %arg7[%parallel_loop3A_221, %parallel_loop3A_222, %parallel_loop3A_223], %parallel_loop3A_226 {add = true, strides = array<i32>} : memref<2x800x64xf32, #tpu.memory_space<vmem>>, vector<1x1x16xf32>,
      %parallel_loop3A_227 = arith.constant 400 : i32
      %parallel_loop3A_228 = arith.addi %parallel_loop3A_227, %parallel_loop3A_124 : i32
      %parallel_loop3A_229 = arith.constant 0 : i32
      %parallel_loop3A_230 = arith.index_cast %parallel_loop3A_229 : i32 to index
      %parallel_loop3A_231 = arith.index_cast %parallel_loop3A_228 : i32 to index
      %parallel_loop3A_232 = arith.constant 32 : index
      %parallel_loop3A_233 = tpu.vector_load %arg7[%parallel_loop3A_230, %parallel_loop3A_231, %parallel_loop3A_232] {strides = array<i32>} : memref<2x800x64xf32, #tpu.memory_space<vmem>>, vector<1x1x16xf32>,
      %parallel_loop3A_234 = vector.shape_cast %parallel_loop3A_233 : vector<1x1x16xf32> to vector<16xf32>
      %parallel_loop3A_235 = vector.shape_cast %parallel_loop3A_208 : vector<16xf32> to vector<1x1x16xf32>
      tpu.vector_store %arg7[%parallel_loop3A_230, %parallel_loop3A_231, %parallel_loop3A_232], %parallel_loop3A_235 {add = true, strides = array<i32>} : memref<2x800x64xf32, #tpu.memory_space<vmem>>, vector<1x1x16xf32>,
      %parallel_loop3A_236 = arith.constant 600 : i32
      %parallel_loop3A_237 = arith.addi %parallel_loop3A_236, %parallel_loop3A_124 : i32
      %parallel_loop3A_238 = arith.constant 0 : i32
      %parallel_loop3A_239 = arith.index_cast %parallel_loop3A_238 : i32 to index
      %parallel_loop3A_240 = arith.index_cast %parallel_loop3A_237 : i32 to index
      %parallel_loop3A_241 = arith.constant 32 : index
      %parallel_loop3A_242 = tpu.vector_load %arg7[%parallel_loop3A_239, %parallel_loop3A_240, %parallel_loop3A_241] {strides = array<i32>} : memref<2x800x64xf32, #tpu.memory_space<vmem>>, vector<1x1x16xf32>,
      %parallel_loop3A_243 = vector.shape_cast %parallel_loop3A_242 : vector<1x1x16xf32> to vector<16xf32>
      %parallel_loop3A_244 = vector.shape_cast %parallel_loop3A_208 : vector<16xf32> to vector<1x1x16xf32>
      tpu.vector_store %arg7[%parallel_loop3A_239, %parallel_loop3A_240, %parallel_loop3A_241], %parallel_loop3A_244 {add = true, strides = array<i32>} : memref<2x800x64xf32, #tpu.memory_space<vmem>>, vector<1x1x16xf32>,
      %parallel_loop3A_245 = arith.index_cast %parallel_loop3A_124 : i32 to index
      %parallel_loop3A_246 = arith.constant 48 : index
      %parallel_loop3A_247 = tpu.vector_load %arg8[%parallel_loop3A_245, %parallel_loop3A_246] {strides = array<i32>} : memref<200x64xf32, #tpu.memory_space<vmem>>, vector<1x16xf32>,
      %parallel_loop3A_248 = vector.shape_cast %parallel_loop3A_247 : vector<1x16xf32> to vector<16xf32>
      %parallel_loop3A_249 = arith.constant 0 : i32
      %parallel_loop3A_250 = arith.addi %parallel_loop3A_249, %parallel_loop3A_124 : i32
      %parallel_loop3A_251 = arith.constant 0 : i32
      %parallel_loop3A_252 = arith.index_cast %parallel_loop3A_251 : i32 to index
      %parallel_loop3A_253 = arith.index_cast %parallel_loop3A_250 : i32 to index
      %parallel_loop3A_254 = arith.constant 48 : index
      %parallel_loop3A_255 = tpu.vector_load %arg7[%parallel_loop3A_252, %parallel_loop3A_253, %parallel_loop3A_254] {strides = array<i32>} : memref<2x800x64xf32, #tpu.memory_space<vmem>>, vector<1x1x16xf32>,
      %parallel_loop3A_256 = vector.shape_cast %parallel_loop3A_255 : vector<1x1x16xf32> to vector<16xf32>
      %parallel_loop3A_257 = vector.shape_cast %parallel_loop3A_248 : vector<16xf32> to vector<1x1x16xf32>
      tpu.vector_store %arg7[%parallel_loop3A_252, %parallel_loop3A_253, %parallel_loop3A_254], %parallel_loop3A_257 {add = true, strides = array<i32>} : memref<2x800x64xf32, #tpu.memory_space<vmem>>, vector<1x1x16xf32>,
      %parallel_loop3A_258 = arith.constant 200 : i32
      %parallel_loop3A_259 = arith.addi %parallel_loop3A_258, %parallel_loop3A_124 : i32
      %parallel_loop3A_260 = arith.constant 0 : i32
      %parallel_loop3A_261 = arith.index_cast %parallel_loop3A_260 : i32 to index
      %parallel_loop3A_262 = arith.index_cast %parallel_loop3A_259 : i32 to index
      %parallel_loop3A_263 = arith.constant 48 : index
      %parallel_loop3A_264 = tpu.vector_load %arg7[%parallel_loop3A_261, %parallel_loop3A_262, %parallel_loop3A_263] {strides = array<i32>} : memref<2x800x64xf32, #tpu.memory_space<vmem>>, vector<1x1x16xf32>,
      %parallel_loop3A_265 = vector.shape_cast %parallel_loop3A_264 : vector<1x1x16xf32> to vector<16xf32>
      %parallel_loop3A_266 = vector.shape_cast %parallel_loop3A_248 : vector<16xf32> to vector<1x1x16xf32>
      tpu.vector_store %arg7[%parallel_loop3A_261, %parallel_loop3A_262, %parallel_loop3A_263], %parallel_loop3A_266 {add = true, strides = array<i32>} : memref<2x800x64xf32, #tpu.memory_space<vmem>>, vector<1x1x16xf32>,
      %parallel_loop3A_267 = arith.constant 400 : i32
      %parallel_loop3A_268 = arith.addi %parallel_loop3A_267, %parallel_loop3A_124 : i32
      %parallel_loop3A_269 = arith.constant 0 : i32
      %parallel_loop3A_270 = arith.index_cast %parallel_loop3A_269 : i32 to index
      %parallel_loop3A_271 = arith.index_cast %parallel_loop3A_268 : i32 to index
      %parallel_loop3A_272 = arith.constant 48 : index
      %parallel_loop3A_273 = tpu.vector_load %arg7[%parallel_loop3A_270, %parallel_loop3A_271, %parallel_loop3A_272] {strides = array<i32>} : memref<2x800x64xf32, #tpu.memory_space<vmem>>, vector<1x1x16xf32>,
      %parallel_loop3A_274 = vector.shape_cast %parallel_loop3A_273 : vector<1x1x16xf32> to vector<16xf32>
      %parallel_loop3A_275 = vector.shape_cast %parallel_loop3A_248 : vector<16xf32> to vector<1x1x16xf32>
      tpu.vector_store %arg7[%parallel_loop3A_270, %parallel_loop3A_271, %parallel_loop3A_272], %parallel_loop3A_275 {add = true, strides = array<i32>} : memref<2x800x64xf32, #tpu.memory_space<vmem>>, vector<1x1x16xf32>,
      %parallel_loop3A_276 = arith.constant 600 : i32
      %parallel_loop3A_277 = arith.addi %parallel_loop3A_276, %parallel_loop3A_124 : i32
      %parallel_loop3A_278 = arith.constant 0 : i32
      %parallel_loop3A_279 = arith.index_cast %parallel_loop3A_278 : i32 to index
      %parallel_loop3A_280 = arith.index_cast %parallel_loop3A_277 : i32 to index
      %parallel_loop3A_281 = arith.constant 48 : index
      %parallel_loop3A_282 = tpu.vector_load %arg7[%parallel_loop3A_279, %parallel_loop3A_280, %parallel_loop3A_281] {strides = array<i32>} : memref<2x800x64xf32, #tpu.memory_space<vmem>>, vector<1x1x16xf32>,
      %parallel_loop3A_283 = vector.shape_cast %parallel_loop3A_282 : vector<1x1x16xf32> to vector<16xf32>
      %parallel_loop3A_284 = vector.shape_cast %parallel_loop3A_248 : vector<16xf32> to vector<1x1x16xf32>
      tpu.vector_store %arg7[%parallel_loop3A_279, %parallel_loop3A_280, %parallel_loop3A_281], %parallel_loop3A_284 {add = true, strides = array<i32>} : memref<2x800x64xf32, #tpu.memory_space<vmem>>, vector<1x1x16xf32>,
    } {sc.loop_unroll_factor = 8 : i64, sc.parallel_access}
    %add3A_44 = arith.constant 0 : i32
    %add3A_45 = arith.addi %mul3A_2, %add3A_44 : i32
    %dma_start3A_46 = arith.constant 0 : i32
    %dma_start3A_47 = arith.constant 0 : i32
    %dma_start3A_48 = arith.constant 0 : i32
    %dma_start3A_49 = tpu.memref_slice %arg7[%dma_start3A_46, %dma_start3A_47, %dma_start3A_48] : memref<2x800x64xf32, #tpu.memory_space<vmem>> -> memref<1x800x64xf32, #tpu.memory_space<vmem>>
    %dma_start3A_50 = tpu.memref_squeeze %dma_start3A_49 : memref<1x800x64xf32, #tpu.memory_space<vmem>> -> memref<800x64xf32, #tpu.memory_space<vmem>>
    %dma_start3A_51 = arith.constant 0 : i32
    %dma_start3A_52 = tpu.memref_slice %arg5[%add3A_45, %dma_start3A_51] : memref<819200x64xf32, #tpu.memory_space<hbm>> -> memref<800x64xf32, #tpu.memory_space<hbm>>
    %dma_start3A_53 = arith.constant 0 : i32
    %dma_start3A_54 = tpu.memref_slice %arg5[%add3A_45, %dma_start3A_53] : memref<819200x64xf32, #tpu.memory_space<hbm>> -> memref<800x64xf32, #tpu.memory_space<hbm>>
    %dma_start3A_55 = arith.constant 0 : i32
    %dma_start3A_56 = arith.constant 0 : i32
    %dma_start3A_57 = tpu.memref_slice %arg7[%dma_start3A_46, %dma_start3A_55, %dma_start3A_56] : memref<2x800x64xf32, #tpu.memory_space<vmem>> -> memref<1x800x64xf32, #tpu.memory_space<vmem>>
    %dma_start3A_58 = tpu.memref_squeeze %dma_start3A_57 : memref<1x800x64xf32, #tpu.memory_space<vmem>> -> memref<800x64xf32, #tpu.memory_space<vmem>>
    tpu.enqueue_dma source(%dma_start3A_58 : memref<800x64xf32, #tpu.memory_space<vmem>>) target(%dma_start3A_54 : memref<800x64xf32, #tpu.memory_space<hbm>>) target_semaphore(%arg11 : memref<!tpu.dma_semaphore, #tpu.memory_space<semaphore_mem>>)
    %scan3A = arith.constant 0 : i32
    %scan3A_59 = arith.constant 0 : i32
    %scan3A_60 = arith.constant 15 : i32
    %scan3A_61 = arith.addi %scan3A_59, %scan3A_60 : i32
    %scan3A_62 = arith.constant 1 : i32
    scf.for %scan3A_124 = %scan3A_59 to %scan3A_61 step %scan3A_62  : i32 {
      %mul3A_125 = arith.constant 2 : i32
      %mul3A_126 = arith.muli %scan3A_124, %mul3A_125 : i32
      %add3A_127 = arith.constant 1 : i32
      %add3A_128 = arith.addi %add3A_127, %mul3A_126 : i32
      %add3A_129 = arith.constant 0 : i32
      %add3A_130 = arith.addi %add3A_128, %add3A_129 : i32
      %sub3A = arith.constant 1 : i32
      %sub3A_131 = arith.subi %add3A_130, %sub3A : i32
      %mul3A_132 = arith.constant 800 : i32
      %mul3A_133 = arith.muli %sub3A_131, %mul3A_132 : i32
      %add3A_134 = arith.addi %mul3A_2, %mul3A_133 : i32
      %dma_wait3A_135 = arith.constant 0 : i32
      %dma_wait3A_136 = arith.constant 0 : i32
      %dma_wait3A_137 = arith.constant 0 : i32
      %dma_wait3A_138 = tpu.memref_slice %arg7[%dma_wait3A_135, %dma_wait3A_136, %dma_wait3A_137] : memref<2x800x64xf32, #tpu.memory_space<vmem>> -> memref<1x800x64xf32, #tpu.memory_space<vmem>>
      %dma_wait3A_139 = tpu.memref_squeeze %dma_wait3A_138 : memref<1x800x64xf32, #tpu.memory_space<vmem>> -> memref<800x64xf32, #tpu.memory_space<vmem>>
      %dma_wait3A_140 = arith.constant 0 : i32
      %dma_wait3A_141 = tpu.memref_slice %arg5[%add3A_134, %dma_wait3A_140] : memref<819200x64xf32, #tpu.memory_space<hbm>> -> memref<800x64xf32, #tpu.memory_space<hbm>>
      %dma_wait3A_142 = arith.constant 0 : i32
      %dma_wait3A_143 = tpu.memref_slice %arg5[%add3A_134, %dma_wait3A_142] : memref<819200x64xf32, #tpu.memory_space<hbm>> -> memref<800x64xf32, #tpu.memory_space<hbm>>
      %dma_wait3A_144 = arith.constant 0 : i32
      %dma_wait3A_145 = arith.constant 0 : i32
      %dma_wait3A_146 = tpu.memref_slice %arg7[%dma_wait3A_135, %dma_wait3A_144, %dma_wait3A_145] : memref<2x800x64xf32, #tpu.memory_space<vmem>> -> memref<1x800x64xf32, #tpu.memory_space<vmem>>
      %dma_wait3A_147 = tpu.memref_squeeze %dma_wait3A_146 : memref<1x800x64xf32, #tpu.memory_space<vmem>> -> memref<800x64xf32, #tpu.memory_space<vmem>>
      tpu.wait_dma2 semaphore(%arg11 : memref<!tpu.dma_semaphore, #tpu.memory_space<semaphore_mem>>) src(%dma_wait3A_147 : memref<800x64xf32, #tpu.memory_space<vmem>>) dst(%dma_wait3A_143 : memref<800x64xf32, #tpu.memory_space<hbm>>)
      %add3A_148 = arith.constant 1 : i32
      %add3A_149 = arith.addi %add3A_130, %add3A_148 : i32
      %mul3A_150 = arith.constant 800 : i32
      %mul3A_151 = arith.muli %add3A_149, %mul3A_150 : i32
      %add3A_152 = arith.addi %mul3A_2, %mul3A_151 : i32
      %run_scoped3A_153 = arith.constant 0 : i32
      "tpu.region"() ({
        %run_scoped3A_270 = tpu.sem_alloc : memref<!tpu.dma_semaphore, #tpu.memory_space<semaphore_mem>>
        %dma_start3A_271 = arith.constant 0 : i32
        %dma_start3A_272 = tpu.memref_slice %arg6[%run_scoped3A_153, %dma_start3A_271] : memref<2x800xi32, #tpu.memory_space<vmem>> -> memref<1x800xi32, #tpu.memory_space<vmem>>
        %dma_start3A_273 = tpu.memref_squeeze %dma_start3A_272 : memref<1x800xi32, #tpu.memory_space<vmem>> -> memref<800xi32, #tpu.memory_space<vmem>>
        %dma_start3A_274 = tpu.memref_slice %arg2[%add3A_152] : memref<819200xi32, #tpu.memory_space<hbm>> -> memref<800xi32, #tpu.memory_space<hbm>>
        %dma_start3A_275 = arith.constant 0 : i32
        %dma_start3A_276 = tpu.memref_slice %arg6[%run_scoped3A_153, %dma_start3A_275] : memref<2x800xi32, #tpu.memory_space<vmem>> -> memref<1x800xi32, #tpu.memory_space<vmem>>
        %dma_start3A_277 = tpu.memref_squeeze %dma_start3A_276 : memref<1x800xi32, #tpu.memory_space<vmem>> -> memref<800xi32, #tpu.memory_space<vmem>>
        %dma_start3A_278 = tpu.memref_slice %arg2[%add3A_152] : memref<819200xi32, #tpu.memory_space<hbm>> -> memref<800xi32, #tpu.memory_space<hbm>>
        tpu.enqueue_dma source(%dma_start3A_278 : memref<800xi32, #tpu.memory_space<hbm>>) target(%dma_start3A_277 : memref<800xi32, #tpu.memory_space<vmem>>) target_semaphore(%run_scoped3A_270 : memref<!tpu.dma_semaphore, #tpu.memory_space<semaphore_mem>>)
        %dma_wait3A_279 = arith.constant 0 : i32
        %dma_wait3A_280 = tpu.memref_slice %arg6[%run_scoped3A_153, %dma_wait3A_279] : memref<2x800xi32, #tpu.memory_space<vmem>> -> memref<1x800xi32, #tpu.memory_space<vmem>>
        %dma_wait3A_281 = tpu.memref_squeeze %dma_wait3A_280 : memref<1x800xi32, #tpu.memory_space<vmem>> -> memref<800xi32, #tpu.memory_space<vmem>>
        %dma_wait3A_282 = tpu.memref_slice %arg2[%add3A_152] : memref<819200xi32, #tpu.memory_space<hbm>> -> memref<800xi32, #tpu.memory_space<hbm>>
        %dma_wait3A_283 = arith.constant 0 : i32
        %dma_wait3A_284 = tpu.memref_slice %arg6[%run_scoped3A_153, %dma_wait3A_283] : memref<2x800xi32, #tpu.memory_space<vmem>> -> memref<1x800xi32, #tpu.memory_space<vmem>>
        %dma_wait3A_285 = tpu.memref_squeeze %dma_wait3A_284 : memref<1x800xi32, #tpu.memory_space<vmem>> -> memref<800xi32, #tpu.memory_space<vmem>>
        %dma_wait3A_286 = tpu.memref_slice %arg2[%add3A_152] : memref<819200xi32, #tpu.memory_space<hbm>> -> memref<800xi32, #tpu.memory_space<hbm>>
        tpu.wait_dma2 semaphore(%run_scoped3A_270 : memref<!tpu.dma_semaphore, #tpu.memory_space<semaphore_mem>>) src(%dma_wait3A_286 : memref<800xi32, #tpu.memory_space<hbm>>) dst(%dma_wait3A_285 : memref<800xi32, #tpu.memory_space<vmem>>)
        tpu.yield
      }) : () -> ()
      %dma_start3A_154 = arith.constant 0 : i32
      %dma_start3A_155 = arith.constant 0 : i32
      %dma_start3A_156 = arith.constant 0 : i32
      %dma_start3A_157 = arith.constant 0 : i32
      %dma_start3A_158 = tpu.memref_slice %arg7[%dma_start3A_155, %dma_start3A_156, %dma_start3A_157] : memref<2x800x64xf32, #tpu.memory_space<vmem>> -> memref<1x800x64xf32, #tpu.memory_space<vmem>>
      %dma_start3A_159 = tpu.memref_squeeze %dma_start3A_158 : memref<1x800x64xf32, #tpu.memory_space<vmem>> -> memref<800x64xf32, #tpu.memory_space<vmem>>
      %dma_start3A_160 = arith.constant 0 : i32
      %dma_start3A_161 = tpu.memref_slice %arg6[%dma_start3A_154, %dma_start3A_160] : memref<2x800xi32, #tpu.memory_space<vmem>> -> memref<1x800xi32, #tpu.memory_space<vmem>>
      %dma_start3A_162 = tpu.memref_squeeze %dma_start3A_161 : memref<1x800xi32, #tpu.memory_space<vmem>> -> memref<800xi32, #tpu.memory_space<vmem>>
      %dma_start3A_163 = arith.constant 0 : i32
      %dma_start3A_164 = arith.constant 0 : i32
      %dma_start3A_165 = tpu.memref_slice %arg3[%dma_start3A_163, %dma_start3A_164] : memref<100000x64xf32, #tpu.memory_space<hbm>> -> memref<100000x64xf32, #tpu.memory_space<hbm>>
      tpu.enqueue_indirect_dma source(%dma_start3A_165 : memref<100000x64xf32, #tpu.memory_space<hbm>>) target(%dma_start3A_159 : memref<800x64xf32, #tpu.memory_space<vmem>>) offsets(%dma_start3A_162 : memref<800xi32, #tpu.memory_space<vmem>>) semaphore(%arg9 : memref<!tpu.dma_semaphore, #tpu.memory_space<semaphore_mem>>)
      %dma_wait3A_166 = arith.constant 1 : i32
      %dma_wait3A_167 = arith.constant 1 : i32
      %dma_wait3A_168 = arith.constant 0 : i32
      %dma_wait3A_169 = arith.constant 0 : i32
      %dma_wait3A_170 = tpu.memref_slice %arg7[%dma_wait3A_167, %dma_wait3A_168, %dma_wait3A_169] : memref<2x800x64xf32, #tpu.memory_space<vmem>> -> memref<1x800x64xf32, #tpu.memory_space<vmem>>
      %dma_wait3A_171 = tpu.memref_squeeze %dma_wait3A_170 : memref<1x800x64xf32, #tpu.memory_space<vmem>> -> memref<800x64xf32, #tpu.memory_space<vmem>>
      %dma_wait3A_172 = arith.constant 0 : i32
      %dma_wait3A_173 = tpu.memref_slice %arg6[%dma_wait3A_166, %dma_wait3A_172] : memref<2x800xi32, #tpu.memory_space<vmem>> -> memref<1x800xi32, #tpu.memory_space<vmem>>
      %dma_wait3A_174 = tpu.memref_squeeze %dma_wait3A_173 : memref<1x800xi32, #tpu.memory_space<vmem>> -> memref<800xi32, #tpu.memory_space<vmem>>
      %dma_wait3A_175 = arith.constant 0 : i32
      %dma_wait3A_176 = arith.constant 0 : i32
      %dma_wait3A_177 = tpu.memref_slice %arg3[%dma_wait3A_175, %dma_wait3A_176] : memref<100000x64xf32, #tpu.memory_space<hbm>> -> memref<100000x64xf32, #tpu.memory_space<hbm>>
      tpu.wait_indirect_dma semaphore(%arg10 : memref<!tpu.dma_semaphore, #tpu.memory_space<semaphore_mem>>) src(%dma_wait3A_177 : memref<100000x64xf32, #tpu.memory_space<hbm>>) dst(%dma_wait3A_171 : memref<800x64xf32, #tpu.memory_space<vmem>>)
      %parallel_loop3A_178 = arith.constant 0 : i32
      %parallel_loop3A_179 = arith.constant 200 : i32
      %parallel_loop3A_180 = arith.constant 1 : i32
      scf.for %parallel_loop3A_270 = %parallel_loop3A_178 to %parallel_loop3A_179 step %parallel_loop3A_180  : i32 {
        %parallel_loop3A_271 = arith.index_cast %parallel_loop3A_270 : i32 to index
        %parallel_loop3A_272 = arith.constant 0 : index
        %parallel_loop3A_273 = tpu.vector_load %arg8[%parallel_loop3A_271, %parallel_loop3A_272] {strides = array<i32>} : memref<200x64xf32, #tpu.memory_space<vmem>>, vector<1x16xf32>,
        %parallel_loop3A_274 = vector.shape_cast %parallel_loop3A_273 : vector<1x16xf32> to vector<16xf32>
        %parallel_loop3A_275 = arith.constant 0 : i32
        %parallel_loop3A_276 = arith.addi %parallel_loop3A_275, %parallel_loop3A_270 : i32
        %parallel_loop3A_277 = arith.constant 1 : i32
        %parallel_loop3A_278 = arith.index_cast %parallel_loop3A_277 : i32 to index
        %parallel_loop3A_279 = arith.index_cast %parallel_loop3A_276 : i32 to index
        %parallel_loop3A_280 = arith.constant 0 : index
        %parallel_loop3A_281 = tpu.vector_load %arg7[%parallel_loop3A_278, %parallel_loop3A_279, %parallel_loop3A_280] {strides = array<i32>} : memref<2x800x64xf32, #tpu.memory_space<vmem>>, vector<1x1x16xf32>,
        %parallel_loop3A_282 = vector.shape_cast %parallel_loop3A_281 : vector<1x1x16xf32> to vector<16xf32>
        %parallel_loop3A_283 = vector.shape_cast %parallel_loop3A_274 : vector<16xf32> to vector<1x1x16xf32>
        tpu.vector_store %arg7[%parallel_loop3A_278, %parallel_loop3A_279, %parallel_loop3A_280], %parallel_loop3A_283 {add = true, strides = array<i32>} : memref<2x800x64xf32, #tpu.memory_space<vmem>>, vector<1x1x16xf32>,
        %parallel_loop3A_284 = arith.constant 200 : i32
        %parallel_loop3A_285 = arith.addi %parallel_loop3A_284, %parallel_loop3A_270 : i32
        %parallel_loop3A_286 = arith.constant 1 : i32
        %parallel_loop3A_287 = arith.index_cast %parallel_loop3A_286 : i32 to index
        %parallel_loop3A_288 = arith.index_cast %parallel_loop3A_285 : i32 to index
        %parallel_loop3A_289 = arith.constant 0 : index
        %parallel_loop3A_290 = tpu.vector_load %arg7[%parallel_loop3A_287, %parallel_loop3A_288, %parallel_loop3A_289] {strides = array<i32>} : memref<2x800x64xf32, #tpu.memory_space<vmem>>, vector<1x1x16xf32>,
        %parallel_loop3A_291 = vector.shape_cast %parallel_loop3A_290 : vector<1x1x16xf32> to vector<16xf32>
        %parallel_loop3A_292 = vector.shape_cast %parallel_loop3A_274 : vector<16xf32> to vector<1x1x16xf32>
        tpu.vector_store %arg7[%parallel_loop3A_287, %parallel_loop3A_288, %parallel_loop3A_289], %parallel_loop3A_292 {add = true, strides = array<i32>} : memref<2x800x64xf32, #tpu.memory_space<vmem>>, vector<1x1x16xf32>,
        %parallel_loop3A_293 = arith.constant 400 : i32
        %parallel_loop3A_294 = arith.addi %parallel_loop3A_293, %parallel_loop3A_270 : i32
        %parallel_loop3A_295 = arith.constant 1 : i32
        %parallel_loop3A_296 = arith.index_cast %parallel_loop3A_295 : i32 to index
        %parallel_loop3A_297 = arith.index_cast %parallel_loop3A_294 : i32 to index
        %parallel_loop3A_298 = arith.constant 0 : index
        %parallel_loop3A_299 = tpu.vector_load %arg7[%parallel_loop3A_296, %parallel_loop3A_297, %parallel_loop3A_298] {strides = array<i32>} : memref<2x800x64xf32, #tpu.memory_space<vmem>>, vector<1x1x16xf32>,
        %parallel_loop3A_300 = vector.shape_cast %parallel_loop3A_299 : vector<1x1x16xf32> to vector<16xf32>
        %parallel_loop3A_301 = vector.shape_cast %parallel_loop3A_274 : vector<16xf32> to vector<1x1x16xf32>
        tpu.vector_store %arg7[%parallel_loop3A_296, %parallel_loop3A_297, %parallel_loop3A_298], %parallel_loop3A_301 {add = true, strides = array<i32>} : memref<2x800x64xf32, #tpu.memory_space<vmem>>, vector<1x1x16xf32>,
        %parallel_loop3A_302 = arith.constant 600 : i32
        %parallel_loop3A_303 = arith.addi %parallel_loop3A_302, %parallel_loop3A_270 : i32
        %parallel_loop3A_304 = arith.constant 1 : i32
        %parallel_loop3A_305 = arith.index_cast %parallel_loop3A_304 : i32 to index
        %parallel_loop3A_306 = arith.index_cast %parallel_loop3A_303 : i32 to index
        %parallel_loop3A_307 = arith.constant 0 : index
        %parallel_loop3A_308 = tpu.vector_load %arg7[%parallel_loop3A_305, %parallel_loop3A_306, %parallel_loop3A_307] {strides = array<i32>} : memref<2x800x64xf32, #tpu.memory_space<vmem>>, vector<1x1x16xf32>,
        %parallel_loop3A_309 = vector.shape_cast %parallel_loop3A_308 : vector<1x1x16xf32> to vector<16xf32>
        %parallel_loop3A_310 = vector.shape_cast %parallel_loop3A_274 : vector<16xf32> to vector<1x1x16xf32>
        tpu.vector_store %arg7[%parallel_loop3A_305, %parallel_loop3A_306, %parallel_loop3A_307], %parallel_loop3A_310 {add = true, strides = array<i32>} : memref<2x800x64xf32, #tpu.memory_space<vmem>>, vector<1x1x16xf32>,
        %parallel_loop3A_311 = arith.index_cast %parallel_loop3A_270 : i32 to index
        %parallel_loop3A_312 = arith.constant 16 : index
        %parallel_loop3A_313 = tpu.vector_load %arg8[%parallel_loop3A_311, %parallel_loop3A_312] {strides = array<i32>} : memref<200x64xf32, #tpu.memory_space<vmem>>, vector<1x16xf32>,
        %parallel_loop3A_314 = vector.shape_cast %parallel_loop3A_313 : vector<1x16xf32> to vector<16xf32>
        %parallel_loop3A_315 = arith.constant 0 : i32
        %parallel_loop3A_316 = arith.addi %parallel_loop3A_315, %parallel_loop3A_270 : i32
        %parallel_loop3A_317 = arith.constant 1 : i32
        %parallel_loop3A_318 = arith.index_cast %parallel_loop3A_317 : i32 to index
        %parallel_loop3A_319 = arith.index_cast %parallel_loop3A_316 : i32 to index
        %parallel_loop3A_320 = arith.constant 16 : index
        %parallel_loop3A_321 = tpu.vector_load %arg7[%parallel_loop3A_318, %parallel_loop3A_319, %parallel_loop3A_320] {strides = array<i32>} : memref<2x800x64xf32, #tpu.memory_space<vmem>>, vector<1x1x16xf32>,
        %parallel_loop3A_322 = vector.shape_cast %parallel_loop3A_321 : vector<1x1x16xf32> to vector<16xf32>
        %parallel_loop3A_323 = vector.shape_cast %parallel_loop3A_314 : vector<16xf32> to vector<1x1x16xf32>
        tpu.vector_store %arg7[%parallel_loop3A_318, %parallel_loop3A_319, %parallel_loop3A_320], %parallel_loop3A_323 {add = true, strides = array<i32>} : memref<2x800x64xf32, #tpu.memory_space<vmem>>, vector<1x1x16xf32>,
        %parallel_loop3A_324 = arith.constant 200 : i32
        %parallel_loop3A_325 = arith.addi %parallel_loop3A_324, %parallel_loop3A_270 : i32
        %parallel_loop3A_326 = arith.constant 1 : i32
        %parallel_loop3A_327 = arith.index_cast %parallel_loop3A_326 : i32 to index
        %parallel_loop3A_328 = arith.index_cast %parallel_loop3A_325 : i32 to index
        %parallel_loop3A_329 = arith.constant 16 : index
        %parallel_loop3A_330 = tpu.vector_load %arg7[%parallel_loop3A_327, %parallel_loop3A_328, %parallel_loop3A_329] {strides = array<i32>} : memref<2x800x64xf32, #tpu.memory_space<vmem>>, vector<1x1x16xf32>,
        %parallel_loop3A_331 = vector.shape_cast %parallel_loop3A_330 : vector<1x1x16xf32> to vector<16xf32>
        %parallel_loop3A_332 = vector.shape_cast %parallel_loop3A_314 : vector<16xf32> to vector<1x1x16xf32>
        tpu.vector_store %arg7[%parallel_loop3A_327, %parallel_loop3A_328, %parallel_loop3A_329], %parallel_loop3A_332 {add = true, strides = array<i32>} : memref<2x800x64xf32, #tpu.memory_space<vmem>>, vector<1x1x16xf32>,
        %parallel_loop3A_333 = arith.constant 400 : i32
        %parallel_loop3A_334 = arith.addi %parallel_loop3A_333, %parallel_loop3A_270 : i32
        %parallel_loop3A_335 = arith.constant 1 : i32
        %parallel_loop3A_336 = arith.index_cast %parallel_loop3A_335 : i32 to index
        %parallel_loop3A_337 = arith.index_cast %parallel_loop3A_334 : i32 to index
        %parallel_loop3A_338 = arith.constant 16 : index
        %parallel_loop3A_339 = tpu.vector_load %arg7[%parallel_loop3A_336, %parallel_loop3A_337, %parallel_loop3A_338] {strides = array<i32>} : memref<2x800x64xf32, #tpu.memory_space<vmem>>, vector<1x1x16xf32>,
        %parallel_loop3A_340 = vector.shape_cast %parallel_loop3A_339 : vector<1x1x16xf32> to vector<16xf32>
        %parallel_loop3A_341 = vector.shape_cast %parallel_loop3A_314 : vector<16xf32> to vector<1x1x16xf32>
        tpu.vector_store %arg7[%parallel_loop3A_336, %parallel_loop3A_337, %parallel_loop3A_338], %parallel_loop3A_341 {add = true, strides = array<i32>} : memref<2x800x64xf32, #tpu.memory_space<vmem>>, vector<1x1x16xf32>,
        %parallel_loop3A_342 = arith.constant 600 : i32
        %parallel_loop3A_343 = arith.addi %parallel_loop3A_342, %parallel_loop3A_270 : i32
        %parallel_loop3A_344 = arith.constant 1 : i32
        %parallel_loop3A_345 = arith.index_cast %parallel_loop3A_344 : i32 to index
        %parallel_loop3A_346 = arith.index_cast %parallel_loop3A_343 : i32 to index
        %parallel_loop3A_347 = arith.constant 16 : index
        %parallel_loop3A_348 = tpu.vector_load %arg7[%parallel_loop3A_345, %parallel_loop3A_346, %parallel_loop3A_347] {strides = array<i32>} : memref<2x800x64xf32, #tpu.memory_space<vmem>>, vector<1x1x16xf32>,
        %parallel_loop3A_349 = vector.shape_cast %parallel_loop3A_348 : vector<1x1x16xf32> to vector<16xf32>
        %parallel_loop3A_350 = vector.shape_cast %parallel_loop3A_314 : vector<16xf32> to vector<1x1x16xf32>
        tpu.vector_store %arg7[%parallel_loop3A_345, %parallel_loop3A_346, %parallel_loop3A_347], %parallel_loop3A_350 {add = true, strides = array<i32>} : memref<2x800x64xf32, #tpu.memory_space<vmem>>, vector<1x1x16xf32>,
        %parallel_loop3A_351 = arith.index_cast %parallel_loop3A_270 : i32 to index
        %parallel_loop3A_352 = arith.constant 32 : index
        %parallel_loop3A_353 = tpu.vector_load %arg8[%parallel_loop3A_351, %parallel_loop3A_352] {strides = array<i32>} : memref<200x64xf32, #tpu.memory_space<vmem>>, vector<1x16xf32>,
        %parallel_loop3A_354 = vector.shape_cast %parallel_loop3A_353 : vector<1x16xf32> to vector<16xf32>
        %parallel_loop3A_355 = arith.constant 0 : i32
        %parallel_loop3A_356 = arith.addi %parallel_loop3A_355, %parallel_loop3A_270 : i32
        %parallel_loop3A_357 = arith.constant 1 : i32
        %parallel_loop3A_358 = arith.index_cast %parallel_loop3A_357 : i32 to index
        %parallel_loop3A_359 = arith.index_cast %parallel_loop3A_356 : i32 to index
        %parallel_loop3A_360 = arith.constant 32 : index
        %parallel_loop3A_361 = tpu.vector_load %arg7[%parallel_loop3A_358, %parallel_loop3A_359, %parallel_loop3A_360] {strides = array<i32>} : memref<2x800x64xf32, #tpu.memory_space<vmem>>, vector<1x1x16xf32>,
        %parallel_loop3A_362 = vector.shape_cast %parallel_loop3A_361 : vector<1x1x16xf32> to vector<16xf32>
        %parallel_loop3A_363 = vector.shape_cast %parallel_loop3A_354 : vector<16xf32> to vector<1x1x16xf32>
        tpu.vector_store %arg7[%parallel_loop3A_358, %parallel_loop3A_359, %parallel_loop3A_360], %parallel_loop3A_363 {add = true, strides = array<i32>} : memref<2x800x64xf32, #tpu.memory_space<vmem>>, vector<1x1x16xf32>,
        %parallel_loop3A_364 = arith.constant 200 : i32
        %parallel_loop3A_365 = arith.addi %parallel_loop3A_364, %parallel_loop3A_270 : i32
        %parallel_loop3A_366 = arith.constant 1 : i32
        %parallel_loop3A_367 = arith.index_cast %parallel_loop3A_366 : i32 to index
        %parallel_loop3A_368 = arith.index_cast %parallel_loop3A_365 : i32 to index
        %parallel_loop3A_369 = arith.constant 32 : index
        %parallel_loop3A_370 = tpu.vector_load %arg7[%parallel_loop3A_367, %parallel_loop3A_368, %parallel_loop3A_369] {strides = array<i32>} : memref<2x800x64xf32, #tpu.memory_space<vmem>>, vector<1x1x16xf32>,
        %parallel_loop3A_371 = vector.shape_cast %parallel_loop3A_370 : vector<1x1x16xf32> to vector<16xf32>
        %parallel_loop3A_372 = vector.shape_cast %parallel_loop3A_354 : vector<16xf32> to vector<1x1x16xf32>
        tpu.vector_store %arg7[%parallel_loop3A_367, %parallel_loop3A_368, %parallel_loop3A_369], %parallel_loop3A_372 {add = true, strides = array<i32>} : memref<2x800x64xf32, #tpu.memory_space<vmem>>, vector<1x1x16xf32>,
        %parallel_loop3A_373 = arith.constant 400 : i32
        %parallel_loop3A_374 = arith.addi %parallel_loop3A_373, %parallel_loop3A_270 : i32
        %parallel_loop3A_375 = arith.constant 1 : i32
        %parallel_loop3A_376 = arith.index_cast %parallel_loop3A_375 : i32 to index
        %parallel_loop3A_377 = arith.index_cast %parallel_loop3A_374 : i32 to index
        %parallel_loop3A_378 = arith.constant 32 : index
        %parallel_loop3A_379 = tpu.vector_load %arg7[%parallel_loop3A_376, %parallel_loop3A_377, %parallel_loop3A_378] {strides = array<i32>} : memref<2x800x64xf32, #tpu.memory_space<vmem>>, vector<1x1x16xf32>,
        %parallel_loop3A_380 = vector.shape_cast %parallel_loop3A_379 : vector<1x1x16xf32> to vector<16xf32>
        %parallel_loop3A_381 = vector.shape_cast %parallel_loop3A_354 : vector<16xf32> to vector<1x1x16xf32>
        tpu.vector_store %arg7[%parallel_loop3A_376, %parallel_loop3A_377, %parallel_loop3A_378], %parallel_loop3A_381 {add = true, strides = array<i32>} : memref<2x800x64xf32, #tpu.memory_space<vmem>>, vector<1x1x16xf32>,
        %parallel_loop3A_382 = arith.constant 600 : i32
        %parallel_loop3A_383 = arith.addi %parallel_loop3A_382, %parallel_loop3A_270 : i32
        %parallel_loop3A_384 = arith.constant 1 : i32
        %parallel_loop3A_385 = arith.index_cast %parallel_loop3A_384 : i32 to index
        %parallel_loop3A_386 = arith.index_cast %parallel_loop3A_383 : i32 to index
        %parallel_loop3A_387 = arith.constant 32 : index
        %parallel_loop3A_388 = tpu.vector_load %arg7[%parallel_loop3A_385, %parallel_loop3A_386, %parallel_loop3A_387] {strides = array<i32>} : memref<2x800x64xf32, #tpu.memory_space<vmem>>, vector<1x1x16xf32>,
        %parallel_loop3A_389 = vector.shape_cast %parallel_loop3A_388 : vector<1x1x16xf32> to vector<16xf32>
        %parallel_loop3A_390 = vector.shape_cast %parallel_loop3A_354 : vector<16xf32> to vector<1x1x16xf32>
        tpu.vector_store %arg7[%parallel_loop3A_385, %parallel_loop3A_386, %parallel_loop3A_387], %parallel_loop3A_390 {add = true, strides = array<i32>} : memref<2x800x64xf32, #tpu.memory_space<vmem>>, vector<1x1x16xf32>,
        %parallel_loop3A_391 = arith.index_cast %parallel_loop3A_270 : i32 to index
        %parallel_loop3A_392 = arith.constant 48 : index
        %parallel_loop3A_393 = tpu.vector_load %arg8[%parallel_loop3A_391, %parallel_loop3A_392] {strides = array<i32>} : memref<200x64xf32, #tpu.memory_space<vmem>>, vector<1x16xf32>,
        %parallel_loop3A_394 = vector.shape_cast %parallel_loop3A_393 : vector<1x16xf32> to vector<16xf32>
        %parallel_loop3A_395 = arith.constant 0 : i32
        %parallel_loop3A_396 = arith.addi %parallel_loop3A_395, %parallel_loop3A_270 : i32
        %parallel_loop3A_397 = arith.constant 1 : i32
        %parallel_loop3A_398 = arith.index_cast %parallel_loop3A_397 : i32 to index
        %parallel_loop3A_399 = arith.index_cast %parallel_loop3A_396 : i32 to index
        %parallel_loop3A_400 = arith.constant 48 : index
        %parallel_loop3A_401 = tpu.vector_load %arg7[%parallel_loop3A_398, %parallel_loop3A_399, %parallel_loop3A_400] {strides = array<i32>} : memref<2x800x64xf32, #tpu.memory_space<vmem>>, vector<1x1x16xf32>,
        %parallel_loop3A_402 = vector.shape_cast %parallel_loop3A_401 : vector<1x1x16xf32> to vector<16xf32>
        %parallel_loop3A_403 = vector.shape_cast %parallel_loop3A_394 : vector<16xf32> to vector<1x1x16xf32>
        tpu.vector_store %arg7[%parallel_loop3A_398, %parallel_loop3A_399, %parallel_loop3A_400], %parallel_loop3A_403 {add = true, strides = array<i32>} : memref<2x800x64xf32, #tpu.memory_space<vmem>>, vector<1x1x16xf32>,
        %parallel_loop3A_404 = arith.constant 200 : i32
        %parallel_loop3A_405 = arith.addi %parallel_loop3A_404, %parallel_loop3A_270 : i32
        %parallel_loop3A_406 = arith.constant 1 : i32
        %parallel_loop3A_407 = arith.index_cast %parallel_loop3A_406 : i32 to index
        %parallel_loop3A_408 = arith.index_cast %parallel_loop3A_405 : i32 to index
        %parallel_loop3A_409 = arith.constant 48 : index
        %parallel_loop3A_410 = tpu.vector_load %arg7[%parallel_loop3A_407, %parallel_loop3A_408, %parallel_loop3A_409] {strides = array<i32>} : memref<2x800x64xf32, #tpu.memory_space<vmem>>, vector<1x1x16xf32>,
        %parallel_loop3A_411 = vector.shape_cast %parallel_loop3A_410 : vector<1x1x16xf32> to vector<16xf32>
        %parallel_loop3A_412 = vector.shape_cast %parallel_loop3A_394 : vector<16xf32> to vector<1x1x16xf32>
        tpu.vector_store %arg7[%parallel_loop3A_407, %parallel_loop3A_408, %parallel_loop3A_409], %parallel_loop3A_412 {add = true, strides = array<i32>} : memref<2x800x64xf32, #tpu.memory_space<vmem>>, vector<1x1x16xf32>,
        %parallel_loop3A_413 = arith.constant 400 : i32
        %parallel_loop3A_414 = arith.addi %parallel_loop3A_413, %parallel_loop3A_270 : i32
        %parallel_loop3A_415 = arith.constant 1 : i32
        %parallel_loop3A_416 = arith.index_cast %parallel_loop3A_415 : i32 to index
        %parallel_loop3A_417 = arith.index_cast %parallel_loop3A_414 : i32 to index
        %parallel_loop3A_418 = arith.constant 48 : index
        %parallel_loop3A_419 = tpu.vector_load %arg7[%parallel_loop3A_416, %parallel_loop3A_417, %parallel_loop3A_418] {strides = array<i32>} : memref<2x800x64xf32, #tpu.memory_space<vmem>>, vector<1x1x16xf32>,
        %parallel_loop3A_420 = vector.shape_cast %parallel_loop3A_419 : vector<1x1x16xf32> to vector<16xf32>
        %parallel_loop3A_421 = vector.shape_cast %parallel_loop3A_394 : vector<16xf32> to vector<1x1x16xf32>
        tpu.vector_store %arg7[%parallel_loop3A_416, %parallel_loop3A_417, %parallel_loop3A_418], %parallel_loop3A_421 {add = true, strides = array<i32>} : memref<2x800x64xf32, #tpu.memory_space<vmem>>, vector<1x1x16xf32>,
        %parallel_loop3A_422 = arith.constant 600 : i32
        %parallel_loop3A_423 = arith.addi %parallel_loop3A_422, %parallel_loop3A_270 : i32
        %parallel_loop3A_424 = arith.constant 1 : i32
        %parallel_loop3A_425 = arith.index_cast %parallel_loop3A_424 : i32 to index
        %parallel_loop3A_426 = arith.index_cast %parallel_loop3A_423 : i32 to index
        %parallel_loop3A_427 = arith.constant 48 : index
        %parallel_loop3A_428 = tpu.vector_load %arg7[%parallel_loop3A_425, %parallel_loop3A_426, %parallel_loop3A_427] {strides = array<i32>} : memref<2x800x64xf32, #tpu.memory_space<vmem>>, vector<1x1x16xf32>,
        %parallel_loop3A_429 = vector.shape_cast %parallel_loop3A_428 : vector<1x1x16xf32> to vector<16xf32>
        %parallel_loop3A_430 = vector.shape_cast %parallel_loop3A_394 : vector<16xf32> to vector<1x1x16xf32>
        tpu.vector_store %arg7[%parallel_loop3A_425, %parallel_loop3A_426, %parallel_loop3A_427], %parallel_loop3A_430 {add = true, strides = array<i32>} : memref<2x800x64xf32, #tpu.memory_space<vmem>>, vector<1x1x16xf32>,
      } {sc.loop_unroll_factor = 8 : i64, sc.parallel_access}
      %mul3A_181 = arith.constant 800 : i32
      %mul3A_182 = arith.muli %add3A_130, %mul3A_181 : i32
      %add3A_183 = arith.addi %mul3A_2, %mul3A_182 : i32
      %dma_start3A_184 = arith.constant 1 : i32
      %dma_start3A_185 = arith.constant 0 : i32
      %dma_start3A_186 = arith.constant 0 : i32
      %dma_start3A_187 = tpu.memref_slice %arg7[%dma_start3A_184, %dma_start3A_185, %dma_start3A_186] : memref<2x800x64xf32, #tpu.memory_space<vmem>> -> memref<1x800x64xf32, #tpu.memory_space<vmem>>
      %dma_start3A_188 = tpu.memref_squeeze %dma_start3A_187 : memref<1x800x64xf32, #tpu.memory_space<vmem>> -> memref<800x64xf32, #tpu.memory_space<vmem>>
      %dma_start3A_189 = arith.constant 0 : i32
      %dma_start3A_190 = tpu.memref_slice %arg5[%add3A_183, %dma_start3A_189] : memref<819200x64xf32, #tpu.memory_space<hbm>> -> memref<800x64xf32, #tpu.memory_space<hbm>>
      %dma_start3A_191 = arith.constant 0 : i32
      %dma_start3A_192 = tpu.memref_slice %arg5[%add3A_183, %dma_start3A_191] : memref<819200x64xf32, #tpu.memory_space<hbm>> -> memref<800x64xf32, #tpu.memory_space<hbm>>
      %dma_start3A_193 = arith.constant 0 : i32
      %dma_start3A_194 = arith.constant 0 : i32
      %dma_start3A_195 = tpu.memref_slice %arg7[%dma_start3A_184, %dma_start3A_193, %dma_start3A_194] : memref<2x800x64xf32, #tpu.memory_space<vmem>> -> memref<1x800x64xf32, #tpu.memory_space<vmem>>
      %dma_start3A_196 = tpu.memref_squeeze %dma_start3A_195 : memref<1x800x64xf32, #tpu.memory_space<vmem>> -> memref<800x64xf32, #tpu.memory_space<vmem>>
      tpu.enqueue_dma source(%dma_start3A_196 : memref<800x64xf32, #tpu.memory_space<vmem>>) target(%dma_start3A_192 : memref<800x64xf32, #tpu.memory_space<hbm>>) target_semaphore(%arg12 : memref<!tpu.dma_semaphore, #tpu.memory_space<semaphore_mem>>)
      %mul3A_197 = arith.constant 2 : i32
      %mul3A_198 = arith.muli %scan3A_124, %mul3A_197 : i32
      %add3A_199 = arith.constant 1 : i32
      %add3A_200 = arith.addi %add3A_199, %mul3A_198 : i32
      %add3A_201 = arith.constant 1 : i32
      %add3A_202 = arith.addi %add3A_200, %add3A_201 : i32
      %sub3A_203 = arith.constant 1 : i32
      %sub3A_204 = arith.subi %add3A_202, %sub3A_203 : i32
      %mul3A_205 = arith.constant 800 : i32
      %mul3A_206 = arith.muli %sub3A_204, %mul3A_205 : i32
      %add3A_207 = arith.addi %mul3A_2, %mul3A_206 : i32
      %dma_wait3A_208 = arith.constant 1 : i32
      %dma_wait3A_209 = arith.constant 0 : i32
      %dma_wait3A_210 = arith.constant 0 : i32
      %dma_wait3A_211 = tpu.memref_slice %arg7[%dma_wait3A_208, %dma_wait3A_209, %dma_wait3A_210] : memref<2x800x64xf32, #tpu.memory_space<vmem>> -> memref<1x800x64xf32, #tpu.memory_space<vmem>>
      %dma_wait3A_212 = tpu.memref_squeeze %dma_wait3A_211 : memref<1x800x64xf32, #tpu.memory_space<vmem>> -> memref<800x64xf32, #tpu.memory_space<vmem>>
      %dma_wait3A_213 = arith.constant 0 : i32
      %dma_wait3A_214 = tpu.memref_slice %arg5[%add3A_207, %dma_wait3A_213] : memref<819200x64xf32, #tpu.memory_space<hbm>> -> memref<800x64xf32, #tpu.memory_space<hbm>>
      %dma_wait3A_215 = arith.constant 0 : i32
      %dma_wait3A_216 = tpu.memref_slice %arg5[%add3A_207, %dma_wait3A_215] : memref<819200x64xf32, #tpu.memory_space<hbm>> -> memref<800x64xf32, #tpu.memory_space<hbm>>
      %dma_wait3A_217 = arith.constant 0 : i32
      %dma_wait3A_218 = arith.constant 0 : i32
      %dma_wait3A_219 = tpu.memref_slice %arg7[%dma_wait3A_208, %dma_wait3A_217, %dma_wait3A_218] : memref<2x800x64xf32, #tpu.memory_space<vmem>> -> memref<1x800x64xf32, #tpu.memory_space<vmem>>
      %dma_wait3A_220 = tpu.memref_squeeze %dma_wait3A_219 : memref<1x800x64xf32, #tpu.memory_space<vmem>> -> memref<800x64xf32, #tpu.memory_space<vmem>>
      tpu.wait_dma2 semaphore(%arg12 : memref<!tpu.dma_semaphore, #tpu.memory_space<semaphore_mem>>) src(%dma_wait3A_220 : memref<800x64xf32, #tpu.memory_space<vmem>>) dst(%dma_wait3A_216 : memref<800x64xf32, #tpu.memory_space<hbm>>)
      %add3A_221 = arith.constant 1 : i32
      %add3A_222 = arith.addi %add3A_202, %add3A_221 : i32
      %mul3A_223 = arith.constant 800 : i32
      %mul3A_224 = arith.muli %add3A_222, %mul3A_223 : i32
      %add3A_225 = arith.addi %mul3A_2, %mul3A_224 : i32
      %run_scoped3A_226 = arith.constant 1 : i32
      "tpu.region"() ({
        %run_scoped3A_270 = tpu.sem_alloc : memref<!tpu.dma_semaphore, #tpu.memory_space<semaphore_mem>>
        %dma_start3A_271 = arith.constant 0 : i32
        %dma_start3A_272 = tpu.memref_slice %arg6[%run_scoped3A_226, %dma_start3A_271] : memref<2x800xi32, #tpu.memory_space<vmem>> -> memref<1x800xi32, #tpu.memory_space<vmem>>
        %dma_start3A_273 = tpu.memref_squeeze %dma_start3A_272 : memref<1x800xi32, #tpu.memory_space<vmem>> -> memref<800xi32, #tpu.memory_space<vmem>>
        %dma_start3A_274 = tpu.memref_slice %arg2[%add3A_225] : memref<819200xi32, #tpu.memory_space<hbm>> -> memref<800xi32, #tpu.memory_space<hbm>>
        %dma_start3A_275 = arith.constant 0 : i32
        %dma_start3A_276 = tpu.memref_slice %arg6[%run_scoped3A_226, %dma_start3A_275] : memref<2x800xi32, #tpu.memory_space<vmem>> -> memref<1x800xi32, #tpu.memory_space<vmem>>
        %dma_start3A_277 = tpu.memref_squeeze %dma_start3A_276 : memref<1x800xi32, #tpu.memory_space<vmem>> -> memref<800xi32, #tpu.memory_space<vmem>>
        %dma_start3A_278 = tpu.memref_slice %arg2[%add3A_225] : memref<819200xi32, #tpu.memory_space<hbm>> -> memref<800xi32, #tpu.memory_space<hbm>>
        tpu.enqueue_dma source(%dma_start3A_278 : memref<800xi32, #tpu.memory_space<hbm>>) target(%dma_start3A_277 : memref<800xi32, #tpu.memory_space<vmem>>) target_semaphore(%run_scoped3A_270 : memref<!tpu.dma_semaphore, #tpu.memory_space<semaphore_mem>>)
        %dma_wait3A_279 = arith.constant 0 : i32
        %dma_wait3A_280 = tpu.memref_slice %arg6[%run_scoped3A_226, %dma_wait3A_279] : memref<2x800xi32, #tpu.memory_space<vmem>> -> memref<1x800xi32, #tpu.memory_space<vmem>>
        %dma_wait3A_281 = tpu.memref_squeeze %dma_wait3A_280 : memref<1x800xi32, #tpu.memory_space<vmem>> -> memref<800xi32, #tpu.memory_space<vmem>>
        %dma_wait3A_282 = tpu.memref_slice %arg2[%add3A_225] : memref<819200xi32, #tpu.memory_space<hbm>> -> memref<800xi32, #tpu.memory_space<hbm>>
        %dma_wait3A_283 = arith.constant 0 : i32
        %dma_wait3A_284 = tpu.memref_slice %arg6[%run_scoped3A_226, %dma_wait3A_283] : memref<2x800xi32, #tpu.memory_space<vmem>> -> memref<1x800xi32, #tpu.memory_space<vmem>>
        %dma_wait3A_285 = tpu.memref_squeeze %dma_wait3A_284 : memref<1x800xi32, #tpu.memory_space<vmem>> -> memref<800xi32, #tpu.memory_space<vmem>>
        %dma_wait3A_286 = tpu.memref_slice %arg2[%add3A_225] : memref<819200xi32, #tpu.memory_space<hbm>> -> memref<800xi32, #tpu.memory_space<hbm>>
        tpu.wait_dma2 semaphore(%run_scoped3A_270 : memref<!tpu.dma_semaphore, #tpu.memory_space<semaphore_mem>>) src(%dma_wait3A_286 : memref<800xi32, #tpu.memory_space<hbm>>) dst(%dma_wait3A_285 : memref<800xi32, #tpu.memory_space<vmem>>)
        tpu.yield
      }) : () -> ()
      %dma_start3A_227 = arith.constant 1 : i32
      %dma_start3A_228 = arith.constant 1 : i32
      %dma_start3A_229 = arith.constant 0 : i32
      %dma_start3A_230 = arith.constant 0 : i32
      %dma_start3A_231 = tpu.memref_slice %arg7[%dma_start3A_228, %dma_start3A_229, %dma_start3A_230] : memref<2x800x64xf32, #tpu.memory_space<vmem>> -> memref<1x800x64xf32, #tpu.memory_space<vmem>>
      %dma_start3A_232 = tpu.memref_squeeze %dma_start3A_231 : memref<1x800x64xf32, #tpu.memory_space<vmem>> -> memref<800x64xf32, #tpu.memory_space<vmem>>
      %dma_start3A_233 = arith.constant 0 : i32
      %dma_start3A_234 = tpu.memref_slice %arg6[%dma_start3A_227, %dma_start3A_233] : memref<2x800xi32, #tpu.memory_space<vmem>> -> memref<1x800xi32, #tpu.memory_space<vmem>>
      %dma_start3A_235 = tpu.memref_squeeze %dma_start3A_234 : memref<1x800xi32, #tpu.memory_space<vmem>> -> memref<800xi32, #tpu.memory_space<vmem>>
      %dma_start3A_236 = arith.constant 0 : i32
      %dma_start3A_237 = arith.constant 0 : i32
      %dma_start3A_238 = tpu.memref_slice %arg3[%dma_start3A_236, %dma_start3A_237] : memref<100000x64xf32, #tpu.memory_space<hbm>> -> memref<100000x64xf32, #tpu.memory_space<hbm>>
      tpu.enqueue_indirect_dma source(%dma_start3A_238 : memref<100000x64xf32, #tpu.memory_space<hbm>>) target(%dma_start3A_232 : memref<800x64xf32, #tpu.memory_space<vmem>>) offsets(%dma_start3A_235 : memref<800xi32, #tpu.memory_space<vmem>>) semaphore(%arg10 : memref<!tpu.dma_semaphore, #tpu.memory_space<semaphore_mem>>)
      %dma_wait3A_239 = arith.constant 0 : i32
      %dma_wait3A_240 = arith.constant 0 : i32
      %dma_wait3A_241 = arith.constant 0 : i32
      %dma_wait3A_242 = arith.constant 0 : i32
      %dma_wait3A_243 = tpu.memref_slice %arg7[%dma_wait3A_240, %dma_wait3A_241, %dma_wait3A_242] : memref<2x800x64xf32, #tpu.memory_space<vmem>> -> memref<1x800x64xf32, #tpu.memory_space<vmem>>
      %dma_wait3A_244 = tpu.memref_squeeze %dma_wait3A_243 : memref<1x800x64xf32, #tpu.memory_space<vmem>> -> memref<800x64xf32, #tpu.memory_space<vmem>>
      %dma_wait3A_245 = arith.constant 0 : i32
      %dma_wait3A_246 = tpu.memref_slice %arg6[%dma_wait3A_239, %dma_wait3A_245] : memref<2x800xi32, #tpu.memory_space<vmem>> -> memref<1x800xi32, #tpu.memory_space<vmem>>
      %dma_wait3A_247 = tpu.memref_squeeze %dma_wait3A_246 : memref<1x800xi32, #tpu.memory_space<vmem>> -> memref<800xi32, #tpu.memory_space<vmem>>
      %dma_wait3A_248 = arith.constant 0 : i32
      %dma_wait3A_249 = arith.constant 0 : i32
      %dma_wait3A_250 = tpu.memref_slice %arg3[%dma_wait3A_248, %dma_wait3A_249] : memref<100000x64xf32, #tpu.memory_space<hbm>> -> memref<100000x64xf32, #tpu.memory_space<hbm>>
      tpu.wait_indirect_dma semaphore(%arg9 : memref<!tpu.dma_semaphore, #tpu.memory_space<semaphore_mem>>) src(%dma_wait3A_250 : memref<100000x64xf32, #tpu.memory_space<hbm>>) dst(%dma_wait3A_244 : memref<800x64xf32, #tpu.memory_space<vmem>>)
      %parallel_loop3A_251 = arith.constant 0 : i32
      %parallel_loop3A_252 = arith.constant 200 : i32
      %parallel_loop3A_253 = arith.constant 1 : i32
      scf.for %parallel_loop3A_270 = %parallel_loop3A_251 to %parallel_loop3A_252 step %parallel_loop3A_253  : i32 {
        %parallel_loop3A_271 = arith.index_cast %parallel_loop3A_270 : i32 to index
        %parallel_loop3A_272 = arith.constant 0 : index
        %parallel_loop3A_273 = tpu.vector_load %arg8[%parallel_loop3A_271, %parallel_loop3A_272] {strides = array<i32>} : memref<200x64xf32, #tpu.memory_space<vmem>>, vector<1x16xf32>,
        %parallel_loop3A_274 = vector.shape_cast %parallel_loop3A_273 : vector<1x16xf32> to vector<16xf32>
        %parallel_loop3A_275 = arith.constant 0 : i32
        %parallel_loop3A_276 = arith.addi %parallel_loop3A_275, %parallel_loop3A_270 : i32
        %parallel_loop3A_277 = arith.constant 0 : i32
        %parallel_loop3A_278 = arith.index_cast %parallel_loop3A_277 : i32 to index
        %parallel_loop3A_279 = arith.index_cast %parallel_loop3A_276 : i32 to index
        %parallel_loop3A_280 = arith.constant 0 : index
        %parallel_loop3A_281 = tpu.vector_load %arg7[%parallel_loop3A_278, %parallel_loop3A_279, %parallel_loop3A_280] {strides = array<i32>} : memref<2x800x64xf32, #tpu.memory_space<vmem>>, vector<1x1x16xf32>,
        %parallel_loop3A_282 = vector.shape_cast %parallel_loop3A_281 : vector<1x1x16xf32> to vector<16xf32>
        %parallel_loop3A_283 = vector.shape_cast %parallel_loop3A_274 : vector<16xf32> to vector<1x1x16xf32>
        tpu.vector_store %arg7[%parallel_loop3A_278, %parallel_loop3A_279, %parallel_loop3A_280], %parallel_loop3A_283 {add = true, strides = array<i32>} : memref<2x800x64xf32, #tpu.memory_space<vmem>>, vector<1x1x16xf32>,
        %parallel_loop3A_284 = arith.constant 200 : i32
        %parallel_loop3A_285 = arith.addi %parallel_loop3A_284, %parallel_loop3A_270 : i32
        %parallel_loop3A_286 = arith.constant 0 : i32
        %parallel_loop3A_287 = arith.index_cast %parallel_loop3A_286 : i32 to index
        %parallel_loop3A_288 = arith.index_cast %parallel_loop3A_285 : i32 to index
        %parallel_loop3A_289 = arith.constant 0 : index
        %parallel_loop3A_290 = tpu.vector_load %arg7[%parallel_loop3A_287, %parallel_loop3A_288, %parallel_loop3A_289] {strides = array<i32>} : memref<2x800x64xf32, #tpu.memory_space<vmem>>, vector<1x1x16xf32>,
        %parallel_loop3A_291 = vector.shape_cast %parallel_loop3A_290 : vector<1x1x16xf32> to vector<16xf32>
        %parallel_loop3A_292 = vector.shape_cast %parallel_loop3A_274 : vector<16xf32> to vector<1x1x16xf32>
        tpu.vector_store %arg7[%parallel_loop3A_287, %parallel_loop3A_288, %parallel_loop3A_289], %parallel_loop3A_292 {add = true, strides = array<i32>} : memref<2x800x64xf32, #tpu.memory_space<vmem>>, vector<1x1x16xf32>,
        %parallel_loop3A_293 = arith.constant 400 : i32
        %parallel_loop3A_294 = arith.addi %parallel_loop3A_293, %parallel_loop3A_270 : i32
        %parallel_loop3A_295 = arith.constant 0 : i32
        %parallel_loop3A_296 = arith.index_cast %parallel_loop3A_295 : i32 to index
        %parallel_loop3A_297 = arith.index_cast %parallel_loop3A_294 : i32 to index
        %parallel_loop3A_298 = arith.constant 0 : index
        %parallel_loop3A_299 = tpu.vector_load %arg7[%parallel_loop3A_296, %parallel_loop3A_297, %parallel_loop3A_298] {strides = array<i32>} : memref<2x800x64xf32, #tpu.memory_space<vmem>>, vector<1x1x16xf32>,
        %parallel_loop3A_300 = vector.shape_cast %parallel_loop3A_299 : vector<1x1x16xf32> to vector<16xf32>
        %parallel_loop3A_301 = vector.shape_cast %parallel_loop3A_274 : vector<16xf32> to vector<1x1x16xf32>
        tpu.vector_store %arg7[%parallel_loop3A_296, %parallel_loop3A_297, %parallel_loop3A_298], %parallel_loop3A_301 {add = true, strides = array<i32>} : memref<2x800x64xf32, #tpu.memory_space<vmem>>, vector<1x1x16xf32>,
        %parallel_loop3A_302 = arith.constant 600 : i32
        %parallel_loop3A_303 = arith.addi %parallel_loop3A_302, %parallel_loop3A_270 : i32
        %parallel_loop3A_304 = arith.constant 0 : i32
        %parallel_loop3A_305 = arith.index_cast %parallel_loop3A_304 : i32 to index
        %parallel_loop3A_306 = arith.index_cast %parallel_loop3A_303 : i32 to index
        %parallel_loop3A_307 = arith.constant 0 : index
        %parallel_loop3A_308 = tpu.vector_load %arg7[%parallel_loop3A_305, %parallel_loop3A_306, %parallel_loop3A_307] {strides = array<i32>} : memref<2x800x64xf32, #tpu.memory_space<vmem>>, vector<1x1x16xf32>,
        %parallel_loop3A_309 = vector.shape_cast %parallel_loop3A_308 : vector<1x1x16xf32> to vector<16xf32>
        %parallel_loop3A_310 = vector.shape_cast %parallel_loop3A_274 : vector<16xf32> to vector<1x1x16xf32>
        tpu.vector_store %arg7[%parallel_loop3A_305, %parallel_loop3A_306, %parallel_loop3A_307], %parallel_loop3A_310 {add = true, strides = array<i32>} : memref<2x800x64xf32, #tpu.memory_space<vmem>>, vector<1x1x16xf32>,
        %parallel_loop3A_311 = arith.index_cast %parallel_loop3A_270 : i32 to index
        %parallel_loop3A_312 = arith.constant 16 : index
        %parallel_loop3A_313 = tpu.vector_load %arg8[%parallel_loop3A_311, %parallel_loop3A_312] {strides = array<i32>} : memref<200x64xf32, #tpu.memory_space<vmem>>, vector<1x16xf32>,
        %parallel_loop3A_314 = vector.shape_cast %parallel_loop3A_313 : vector<1x16xf32> to vector<16xf32>
        %parallel_loop3A_315 = arith.constant 0 : i32
        %parallel_loop3A_316 = arith.addi %parallel_loop3A_315, %parallel_loop3A_270 : i32
        %parallel_loop3A_317 = arith.constant 0 : i32
        %parallel_loop3A_318 = arith.index_cast %parallel_loop3A_317 : i32 to index
        %parallel_loop3A_319 = arith.index_cast %parallel_loop3A_316 : i32 to index
        %parallel_loop3A_320 = arith.constant 16 : index
        %parallel_loop3A_321 = tpu.vector_load %arg7[%parallel_loop3A_318, %parallel_loop3A_319, %parallel_loop3A_320] {strides = array<i32>} : memref<2x800x64xf32, #tpu.memory_space<vmem>>, vector<1x1x16xf32>,
        %parallel_loop3A_322 = vector.shape_cast %parallel_loop3A_321 : vector<1x1x16xf32> to vector<16xf32>
        %parallel_loop3A_323 = vector.shape_cast %parallel_loop3A_314 : vector<16xf32> to vector<1x1x16xf32>
        tpu.vector_store %arg7[%parallel_loop3A_318, %parallel_loop3A_319, %parallel_loop3A_320], %parallel_loop3A_323 {add = true, strides = array<i32>} : memref<2x800x64xf32, #tpu.memory_space<vmem>>, vector<1x1x16xf32>,
        %parallel_loop3A_324 = arith.constant 200 : i32
        %parallel_loop3A_325 = arith.addi %parallel_loop3A_324, %parallel_loop3A_270 : i32
        %parallel_loop3A_326 = arith.constant 0 : i32
        %parallel_loop3A_327 = arith.index_cast %parallel_loop3A_326 : i32 to index
        %parallel_loop3A_328 = arith.index_cast %parallel_loop3A_325 : i32 to index
        %parallel_loop3A_329 = arith.constant 16 : index
        %parallel_loop3A_330 = tpu.vector_load %arg7[%parallel_loop3A_327, %parallel_loop3A_328, %parallel_loop3A_329] {strides = array<i32>} : memref<2x800x64xf32, #tpu.memory_space<vmem>>, vector<1x1x16xf32>,
        %parallel_loop3A_331 = vector.shape_cast %parallel_loop3A_330 : vector<1x1x16xf32> to vector<16xf32>
        %parallel_loop3A_332 = vector.shape_cast %parallel_loop3A_314 : vector<16xf32> to vector<1x1x16xf32>
        tpu.vector_store %arg7[%parallel_loop3A_327, %parallel_loop3A_328, %parallel_loop3A_329], %parallel_loop3A_332 {add = true, strides = array<i32>} : memref<2x800x64xf32, #tpu.memory_space<vmem>>, vector<1x1x16xf32>,
        %parallel_loop3A_333 = arith.constant 400 : i32
        %parallel_loop3A_334 = arith.addi %parallel_loop3A_333, %parallel_loop3A_270 : i32
        %parallel_loop3A_335 = arith.constant 0 : i32
        %parallel_loop3A_336 = arith.index_cast %parallel_loop3A_335 : i32 to index
        %parallel_loop3A_337 = arith.index_cast %parallel_loop3A_334 : i32 to index
        %parallel_loop3A_338 = arith.constant 16 : index
        %parallel_loop3A_339 = tpu.vector_load %arg7[%parallel_loop3A_336, %parallel_loop3A_337, %parallel_loop3A_338] {strides = array<i32>} : memref<2x800x64xf32, #tpu.memory_space<vmem>>, vector<1x1x16xf32>,
        %parallel_loop3A_340 = vector.shape_cast %parallel_loop3A_339 : vector<1x1x16xf32> to vector<16xf32>
        %parallel_loop3A_341 = vector.shape_cast %parallel_loop3A_314 : vector<16xf32> to vector<1x1x16xf32>
        tpu.vector_store %arg7[%parallel_loop3A_336, %parallel_loop3A_337, %parallel_loop3A_338], %parallel_loop3A_341 {add = true, strides = array<i32>} : memref<2x800x64xf32, #tpu.memory_space<vmem>>, vector<1x1x16xf32>,
        %parallel_loop3A_342 = arith.constant 600 : i32
        %parallel_loop3A_343 = arith.addi %parallel_loop3A_342, %parallel_loop3A_270 : i32
        %parallel_loop3A_344 = arith.constant 0 : i32
        %parallel_loop3A_345 = arith.index_cast %parallel_loop3A_344 : i32 to index
        %parallel_loop3A_346 = arith.index_cast %parallel_loop3A_343 : i32 to index
        %parallel_loop3A_347 = arith.constant 16 : index
        %parallel_loop3A_348 = tpu.vector_load %arg7[%parallel_loop3A_345, %parallel_loop3A_346, %parallel_loop3A_347] {strides = array<i32>} : memref<2x800x64xf32, #tpu.memory_space<vmem>>, vector<1x1x16xf32>,
        %parallel_loop3A_349 = vector.shape_cast %parallel_loop3A_348 : vector<1x1x16xf32> to vector<16xf32>
        %parallel_loop3A_350 = vector.shape_cast %parallel_loop3A_314 : vector<16xf32> to vector<1x1x16xf32>
        tpu.vector_store %arg7[%parallel_loop3A_345, %parallel_loop3A_346, %parallel_loop3A_347], %parallel_loop3A_350 {add = true, strides = array<i32>} : memref<2x800x64xf32, #tpu.memory_space<vmem>>, vector<1x1x16xf32>,
        %parallel_loop3A_351 = arith.index_cast %parallel_loop3A_270 : i32 to index
        %parallel_loop3A_352 = arith.constant 32 : index
        %parallel_loop3A_353 = tpu.vector_load %arg8[%parallel_loop3A_351, %parallel_loop3A_352] {strides = array<i32>} : memref<200x64xf32, #tpu.memory_space<vmem>>, vector<1x16xf32>,
        %parallel_loop3A_354 = vector.shape_cast %parallel_loop3A_353 : vector<1x16xf32> to vector<16xf32>
        %parallel_loop3A_355 = arith.constant 0 : i32
        %parallel_loop3A_356 = arith.addi %parallel_loop3A_355, %parallel_loop3A_270 : i32
        %parallel_loop3A_357 = arith.constant 0 : i32
        %parallel_loop3A_358 = arith.index_cast %parallel_loop3A_357 : i32 to index
        %parallel_loop3A_359 = arith.index_cast %parallel_loop3A_356 : i32 to index
        %parallel_loop3A_360 = arith.constant 32 : index
        %parallel_loop3A_361 = tpu.vector_load %arg7[%parallel_loop3A_358, %parallel_loop3A_359, %parallel_loop3A_360] {strides = array<i32>} : memref<2x800x64xf32, #tpu.memory_space<vmem>>, vector<1x1x16xf32>,
        %parallel_loop3A_362 = vector.shape_cast %parallel_loop3A_361 : vector<1x1x16xf32> to vector<16xf32>
        %parallel_loop3A_363 = vector.shape_cast %parallel_loop3A_354 : vector<16xf32> to vector<1x1x16xf32>
        tpu.vector_store %arg7[%parallel_loop3A_358, %parallel_loop3A_359, %parallel_loop3A_360], %parallel_loop3A_363 {add = true, strides = array<i32>} : memref<2x800x64xf32, #tpu.memory_space<vmem>>, vector<1x1x16xf32>,
        %parallel_loop3A_364 = arith.constant 200 : i32
        %parallel_loop3A_365 = arith.addi %parallel_loop3A_364, %parallel_loop3A_270 : i32
        %parallel_loop3A_366 = arith.constant 0 : i32
        %parallel_loop3A_367 = arith.index_cast %parallel_loop3A_366 : i32 to index
        %parallel_loop3A_368 = arith.index_cast %parallel_loop3A_365 : i32 to index
        %parallel_loop3A_369 = arith.constant 32 : index
        %parallel_loop3A_370 = tpu.vector_load %arg7[%parallel_loop3A_367, %parallel_loop3A_368, %parallel_loop3A_369] {strides = array<i32>} : memref<2x800x64xf32, #tpu.memory_space<vmem>>, vector<1x1x16xf32>,
        %parallel_loop3A_371 = vector.shape_cast %parallel_loop3A_370 : vector<1x1x16xf32> to vector<16xf32>
        %parallel_loop3A_372 = vector.shape_cast %parallel_loop3A_354 : vector<16xf32> to vector<1x1x16xf32>
        tpu.vector_store %arg7[%parallel_loop3A_367, %parallel_loop3A_368, %parallel_loop3A_369], %parallel_loop3A_372 {add = true, strides = array<i32>} : memref<2x800x64xf32, #tpu.memory_space<vmem>>, vector<1x1x16xf32>,
        %parallel_loop3A_373 = arith.constant 400 : i32
        %parallel_loop3A_374 = arith.addi %parallel_loop3A_373, %parallel_loop3A_270 : i32
        %parallel_loop3A_375 = arith.constant 0 : i32
        %parallel_loop3A_376 = arith.index_cast %parallel_loop3A_375 : i32 to index
        %parallel_loop3A_377 = arith.index_cast %parallel_loop3A_374 : i32 to index
        %parallel_loop3A_378 = arith.constant 32 : index
        %parallel_loop3A_379 = tpu.vector_load %arg7[%parallel_loop3A_376, %parallel_loop3A_377, %parallel_loop3A_378] {strides = array<i32>} : memref<2x800x64xf32, #tpu.memory_space<vmem>>, vector<1x1x16xf32>,
        %parallel_loop3A_380 = vector.shape_cast %parallel_loop3A_379 : vector<1x1x16xf32> to vector<16xf32>
        %parallel_loop3A_381 = vector.shape_cast %parallel_loop3A_354 : vector<16xf32> to vector<1x1x16xf32>
        tpu.vector_store %arg7[%parallel_loop3A_376, %parallel_loop3A_377, %parallel_loop3A_378], %parallel_loop3A_381 {add = true, strides = array<i32>} : memref<2x800x64xf32, #tpu.memory_space<vmem>>, vector<1x1x16xf32>,
        %parallel_loop3A_382 = arith.constant 600 : i32
        %parallel_loop3A_383 = arith.addi %parallel_loop3A_382, %parallel_loop3A_270 : i32
        %parallel_loop3A_384 = arith.constant 0 : i32
        %parallel_loop3A_385 = arith.index_cast %parallel_loop3A_384 : i32 to index
        %parallel_loop3A_386 = arith.index_cast %parallel_loop3A_383 : i32 to index
        %parallel_loop3A_387 = arith.constant 32 : index
        %parallel_loop3A_388 = tpu.vector_load %arg7[%parallel_loop3A_385, %parallel_loop3A_386, %parallel_loop3A_387] {strides = array<i32>} : memref<2x800x64xf32, #tpu.memory_space<vmem>>, vector<1x1x16xf32>,
        %parallel_loop3A_389 = vector.shape_cast %parallel_loop3A_388 : vector<1x1x16xf32> to vector<16xf32>
        %parallel_loop3A_390 = vector.shape_cast %parallel_loop3A_354 : vector<16xf32> to vector<1x1x16xf32>
        tpu.vector_store %arg7[%parallel_loop3A_385, %parallel_loop3A_386, %parallel_loop3A_387], %parallel_loop3A_390 {add = true, strides = array<i32>} : memref<2x800x64xf32, #tpu.memory_space<vmem>>, vector<1x1x16xf32>,
        %parallel_loop3A_391 = arith.index_cast %parallel_loop3A_270 : i32 to index
        %parallel_loop3A_392 = arith.constant 48 : index
        %parallel_loop3A_393 = tpu.vector_load %arg8[%parallel_loop3A_391, %parallel_loop3A_392] {strides = array<i32>} : memref<200x64xf32, #tpu.memory_space<vmem>>, vector<1x16xf32>,
        %parallel_loop3A_394 = vector.shape_cast %parallel_loop3A_393 : vector<1x16xf32> to vector<16xf32>
        %parallel_loop3A_395 = arith.constant 0 : i32
        %parallel_loop3A_396 = arith.addi %parallel_loop3A_395, %parallel_loop3A_270 : i32
        %parallel_loop3A_397 = arith.constant 0 : i32
        %parallel_loop3A_398 = arith.index_cast %parallel_loop3A_397 : i32 to index
        %parallel_loop3A_399 = arith.index_cast %parallel_loop3A_396 : i32 to index
        %parallel_loop3A_400 = arith.constant 48 : index
        %parallel_loop3A_401 = tpu.vector_load %arg7[%parallel_loop3A_398, %parallel_loop3A_399, %parallel_loop3A_400] {strides = array<i32>} : memref<2x800x64xf32, #tpu.memory_space<vmem>>, vector<1x1x16xf32>,
        %parallel_loop3A_402 = vector.shape_cast %parallel_loop3A_401 : vector<1x1x16xf32> to vector<16xf32>
        %parallel_loop3A_403 = vector.shape_cast %parallel_loop3A_394 : vector<16xf32> to vector<1x1x16xf32>
        tpu.vector_store %arg7[%parallel_loop3A_398, %parallel_loop3A_399, %parallel_loop3A_400], %parallel_loop3A_403 {add = true, strides = array<i32>} : memref<2x800x64xf32, #tpu.memory_space<vmem>>, vector<1x1x16xf32>,
        %parallel_loop3A_404 = arith.constant 200 : i32
        %parallel_loop3A_405 = arith.addi %parallel_loop3A_404, %parallel_loop3A_270 : i32
        %parallel_loop3A_406 = arith.constant 0 : i32
        %parallel_loop3A_407 = arith.index_cast %parallel_loop3A_406 : i32 to index
        %parallel_loop3A_408 = arith.index_cast %parallel_loop3A_405 : i32 to index
        %parallel_loop3A_409 = arith.constant 48 : index
        %parallel_loop3A_410 = tpu.vector_load %arg7[%parallel_loop3A_407, %parallel_loop3A_408, %parallel_loop3A_409] {strides = array<i32>} : memref<2x800x64xf32, #tpu.memory_space<vmem>>, vector<1x1x16xf32>,
        %parallel_loop3A_411 = vector.shape_cast %parallel_loop3A_410 : vector<1x1x16xf32> to vector<16xf32>
        %parallel_loop3A_412 = vector.shape_cast %parallel_loop3A_394 : vector<16xf32> to vector<1x1x16xf32>
        tpu.vector_store %arg7[%parallel_loop3A_407, %parallel_loop3A_408, %parallel_loop3A_409], %parallel_loop3A_412 {add = true, strides = array<i32>} : memref<2x800x64xf32, #tpu.memory_space<vmem>>, vector<1x1x16xf32>,
        %parallel_loop3A_413 = arith.constant 400 : i32
        %parallel_loop3A_414 = arith.addi %parallel_loop3A_413, %parallel_loop3A_270 : i32
        %parallel_loop3A_415 = arith.constant 0 : i32
        %parallel_loop3A_416 = arith.index_cast %parallel_loop3A_415 : i32 to index
        %parallel_loop3A_417 = arith.index_cast %parallel_loop3A_414 : i32 to index
        %parallel_loop3A_418 = arith.constant 48 : index
        %parallel_loop3A_419 = tpu.vector_load %arg7[%parallel_loop3A_416, %parallel_loop3A_417, %parallel_loop3A_418] {strides = array<i32>} : memref<2x800x64xf32, #tpu.memory_space<vmem>>, vector<1x1x16xf32>,
        %parallel_loop3A_420 = vector.shape_cast %parallel_loop3A_419 : vector<1x1x16xf32> to vector<16xf32>
        %parallel_loop3A_421 = vector.shape_cast %parallel_loop3A_394 : vector<16xf32> to vector<1x1x16xf32>
        tpu.vector_store %arg7[%parallel_loop3A_416, %parallel_loop3A_417, %parallel_loop3A_418], %parallel_loop3A_421 {add = true, strides = array<i32>} : memref<2x800x64xf32, #tpu.memory_space<vmem>>, vector<1x1x16xf32>,
        %parallel_loop3A_422 = arith.constant 600 : i32
        %parallel_loop3A_423 = arith.addi %parallel_loop3A_422, %parallel_loop3A_270 : i32
        %parallel_loop3A_424 = arith.constant 0 : i32
        %parallel_loop3A_425 = arith.index_cast %parallel_loop3A_424 : i32 to index
        %parallel_loop3A_426 = arith.index_cast %parallel_loop3A_423 : i32 to index
        %parallel_loop3A_427 = arith.constant 48 : index
        %parallel_loop3A_428 = tpu.vector_load %arg7[%parallel_loop3A_425, %parallel_loop3A_426, %parallel_loop3A_427] {strides = array<i32>} : memref<2x800x64xf32, #tpu.memory_space<vmem>>, vector<1x1x16xf32>,
        %parallel_loop3A_429 = vector.shape_cast %parallel_loop3A_428 : vector<1x1x16xf32> to vector<16xf32>
        %parallel_loop3A_430 = vector.shape_cast %parallel_loop3A_394 : vector<16xf32> to vector<1x1x16xf32>
        tpu.vector_store %arg7[%parallel_loop3A_425, %parallel_loop3A_426, %parallel_loop3A_427], %parallel_loop3A_430 {add = true, strides = array<i32>} : memref<2x800x64xf32, #tpu.memory_space<vmem>>, vector<1x1x16xf32>,
      } {sc.loop_unroll_factor = 8 : i64, sc.parallel_access}
      %mul3A_254 = arith.constant 800 : i32
      %mul3A_255 = arith.muli %add3A_202, %mul3A_254 : i32
      %add3A_256 = arith.addi %mul3A_2, %mul3A_255 : i32
      %dma_start3A_257 = arith.constant 0 : i32
      %dma_start3A_258 = arith.constant 0 : i32
      %dma_start3A_259 = arith.constant 0 : i32
      %dma_start3A_260 = tpu.memref_slice %arg7[%dma_start3A_257, %dma_start3A_258, %dma_start3A_259] : memref<2x800x64xf32, #tpu.memory_space<vmem>> -> memref<1x800x64xf32, #tpu.memory_space<vmem>>
      %dma_start3A_261 = tpu.memref_squeeze %dma_start3A_260 : memref<1x800x64xf32, #tpu.memory_space<vmem>> -> memref<800x64xf32, #tpu.memory_space<vmem>>
      %dma_start3A_262 = arith.constant 0 : i32
      %dma_start3A_263 = tpu.memref_slice %arg5[%add3A_256, %dma_start3A_262] : memref<819200x64xf32, #tpu.memory_space<hbm>> -> memref<800x64xf32, #tpu.memory_space<hbm>>
      %dma_start3A_264 = arith.constant 0 : i32
      %dma_start3A_265 = tpu.memref_slice %arg5[%add3A_256, %dma_start3A_264] : memref<819200x64xf32, #tpu.memory_space<hbm>> -> memref<800x64xf32, #tpu.memory_space<hbm>>
      %dma_start3A_266 = arith.constant 0 : i32
      %dma_start3A_267 = arith.constant 0 : i32
      %dma_start3A_268 = tpu.memref_slice %arg7[%dma_start3A_257, %dma_start3A_266, %dma_start3A_267] : memref<2x800x64xf32, #tpu.memory_space<vmem>> -> memref<1x800x64xf32, #tpu.memory_space<vmem>>
      %dma_start3A_269 = tpu.memref_squeeze %dma_start3A_268 : memref<1x800x64xf32, #tpu.memory_space<vmem>> -> memref<800x64xf32, #tpu.memory_space<vmem>>
      tpu.enqueue_dma source(%dma_start3A_269 : memref<800x64xf32, #tpu.memory_space<vmem>>) target(%dma_start3A_265 : memref<800x64xf32, #tpu.memory_space<hbm>>) target_semaphore(%arg11 : memref<!tpu.dma_semaphore, #tpu.memory_space<semaphore_mem>>)
    }
    %scan3A_63 = arith.constant 15 : i32
    %add3A_64 = arith.constant 24000 : i32
    %add3A_65 = arith.addi %mul3A_2, %add3A_64 : i32
    %dma_wait3A_66 = arith.constant 0 : i32
    %dma_wait3A_67 = arith.constant 0 : i32
    %dma_wait3A_68 = arith.constant 0 : i32
    %dma_wait3A_69 = tpu.memref_slice %arg7[%dma_wait3A_66, %dma_wait3A_67, %dma_wait3A_68] : memref<2x800x64xf32, #tpu.memory_space<vmem>> -> memref<1x800x64xf32, #tpu.memory_space<vmem>>
    %dma_wait3A_70 = tpu.memref_squeeze %dma_wait3A_69 : memref<1x800x64xf32, #tpu.memory_space<vmem>> -> memref<800x64xf32, #tpu.memory_space<vmem>>
    %dma_wait3A_71 = arith.constant 0 : i32
    %dma_wait3A_72 = tpu.memref_slice %arg5[%add3A_65, %dma_wait3A_71] : memref<819200x64xf32, #tpu.memory_space<hbm>> -> memref<800x64xf32, #tpu.memory_space<hbm>>
    %dma_wait3A_73 = arith.constant 0 : i32
    %dma_wait3A_74 = tpu.memref_slice %arg5[%add3A_65, %dma_wait3A_73] : memref<819200x64xf32, #tpu.memory_space<hbm>> -> memref<800x64xf32, #tpu.memory_space<hbm>>
    %dma_wait3A_75 = arith.constant 0 : i32
    %dma_wait3A_76 = arith.constant 0 : i32
    %dma_wait3A_77 = tpu.memref_slice %arg7[%dma_wait3A_66, %dma_wait3A_75, %dma_wait3A_76] : memref<2x800x64xf32, #tpu.memory_space<vmem>> -> memref<1x800x64xf32, #tpu.memory_space<vmem>>
    %dma_wait3A_78 = tpu.memref_squeeze %dma_wait3A_77 : memref<1x800x64xf32, #tpu.memory_space<vmem>> -> memref<800x64xf32, #tpu.memory_space<vmem>>
    tpu.wait_dma2 semaphore(%arg11 : memref<!tpu.dma_semaphore, #tpu.memory_space<semaphore_mem>>) src(%dma_wait3A_78 : memref<800x64xf32, #tpu.memory_space<vmem>>) dst(%dma_wait3A_74 : memref<800x64xf32, #tpu.memory_space<hbm>>)
    %dma_wait3A_79 = arith.constant 1 : i32
    %dma_wait3A_80 = arith.constant 1 : i32
    %dma_wait3A_81 = arith.constant 0 : i32
    %dma_wait3A_82 = arith.constant 0 : i32
    %dma_wait3A_83 = tpu.memref_slice %arg7[%dma_wait3A_80, %dma_wait3A_81, %dma_wait3A_82] : memref<2x800x64xf32, #tpu.memory_space<vmem>> -> memref<1x800x64xf32, #tpu.memory_space<vmem>>
    %dma_wait3A_84 = tpu.memref_squeeze %dma_wait3A_83 : memref<1x800x64xf32, #tpu.memory_space<vmem>> -> memref<800x64xf32, #tpu.memory_space<vmem>>
    %dma_wait3A_85 = arith.constant 0 : i32
    %dma_wait3A_86 = tpu.memref_slice %arg6[%dma_wait3A_79, %dma_wait3A_85] : memref<2x800xi32, #tpu.memory_space<vmem>> -> memref<1x800xi32, #tpu.memory_space<vmem>>
    %dma_wait3A_87 = tpu.memref_squeeze %dma_wait3A_86 : memref<1x800xi32, #tpu.memory_space<vmem>> -> memref<800xi32, #tpu.memory_space<vmem>>
    %dma_wait3A_88 = arith.constant 0 : i32
    %dma_wait3A_89 = arith.constant 0 : i32
    %dma_wait3A_90 = tpu.memref_slice %arg3[%dma_wait3A_88, %dma_wait3A_89] : memref<100000x64xf32, #tpu.memory_space<hbm>> -> memref<100000x64xf32, #tpu.memory_space<hbm>>
    tpu.wait_indirect_dma semaphore(%arg10 : memref<!tpu.dma_semaphore, #tpu.memory_space<semaphore_mem>>) src(%dma_wait3A_90 : memref<100000x64xf32, #tpu.memory_space<hbm>>) dst(%dma_wait3A_84 : memref<800x64xf32, #tpu.memory_space<vmem>>)
    %parallel_loop3A_91 = arith.constant 0 : i32
    %parallel_loop3A_92 = arith.constant 200 : i32
    %parallel_loop3A_93 = arith.constant 1 : i32
    scf.for %parallel_loop3A_124 = %parallel_loop3A_91 to %parallel_loop3A_92 step %parallel_loop3A_93  : i32 {
      %parallel_loop3A_125 = arith.index_cast %parallel_loop3A_124 : i32 to index
      %parallel_loop3A_126 = arith.constant 0 : index
      %parallel_loop3A_127 = tpu.vector_load %arg8[%parallel_loop3A_125, %parallel_loop3A_126] {strides = array<i32>} : memref<200x64xf32, #tpu.memory_space<vmem>>, vector<1x16xf32>,
      %parallel_loop3A_128 = vector.shape_cast %parallel_loop3A_127 : vector<1x16xf32> to vector<16xf32>
      %parallel_loop3A_129 = arith.constant 0 : i32
      %parallel_loop3A_130 = arith.addi %parallel_loop3A_129, %parallel_loop3A_124 : i32
      %parallel_loop3A_131 = arith.constant 1 : i32
      %parallel_loop3A_132 = arith.index_cast %parallel_loop3A_131 : i32 to index
      %parallel_loop3A_133 = arith.index_cast %parallel_loop3A_130 : i32 to index
      %parallel_loop3A_134 = arith.constant 0 : index
      %parallel_loop3A_135 = tpu.vector_load %arg7[%parallel_loop3A_132, %parallel_loop3A_133, %parallel_loop3A_134] {strides = array<i32>} : memref<2x800x64xf32, #tpu.memory_space<vmem>>, vector<1x1x16xf32>,
      %parallel_loop3A_136 = vector.shape_cast %parallel_loop3A_135 : vector<1x1x16xf32> to vector<16xf32>
      %parallel_loop3A_137 = vector.shape_cast %parallel_loop3A_128 : vector<16xf32> to vector<1x1x16xf32>
      tpu.vector_store %arg7[%parallel_loop3A_132, %parallel_loop3A_133, %parallel_loop3A_134], %parallel_loop3A_137 {add = true, strides = array<i32>} : memref<2x800x64xf32, #tpu.memory_space<vmem>>, vector<1x1x16xf32>,
      %parallel_loop3A_138 = arith.constant 200 : i32
      %parallel_loop3A_139 = arith.addi %parallel_loop3A_138, %parallel_loop3A_124 : i32
      %parallel_loop3A_140 = arith.constant 1 : i32
      %parallel_loop3A_141 = arith.index_cast %parallel_loop3A_140 : i32 to index
      %parallel_loop3A_142 = arith.index_cast %parallel_loop3A_139 : i32 to index
      %parallel_loop3A_143 = arith.constant 0 : index
      %parallel_loop3A_144 = tpu.vector_load %arg7[%parallel_loop3A_141, %parallel_loop3A_142, %parallel_loop3A_143] {strides = array<i32>} : memref<2x800x64xf32, #tpu.memory_space<vmem>>, vector<1x1x16xf32>,
      %parallel_loop3A_145 = vector.shape_cast %parallel_loop3A_144 : vector<1x1x16xf32> to vector<16xf32>
      %parallel_loop3A_146 = vector.shape_cast %parallel_loop3A_128 : vector<16xf32> to vector<1x1x16xf32>
      tpu.vector_store %arg7[%parallel_loop3A_141, %parallel_loop3A_142, %parallel_loop3A_143], %parallel_loop3A_146 {add = true, strides = array<i32>} : memref<2x800x64xf32, #tpu.memory_space<vmem>>, vector<1x1x16xf32>,
      %parallel_loop3A_147 = arith.constant 400 : i32
      %parallel_loop3A_148 = arith.addi %parallel_loop3A_147, %parallel_loop3A_124 : i32
      %parallel_loop3A_149 = arith.constant 1 : i32
      %parallel_loop3A_150 = arith.index_cast %parallel_loop3A_149 : i32 to index
      %parallel_loop3A_151 = arith.index_cast %parallel_loop3A_148 : i32 to index
      %parallel_loop3A_152 = arith.constant 0 : index
      %parallel_loop3A_153 = tpu.vector_load %arg7[%parallel_loop3A_150, %parallel_loop3A_151, %parallel_loop3A_152] {strides = array<i32>} : memref<2x800x64xf32, #tpu.memory_space<vmem>>, vector<1x1x16xf32>,
      %parallel_loop3A_154 = vector.shape_cast %parallel_loop3A_153 : vector<1x1x16xf32> to vector<16xf32>
      %parallel_loop3A_155 = vector.shape_cast %parallel_loop3A_128 : vector<16xf32> to vector<1x1x16xf32>
      tpu.vector_store %arg7[%parallel_loop3A_150, %parallel_loop3A_151, %parallel_loop3A_152], %parallel_loop3A_155 {add = true, strides = array<i32>} : memref<2x800x64xf32, #tpu.memory_space<vmem>>, vector<1x1x16xf32>,
      %parallel_loop3A_156 = arith.constant 600 : i32
      %parallel_loop3A_157 = arith.addi %parallel_loop3A_156, %parallel_loop3A_124 : i32
      %parallel_loop3A_158 = arith.constant 1 : i32
      %parallel_loop3A_159 = arith.index_cast %parallel_loop3A_158 : i32 to index
      %parallel_loop3A_160 = arith.index_cast %parallel_loop3A_157 : i32 to index
      %parallel_loop3A_161 = arith.constant 0 : index
      %parallel_loop3A_162 = tpu.vector_load %arg7[%parallel_loop3A_159, %parallel_loop3A_160, %parallel_loop3A_161] {strides = array<i32>} : memref<2x800x64xf32, #tpu.memory_space<vmem>>, vector<1x1x16xf32>,
      %parallel_loop3A_163 = vector.shape_cast %parallel_loop3A_162 : vector<1x1x16xf32> to vector<16xf32>
      %parallel_loop3A_164 = vector.shape_cast %parallel_loop3A_128 : vector<16xf32> to vector<1x1x16xf32>
      tpu.vector_store %arg7[%parallel_loop3A_159, %parallel_loop3A_160, %parallel_loop3A_161], %parallel_loop3A_164 {add = true, strides = array<i32>} : memref<2x800x64xf32, #tpu.memory_space<vmem>>, vector<1x1x16xf32>,
      %parallel_loop3A_165 = arith.index_cast %parallel_loop3A_124 : i32 to index
      %parallel_loop3A_166 = arith.constant 16 : index
      %parallel_loop3A_167 = tpu.vector_load %arg8[%parallel_loop3A_165, %parallel_loop3A_166] {strides = array<i32>} : memref<200x64xf32, #tpu.memory_space<vmem>>, vector<1x16xf32>,
      %parallel_loop3A_168 = vector.shape_cast %parallel_loop3A_167 : vector<1x16xf32> to vector<16xf32>
      %parallel_loop3A_169 = arith.constant 0 : i32
      %parallel_loop3A_170 = arith.addi %parallel_loop3A_169, %parallel_loop3A_124 : i32
      %parallel_loop3A_171 = arith.constant 1 : i32
      %parallel_loop3A_172 = arith.index_cast %parallel_loop3A_171 : i32 to index
      %parallel_loop3A_173 = arith.index_cast %parallel_loop3A_170 : i32 to index
      %parallel_loop3A_174 = arith.constant 16 : index
      %parallel_loop3A_175 = tpu.vector_load %arg7[%parallel_loop3A_172, %parallel_loop3A_173, %parallel_loop3A_174] {strides = array<i32>} : memref<2x800x64xf32, #tpu.memory_space<vmem>>, vector<1x1x16xf32>,
      %parallel_loop3A_176 = vector.shape_cast %parallel_loop3A_175 : vector<1x1x16xf32> to vector<16xf32>
      %parallel_loop3A_177 = vector.shape_cast %parallel_loop3A_168 : vector<16xf32> to vector<1x1x16xf32>
      tpu.vector_store %arg7[%parallel_loop3A_172, %parallel_loop3A_173, %parallel_loop3A_174], %parallel_loop3A_177 {add = true, strides = array<i32>} : memref<2x800x64xf32, #tpu.memory_space<vmem>>, vector<1x1x16xf32>,
      %parallel_loop3A_178 = arith.constant 200 : i32
      %parallel_loop3A_179 = arith.addi %parallel_loop3A_178, %parallel_loop3A_124 : i32
      %parallel_loop3A_180 = arith.constant 1 : i32
      %parallel_loop3A_181 = arith.index_cast %parallel_loop3A_180 : i32 to index
      %parallel_loop3A_182 = arith.index_cast %parallel_loop3A_179 : i32 to index
      %parallel_loop3A_183 = arith.constant 16 : index
      %parallel_loop3A_184 = tpu.vector_load %arg7[%parallel_loop3A_181, %parallel_loop3A_182, %parallel_loop3A_183] {strides = array<i32>} : memref<2x800x64xf32, #tpu.memory_space<vmem>>, vector<1x1x16xf32>,
      %parallel_loop3A_185 = vector.shape_cast %parallel_loop3A_184 : vector<1x1x16xf32> to vector<16xf32>
      %parallel_loop3A_186 = vector.shape_cast %parallel_loop3A_168 : vector<16xf32> to vector<1x1x16xf32>
      tpu.vector_store %arg7[%parallel_loop3A_181, %parallel_loop3A_182, %parallel_loop3A_183], %parallel_loop3A_186 {add = true, strides = array<i32>} : memref<2x800x64xf32, #tpu.memory_space<vmem>>, vector<1x1x16xf32>,
      %parallel_loop3A_187 = arith.constant 400 : i32
      %parallel_loop3A_188 = arith.addi %parallel_loop3A_187, %parallel_loop3A_124 : i32
      %parallel_loop3A_189 = arith.constant 1 : i32
      %parallel_loop3A_190 = arith.index_cast %parallel_loop3A_189 : i32 to index
      %parallel_loop3A_191 = arith.index_cast %parallel_loop3A_188 : i32 to index
      %parallel_loop3A_192 = arith.constant 16 : index
      %parallel_loop3A_193 = tpu.vector_load %arg7[%parallel_loop3A_190, %parallel_loop3A_191, %parallel_loop3A_192] {strides = array<i32>} : memref<2x800x64xf32, #tpu.memory_space<vmem>>, vector<1x1x16xf32>,
      %parallel_loop3A_194 = vector.shape_cast %parallel_loop3A_193 : vector<1x1x16xf32> to vector<16xf32>
      %parallel_loop3A_195 = vector.shape_cast %parallel_loop3A_168 : vector<16xf32> to vector<1x1x16xf32>
      tpu.vector_store %arg7[%parallel_loop3A_190, %parallel_loop3A_191, %parallel_loop3A_192], %parallel_loop3A_195 {add = true, strides = array<i32>} : memref<2x800x64xf32, #tpu.memory_space<vmem>>, vector<1x1x16xf32>,
      %parallel_loop3A_196 = arith.constant 600 : i32
      %parallel_loop3A_197 = arith.addi %parallel_loop3A_196, %parallel_loop3A_124 : i32
      %parallel_loop3A_198 = arith.constant 1 : i32
      %parallel_loop3A_199 = arith.index_cast %parallel_loop3A_198 : i32 to index
      %parallel_loop3A_200 = arith.index_cast %parallel_loop3A_197 : i32 to index
      %parallel_loop3A_201 = arith.constant 16 : index
      %parallel_loop3A_202 = tpu.vector_load %arg7[%parallel_loop3A_199, %parallel_loop3A_200, %parallel_loop3A_201] {strides = array<i32>} : memref<2x800x64xf32, #tpu.memory_space<vmem>>, vector<1x1x16xf32>,
      %parallel_loop3A_203 = vector.shape_cast %parallel_loop3A_202 : vector<1x1x16xf32> to vector<16xf32>
      %parallel_loop3A_204 = vector.shape_cast %parallel_loop3A_168 : vector<16xf32> to vector<1x1x16xf32>
      tpu.vector_store %arg7[%parallel_loop3A_199, %parallel_loop3A_200, %parallel_loop3A_201], %parallel_loop3A_204 {add = true, strides = array<i32>} : memref<2x800x64xf32, #tpu.memory_space<vmem>>, vector<1x1x16xf32>,
      %parallel_loop3A_205 = arith.index_cast %parallel_loop3A_124 : i32 to index
      %parallel_loop3A_206 = arith.constant 32 : index
      %parallel_loop3A_207 = tpu.vector_load %arg8[%parallel_loop3A_205, %parallel_loop3A_206] {strides = array<i32>} : memref<200x64xf32, #tpu.memory_space<vmem>>, vector<1x16xf32>,
      %parallel_loop3A_208 = vector.shape_cast %parallel_loop3A_207 : vector<1x16xf32> to vector<16xf32>
      %parallel_loop3A_209 = arith.constant 0 : i32
      %parallel_loop3A_210 = arith.addi %parallel_loop3A_209, %parallel_loop3A_124 : i32
      %parallel_loop3A_211 = arith.constant 1 : i32
      %parallel_loop3A_212 = arith.index_cast %parallel_loop3A_211 : i32 to index
      %parallel_loop3A_213 = arith.index_cast %parallel_loop3A_210 : i32 to index
      %parallel_loop3A_214 = arith.constant 32 : index
      %parallel_loop3A_215 = tpu.vector_load %arg7[%parallel_loop3A_212, %parallel_loop3A_213, %parallel_loop3A_214] {strides = array<i32>} : memref<2x800x64xf32, #tpu.memory_space<vmem>>, vector<1x1x16xf32>,
      %parallel_loop3A_216 = vector.shape_cast %parallel_loop3A_215 : vector<1x1x16xf32> to vector<16xf32>
      %parallel_loop3A_217 = vector.shape_cast %parallel_loop3A_208 : vector<16xf32> to vector<1x1x16xf32>
      tpu.vector_store %arg7[%parallel_loop3A_212, %parallel_loop3A_213, %parallel_loop3A_214], %parallel_loop3A_217 {add = true, strides = array<i32>} : memref<2x800x64xf32, #tpu.memory_space<vmem>>, vector<1x1x16xf32>,
      %parallel_loop3A_218 = arith.constant 200 : i32
      %parallel_loop3A_219 = arith.addi %parallel_loop3A_218, %parallel_loop3A_124 : i32
      %parallel_loop3A_220 = arith.constant 1 : i32
      %parallel_loop3A_221 = arith.index_cast %parallel_loop3A_220 : i32 to index
      %parallel_loop3A_222 = arith.index_cast %parallel_loop3A_219 : i32 to index
      %parallel_loop3A_223 = arith.constant 32 : index
      %parallel_loop3A_224 = tpu.vector_load %arg7[%parallel_loop3A_221, %parallel_loop3A_222, %parallel_loop3A_223] {strides = array<i32>} : memref<2x800x64xf32, #tpu.memory_space<vmem>>, vector<1x1x16xf32>,
      %parallel_loop3A_225 = vector.shape_cast %parallel_loop3A_224 : vector<1x1x16xf32> to vector<16xf32>
      %parallel_loop3A_226 = vector.shape_cast %parallel_loop3A_208 : vector<16xf32> to vector<1x1x16xf32>
      tpu.vector_store %arg7[%parallel_loop3A_221, %parallel_loop3A_222, %parallel_loop3A_223], %parallel_loop3A_226 {add = true, strides = array<i32>} : memref<2x800x64xf32, #tpu.memory_space<vmem>>, vector<1x1x16xf32>,
      %parallel_loop3A_227 = arith.constant 400 : i32
      %parallel_loop3A_228 = arith.addi %parallel_loop3A_227, %parallel_loop3A_124 : i32
      %parallel_loop3A_229 = arith.constant 1 : i32
      %parallel_loop3A_230 = arith.index_cast %parallel_loop3A_229 : i32 to index
      %parallel_loop3A_231 = arith.index_cast %parallel_loop3A_228 : i32 to index
      %parallel_loop3A_232 = arith.constant 32 : index
      %parallel_loop3A_233 = tpu.vector_load %arg7[%parallel_loop3A_230, %parallel_loop3A_231, %parallel_loop3A_232] {strides = array<i32>} : memref<2x800x64xf32, #tpu.memory_space<vmem>>, vector<1x1x16xf32>,
      %parallel_loop3A_234 = vector.shape_cast %parallel_loop3A_233 : vector<1x1x16xf32> to vector<16xf32>
      %parallel_loop3A_235 = vector.shape_cast %parallel_loop3A_208 : vector<16xf32> to vector<1x1x16xf32>
      tpu.vector_store %arg7[%parallel_loop3A_230, %parallel_loop3A_231, %parallel_loop3A_232], %parallel_loop3A_235 {add = true, strides = array<i32>} : memref<2x800x64xf32, #tpu.memory_space<vmem>>, vector<1x1x16xf32>,
      %parallel_loop3A_236 = arith.constant 600 : i32
      %parallel_loop3A_237 = arith.addi %parallel_loop3A_236, %parallel_loop3A_124 : i32
      %parallel_loop3A_238 = arith.constant 1 : i32
      %parallel_loop3A_239 = arith.index_cast %parallel_loop3A_238 : i32 to index
      %parallel_loop3A_240 = arith.index_cast %parallel_loop3A_237 : i32 to index
      %parallel_loop3A_241 = arith.constant 32 : index
      %parallel_loop3A_242 = tpu.vector_load %arg7[%parallel_loop3A_239, %parallel_loop3A_240, %parallel_loop3A_241] {strides = array<i32>} : memref<2x800x64xf32, #tpu.memory_space<vmem>>, vector<1x1x16xf32>,
      %parallel_loop3A_243 = vector.shape_cast %parallel_loop3A_242 : vector<1x1x16xf32> to vector<16xf32>
      %parallel_loop3A_244 = vector.shape_cast %parallel_loop3A_208 : vector<16xf32> to vector<1x1x16xf32>
      tpu.vector_store %arg7[%parallel_loop3A_239, %parallel_loop3A_240, %parallel_loop3A_241], %parallel_loop3A_244 {add = true, strides = array<i32>} : memref<2x800x64xf32, #tpu.memory_space<vmem>>, vector<1x1x16xf32>,
      %parallel_loop3A_245 = arith.index_cast %parallel_loop3A_124 : i32 to index
      %parallel_loop3A_246 = arith.constant 48 : index
      %parallel_loop3A_247 = tpu.vector_load %arg8[%parallel_loop3A_245, %parallel_loop3A_246] {strides = array<i32>} : memref<200x64xf32, #tpu.memory_space<vmem>>, vector<1x16xf32>,
      %parallel_loop3A_248 = vector.shape_cast %parallel_loop3A_247 : vector<1x16xf32> to vector<16xf32>
      %parallel_loop3A_249 = arith.constant 0 : i32
      %parallel_loop3A_250 = arith.addi %parallel_loop3A_249, %parallel_loop3A_124 : i32
      %parallel_loop3A_251 = arith.constant 1 : i32
      %parallel_loop3A_252 = arith.index_cast %parallel_loop3A_251 : i32 to index
      %parallel_loop3A_253 = arith.index_cast %parallel_loop3A_250 : i32 to index
      %parallel_loop3A_254 = arith.constant 48 : index
      %parallel_loop3A_255 = tpu.vector_load %arg7[%parallel_loop3A_252, %parallel_loop3A_253, %parallel_loop3A_254] {strides = array<i32>} : memref<2x800x64xf32, #tpu.memory_space<vmem>>, vector<1x1x16xf32>,
      %parallel_loop3A_256 = vector.shape_cast %parallel_loop3A_255 : vector<1x1x16xf32> to vector<16xf32>
      %parallel_loop3A_257 = vector.shape_cast %parallel_loop3A_248 : vector<16xf32> to vector<1x1x16xf32>
      tpu.vector_store %arg7[%parallel_loop3A_252, %parallel_loop3A_253, %parallel_loop3A_254], %parallel_loop3A_257 {add = true, strides = array<i32>} : memref<2x800x64xf32, #tpu.memory_space<vmem>>, vector<1x1x16xf32>,
      %parallel_loop3A_258 = arith.constant 200 : i32
      %parallel_loop3A_259 = arith.addi %parallel_loop3A_258, %parallel_loop3A_124 : i32
      %parallel_loop3A_260 = arith.constant 1 : i32
      %parallel_loop3A_261 = arith.index_cast %parallel_loop3A_260 : i32 to index
      %parallel_loop3A_262 = arith.index_cast %parallel_loop3A_259 : i32 to index
      %parallel_loop3A_263 = arith.constant 48 : index
      %parallel_loop3A_264 = tpu.vector_load %arg7[%parallel_loop3A_261, %parallel_loop3A_262, %parallel_loop3A_263] {strides = array<i32>} : memref<2x800x64xf32, #tpu.memory_space<vmem>>, vector<1x1x16xf32>,
      %parallel_loop3A_265 = vector.shape_cast %parallel_loop3A_264 : vector<1x1x16xf32> to vector<16xf32>
      %parallel_loop3A_266 = vector.shape_cast %parallel_loop3A_248 : vector<16xf32> to vector<1x1x16xf32>
      tpu.vector_store %arg7[%parallel_loop3A_261, %parallel_loop3A_262, %parallel_loop3A_263], %parallel_loop3A_266 {add = true, strides = array<i32>} : memref<2x800x64xf32, #tpu.memory_space<vmem>>, vector<1x1x16xf32>,
      %parallel_loop3A_267 = arith.constant 400 : i32
      %parallel_loop3A_268 = arith.addi %parallel_loop3A_267, %parallel_loop3A_124 : i32
      %parallel_loop3A_269 = arith.constant 1 : i32
      %parallel_loop3A_270 = arith.index_cast %parallel_loop3A_269 : i32 to index
      %parallel_loop3A_271 = arith.index_cast %parallel_loop3A_268 : i32 to index
      %parallel_loop3A_272 = arith.constant 48 : index
      %parallel_loop3A_273 = tpu.vector_load %arg7[%parallel_loop3A_270, %parallel_loop3A_271, %parallel_loop3A_272] {strides = array<i32>} : memref<2x800x64xf32, #tpu.memory_space<vmem>>, vector<1x1x16xf32>,
      %parallel_loop3A_274 = vector.shape_cast %parallel_loop3A_273 : vector<1x1x16xf32> to vector<16xf32>
      %parallel_loop3A_275 = vector.shape_cast %parallel_loop3A_248 : vector<16xf32> to vector<1x1x16xf32>
      tpu.vector_store %arg7[%parallel_loop3A_270, %parallel_loop3A_271, %parallel_loop3A_272], %parallel_loop3A_275 {add = true, strides = array<i32>} : memref<2x800x64xf32, #tpu.memory_space<vmem>>, vector<1x1x16xf32>,
      %parallel_loop3A_276 = arith.constant 600 : i32
      %parallel_loop3A_277 = arith.addi %parallel_loop3A_276, %parallel_loop3A_124 : i32
      %parallel_loop3A_278 = arith.constant 1 : i32
      %parallel_loop3A_279 = arith.index_cast %parallel_loop3A_278 : i32 to index
      %parallel_loop3A_280 = arith.index_cast %parallel_loop3A_277 : i32 to index
      %parallel_loop3A_281 = arith.constant 48 : index
      %parallel_loop3A_282 = tpu.vector_load %arg7[%parallel_loop3A_279, %parallel_loop3A_280, %parallel_loop3A_281] {strides = array<i32>} : memref<2x800x64xf32, #tpu.memory_space<vmem>>, vector<1x1x16xf32>,
      %parallel_loop3A_283 = vector.shape_cast %parallel_loop3A_282 : vector<1x1x16xf32> to vector<16xf32>
      %parallel_loop3A_284 = vector.shape_cast %parallel_loop3A_248 : vector<16xf32> to vector<1x1x16xf32>
      tpu.vector_store %arg7[%parallel_loop3A_279, %parallel_loop3A_280, %parallel_loop3A_281], %parallel_loop3A_284 {add = true, strides = array<i32>} : memref<2x800x64xf32, #tpu.memory_space<vmem>>, vector<1x1x16xf32>,
    } {sc.loop_unroll_factor = 8 : i64, sc.parallel_access}
    %add3A_94 = arith.constant 24800 : i32
    %add3A_95 = arith.addi %mul3A_2, %add3A_94 : i32
    %dma_start3A_96 = arith.constant 1 : i32
    %dma_start3A_97 = arith.constant 0 : i32
    %dma_start3A_98 = arith.constant 0 : i32
    %dma_start3A_99 = tpu.memref_slice %arg7[%dma_start3A_96, %dma_start3A_97, %dma_start3A_98] : memref<2x800x64xf32, #tpu.memory_space<vmem>> -> memref<1x800x64xf32, #tpu.memory_space<vmem>>
    %dma_start3A_100 = tpu.memref_squeeze %dma_start3A_99 : memref<1x800x64xf32, #tpu.memory_space<vmem>> -> memref<800x64xf32, #tpu.memory_space<vmem>>
    %dma_start3A_101 = arith.constant 0 : i32
    %dma_start3A_102 = tpu.memref_slice %arg5[%add3A_95, %dma_start3A_101] : memref<819200x64xf32, #tpu.memory_space<hbm>> -> memref<800x64xf32, #tpu.memory_space<hbm>>
    %dma_start3A_103 = arith.constant 0 : i32
    %dma_start3A_104 = tpu.memref_slice %arg5[%add3A_95, %dma_start3A_103] : memref<819200x64xf32, #tpu.memory_space<hbm>> -> memref<800x64xf32, #tpu.memory_space<hbm>>
    %dma_start3A_105 = arith.constant 0 : i32
    %dma_start3A_106 = arith.constant 0 : i32
    %dma_start3A_107 = tpu.memref_slice %arg7[%dma_start3A_96, %dma_start3A_105, %dma_start3A_106] : memref<2x800x64xf32, #tpu.memory_space<vmem>> -> memref<1x800x64xf32, #tpu.memory_space<vmem>>
    %dma_start3A_108 = tpu.memref_squeeze %dma_start3A_107 : memref<1x800x64xf32, #tpu.memory_space<vmem>> -> memref<800x64xf32, #tpu.memory_space<vmem>>
    tpu.enqueue_dma source(%dma_start3A_108 : memref<800x64xf32, #tpu.memory_space<vmem>>) target(%dma_start3A_104 : memref<800x64xf32, #tpu.memory_space<hbm>>) target_semaphore(%arg12 : memref<!tpu.dma_semaphore, #tpu.memory_space<semaphore_mem>>)
    %add3A_109 = arith.constant 24800 : i32
    %add3A_110 = arith.addi %mul3A_2, %add3A_109 : i32
    %dma_wait3A_111 = arith.constant 1 : i32
    %dma_wait3A_112 = arith.constant 0 : i32
    %dma_wait3A_113 = arith.constant 0 : i32
    %dma_wait3A_114 = tpu.memref_slice %arg7[%dma_wait3A_111, %dma_wait3A_112, %dma_wait3A_113] : memref<2x800x64xf32, #tpu.memory_space<vmem>> -> memref<1x800x64xf32, #tpu.memory_space<vmem>>
    %dma_wait3A_115 = tpu.memref_squeeze %dma_wait3A_114 : memref<1x800x64xf32, #tpu.memory_space<vmem>> -> memref<800x64xf32, #tpu.memory_space<vmem>>
    %dma_wait3A_116 = arith.constant 0 : i32
    %dma_wait3A_117 = tpu.memref_slice %arg5[%add3A_110, %dma_wait3A_116] : memref<819200x64xf32, #tpu.memory_space<hbm>> -> memref<800x64xf32, #tpu.memory_space<hbm>>
    %dma_wait3A_118 = arith.constant 0 : i32
    %dma_wait3A_119 = tpu.memref_slice %arg5[%add3A_110, %dma_wait3A_118] : memref<819200x64xf32, #tpu.memory_space<hbm>> -> memref<800x64xf32, #tpu.memory_space<hbm>>
    %dma_wait3A_120 = arith.constant 0 : i32
    %dma_wait3A_121 = arith.constant 0 : i32
    %dma_wait3A_122 = tpu.memref_slice %arg7[%dma_wait3A_111, %dma_wait3A_120, %dma_wait3A_121] : memref<2x800x64xf32, #tpu.memory_space<vmem>> -> memref<1x800x64xf32, #tpu.memory_space<vmem>>
    %dma_wait3A_123 = tpu.memref_squeeze %dma_wait3A_122 : memref<1x800x64xf32, #tpu.memory_space<vmem>> -> memref<800x64xf32, #tpu.memory_space<vmem>>
    tpu.wait_dma2 semaphore(%arg12 : memref<!tpu.dma_semaphore, #tpu.memory_space<semaphore_mem>>) src(%dma_wait3A_123 : memref<800x64xf32, #tpu.memory_space<vmem>>) dst(%dma_wait3A_119 : memref<800x64xf32, #tpu.memory_space<hbm>>)
    return
  }
}

</mosaic_0001>

<sc_bundles>
// kernel: _tpemb.3.cloned.1.call-start
scs
__scs_entry_jumppad:
0x0: {  	(pc) =	sbr.rel $0x88, $3  }
0x1: {  	(tag) =	ssettag $0x0;
	lr =	simm.s32 $0x1  }
0x2: {  	[smem:$0x3F9E] =	sst lr;
	_ =	strace $0xD0000000  }
0x3: {  	_ = 	snop  }
0x4: {  	_ = 	snop  }
0x5: {  	_ = 	snop  }
0x6: {  	_ = 	snop  }
0x7: {  	_ = 	snop  }
__scs_overlays_trampoline_lowered:
0x8: {  	[smem:$0x3FAD] =	sst s0  }
0x9: {  	[smem:$0x3FAE] =	sst s1  }
0xa: {  	[smem:$0x3FAF] =	sst s2  }
0xb: {  	[smem:$0x3FB0] =	sst s3  }
0xc: {  	[smem:$0x3FB1] =	sst s4  }
0xd: {  	[smem:$0x3FB2] =	sst s5  }
0xe: {  	[smem:$0x3FB3] =	sst s6  }
0xf: {  	[smem:$0x3FB4] =	sst s7  }
0x10: {  	[smem:$0x3FB5] =	sst s8  }
0x11: {  	[smem:$0x3FB6] =	sst s9;
	s0 =	simm.s32 @!p0 $0x0  }
0x12: {  	s1 =	sld [smem:$0x3F9C];
	s0 =	simm.s32 @p0 $0x1  }
0x13: {  	[smem:$0x3FB7] =	sst s0;
	s0 =	simm.s32 @!p1 $0x0  }
0x14: {  	s2 =	sld [smem:$0x3F9B];
	s0 =	simm.s32 @p1 $0x1  }
0x15: {  	[smem:$0x3FB8] =	sst s0;
	s0 =	simm.s32 @!p2 $0x0  }
0x16: {  	s3 =	sld [smem:$0x3FDB];
	s0 =	simm.s32 @p2 $0x1  }
0x17: {  	s4 =	simm.s32 $0x1BF5;
	[smem:$0x3FBA] =	sst s0  }
0x18: {  	s0 =	sld [smem:$0x3F9D];
	_ =	swait.ge [sflag:s4], $0x0  }
0x19: {  	s7 =	sld [smem:$0x3F9E]  }
0x1a: {  	s8 =	sadd.s32 $0xFFFFE003, lr  }
0x1b: {  	s9 =	sadd.s32 $0xFFFFFEF7, lr;
	s5 =	simm.s32 $0xFFFFFFFF;
	p2 =	slt.u32 s8, $0xFFFFF086  }
0x1c: {  	p1 =	slt.u32 s9, $0xF7A;
	s5 =	simm.s32 @!p2 $0x0  }
0x1d: {  	s5 =	simm.s32 @p1 $0x1;
	p0 =	seq.s32 s7, s2  }
0x1e: {  	s7 =	smul.u32 @!p0 $0xF7A, s2;
	p2 =	seq.s32 @!p0 s5, $0x0  }
0x1f: {  	s9 =	smul.u32 $0xF7A, s1;
	s8 =	simm.s32 @!p0 $0x1BF5;
	p2 =	por !p2, p0  }
0x20: {  	[sflag:s8] =	ssyncset.s32 @!p0 $0xFFFFF086;
	s6 =	sadd.s32 @!p0 s3, s7;
	s7 =	simm.s32 @!p0 $0x108  }
0x21: {  	s3 =	sadd.s32 s3, s9;
	s6 =	sadd.s32 @!p0 $0x88, s6;
	s7 =	simm.s32 @p2 $0x1082  }
0x22: {  	[simem:s7], [sflag:s8] =	dma.local @!p0 [hbm:s6], $0xF7A  }
0x23: {  	s9 =	sor.u32 $0xD0000000, s2;
	s6 =	simm.s32 $0x108;
	_ =	swait.ge @!p0 [sflag:s8], $0x0  }
0x24: {  	s3 =	sadd.s32 $0x88, s3;
	s6 =	simm.s32 @!p1 $0x1082;
	[sflag:s4] =	ssyncset.s32 $0xFFFFF086  }
0x25: {  	[simem:s6], [sflag:s4] =	dma.local [hbm:s3], $0xF7A  }
0x26: {  	[smem:$0x3F9E] =	sst s1;
	(tag) =	ssettag s2;
	_ =	strace s9  }
0x27: {  	s1 =	sld [smem:$0x3FAE]  }
0x28: {  	s2 =	sld [smem:$0x3FAF]  }
0x29: {  	s4 =	sld [smem:$0x3FB1]  }
0x2a: {  	p0 =	seq.s32 s5, $0x0;
	s5 =	sld [smem:$0x3FB2]  }
0x2b: {  	s6 =	sld [smem:$0x3FB3]  }
0x2c: {  	s7 =	sld [smem:$0x3FB4]  }
0x2d: {  	s3 =	simm.s32 $0x108;
	s8 =	sld [smem:$0x3FB5]  }
0x2e: {  	s3 =	simm.s32 @!p0 $0x1082;
	s9 =	sld [smem:$0x3FB6]  }
0x2f: {  	lr =	sadd.s32 s0, s3;
	s0 =	sld [smem:$0x3FAD]  }
0x30: {  	s3 =	sld [smem:$0x3FB0]  }
0x31: {  	[smem:$0x3FB9] =	sst s10  }
0x32: {  	s10 =	sld [smem:$0x3FB7];
	_ =	sdelay $0x3  }
0x33: {  	p0 =	seq.s32 s10, $0x1;
	s10 =	sld [smem:$0x3FB9];
	_ =	sdelay $0x3  }
0x34: {  	[smem:$0x3FB9] =	sst s10  }
0x35: {  	s10 =	sld [smem:$0x3FB8];
	_ =	sdelay $0x3  }
0x36: {  	p1 =	seq.s32 s10, $0x1;
	s10 =	sld [smem:$0x3FB9];
	_ =	sdelay $0x3  }
0x37: {  	[smem:$0x3FB9] =	sst s10  }
0x38: {  	s10 =	sld [smem:$0x3FBA]  }
0x39: {  	_ = 	snop;
	(pc) =	sbr.ind lr, $3  }
0x3a: {  	_ = 	snop  }
0x3b: {  	_ = 	snop  }
0x3c: {  	p2 =	seq.s32 s10, $0x1;
	s10 =	sld [smem:$0x3FB9]  }
0x3d: {  	_ =	shalt  }
0x3e: {  	_ =	shalt  }
0x3f: {  	_ =	shalt  }
0x40: {  	_ =	shalt  }
0x41: {  	_ =	shalt  }
0x42: {  	_ =	shalt  }
0x43: {  	_ =	shalt  }
0x44: {  	_ =	shalt  }
0x45: {  	_ =	shalt  }
0x46: {  	_ =	shalt  }
0x47: {  	_ =	shalt  }
0x48: {  	_ =	shalt  }
0x49: {  	_ =	shalt  }
0x4a: {  	_ =	shalt  }
0x4b: {  	_ =	shalt  }
0x4c: {  	_ =	shalt  }
0x4d: {  	_ =	shalt  }
0x4e: {  	_ =	shalt  }
0x4f: {  	_ =	shalt  }
0x50: {  	_ =	shalt  }
0x51: {  	_ =	shalt  }
0x52: {  	_ =	shalt  }
0x53: {  	_ =	shalt  }
0x54: {  	_ =	shalt  }
0x55: {  	_ =	shalt  }
0x56: {  	_ =	shalt  }
0x57: {  	_ =	shalt  }
0x58: {  	_ =	shalt  }
0x59: {  	_ =	shalt  }
0x5a: {  	_ =	shalt  }
0x5b: {  	_ =	shalt  }
0x5c: {  	_ =	shalt  }
0x5d: {  	_ =	shalt  }
0x5e: {  	_ =	shalt  }
0x5f: {  	_ =	shalt  }
0x60: {  	_ =	shalt  }
0x61: {  	_ =	shalt  }
0x62: {  	_ =	shalt  }
0x63: {  	_ =	shalt  }
0x64: {  	_ =	shalt  }
0x65: {  	_ =	shalt  }
0x66: {  	_ =	shalt  }
0x67: {  	_ =	shalt  }
0x68: {  	_ =	shalt  }
0x69: {  	_ =	shalt  }
0x6a: {  	_ =	shalt  }
0x6b: {  	_ =	shalt  }
0x6c: {  	_ =	shalt  }
0x6d: {  	_ =	shalt  }
0x6e: {  	_ =	shalt  }
0x6f: {  	_ =	shalt  }
0x70: {  	_ =	shalt  }
0x71: {  	_ =	shalt  }
0x72: {  	_ =	shalt  }
0x73: {  	_ =	shalt  }
0x74: {  	_ =	shalt  }
0x75: {  	_ =	shalt  }
0x76: {  	_ =	shalt  }
0x77: {  	_ =	shalt  }
0x78: {  	_ =	shalt  }
0x79: {  	_ =	shalt  }
0x7a: {  	_ =	shalt  }
0x7b: {  	_ =	shalt  }
0x7c: {  	_ =	shalt  }
0x7d: {  	_ =	shalt  }
0x7e: {  	_ =	shalt  }
0x7f: {  	_ =	shalt  }
0x80: {  	_ =	shalt  }
0x81: {  	_ =	shalt  }
0x82: {  	_ =	shalt  }
0x83: {  	_ =	shalt  }
0x84: {  	_ =	shalt  }
0x85: {  	_ =	shalt  }
0x86: {  	_ =	shalt  }
0x87: {  	_ =	shalt  }
.Lfunc_end0:
.L_simem_size_0:
called_computation.1_lowered:
.L_overlay_start_0:
0x88: {  	s2 =	sld [smem:$0x3FD9]  }
0x89: {  	s3 =	sld [smem:$0x3FFE];
	_ =	sdelay $0x1  }
0x8a: {  	s1 =	srdreg.scid  }
0x8b: {  	s0 =	sand.u32 $0x1, s1  }
0x8c: {  	s17 =	sshll.u32 s0, $0xA;
	s2 =	sadd.s32 s3, s2  }
0x8d: {  	s2 =	sadd.s32 s2, s17  }
0x8e: {  	[smem:$0x3FC5] =	sst s2  }
0x8f: {  	_ = 	snop  }
0x90: {  	s2 =	sld [smem:$0x3FC9]  }
0x91: {  	s18 =	sld [smem:$0x3FD0];
	(tm) =	ssettm $0x1  }
0x92: {  	s4 =	sld [smem:$0x3FFB];
	_ =	sdelay $0x3  }
0x93: {  	_ =	strace s4  }
0x94: {  	s4 =	sld [smem:$0x3FFC];
	_ =	sdelay $0x3  }
0x95: {  	_ =	strace s4  }
0x96: {  	s4 =	sld [smem:$0x3FFD];
	_ =	sdelay $0x3  }
0x97: {  	_ =	strace s4  }
0x98: {  	_ =	strace $0x8FFFFFFF  }
0x99: {  	s19 =	sld [smem:$0x3FDB];
	_ =	sdelay $0x1  }
0x9a: {  	s5 =	simm.s32 $_scs_section_size  }
0x9b: {  	s6 =	simm.s32 $_size__tile_overlayer_lowered;
	s7 =	simm.s32 $_tile_overlayer_lowered  }
0x9c: {  	s22 =	simm.s32 $0x1BFF;
	s21 =	sshll.u32 s7, $0x1;
	s4 =	sadd.s32 s5, s19  }
0x9d: {  	s8 =	simm.s32 $0x0;
	s20 =	sshll.u32 s6, $0x1;
	s6 =	sadd.s32 s21, s4  }
0x9e: {  	[timem:s8], [sflag:s22] =	dma.local [hbm:s6], s20  }
0x9f: {  	_ =	swait.ge [sflag:s22], s20  }
0xa0: {  	s5 =	ssub.s32 $0x0, s20;
	[sflag:s22] =	ssyncset.done $0x0  }
0xa1: {  	[sflag:s22] =	ssyncadd.s32 s5;
	_ =	sdelay $0x1  }
0xa2: {  	s23 =	simm.s32 $0x1B8B  }
0xa3: {  	_ =	swait.ge [sflag:s23], $0x1  }
0xa4: {  	[sflag:s23] =	ssyncset.done $0x0  }
0xa5: {  	s25 =	simm.s32 $0x1B8E;
	s24 =	sld [smem:$0x3FFE];
	[sflag:s23] =	ssyncadd.s32 $0xFFFFFFFF  }
0xa6: {  	s26 =	simm.s32 $execute0_lowered;
	[smem:$0x3FD2] =	sst s25  }
0xa7: {  	s6 =	sshll.u32 s26, $0x1;
	_ =	strace $0x80000046;
	[dreg:$0x1] =	wrdreg $0xFFFFFFFF  }
0xa8: {  	s28 =	simm.s32 $_size_execute0_lowered;
	s4 =	sadd.s32 s4, s6;
	[dreg:$0x0] =	wrdreg $0x0  }
0xa9: {  	s6 =	sshll.u32 s28, $0x1;
	[dreg:$0x2] =	wrdreg s4  }
0xaa: {  	[dreg:$0x3] =	wrdreg s6  }
0xab: {  	[dreg:$0x4] =	wrdreg $0xC0  }
0xac: {  	_ =	task [dreg:s8], $0x5FFFF  }
0xad: {  	[dreg:$0x1] =	wrdreg $0xFFFFFFFF  }
0xae: {  	[dreg:$0x0] =	wrdreg $0x60  }
0xaf: {  	[dreg:$0x2] =	wrdreg s2  }
0xb0: {  	[dreg:$0x3] =	wrdreg s24  }
0xb1: {  	[dreg:$0x4] =	wrdreg s18  }
0xb2: {  	[dreg:$0x5] =	wrdreg $0x9  }
0xb3: {  	_ =	task.clear_ibuf [dreg:s8], $0x6FFFF;
	_ =	strace $0x90000046  }
0xb4: {  	s29 =	simm.s32 $0x9;
	_ =	strace $0x80000048  }
0xb5: {  	_ =	swait.ge [sflag:s29], $0x1  }
0xb6: {  	[sflag:s29] =	ssyncadd.s32 $0xFFFFFFFF  }
0xb7: {  	_ =	strace $0x90000048  }
0xb8: {  	_ =	sfence  }
0xb9: {  	s30 =	sld [smem:$0x0];
	_ =	sdelay $0x2  }
0xba: {  	s31 =	sshll.u32 s1, $0xD;
	s1 =	sshrl.u32 s1, $0x2  }
0xbb: {  	s3 =	sand.u32 $0x4000, s31;
	s1 =	sadd.s32 s1, s30  }
0xbc: {  	s0 =	sor.u32 s3, s0;
	s1 =	sshll.u32 s1, $0x11  }
0xbd: {  	s0 =	sor.u32 s1, s0  }
0xbe: {  	s0 =	sadd.s32 $0x8F2B, s0  }
0xbf: {  	[sflag:s0] =	ssyncadd.remote.s32 $0x1  }
0xc0: {  	_ =	sfence.sel $0xFFFF  }
0xc1: {  	[dreg:$0x0] =	wrdreg $0xFFFFFFFF;
	(pc) =	sbr.abs _section_cstart, $3  }
0xc2: {  	[dreg:$0x1] =	wrdreg $0xFFFFFFFF  }
0xc3: {  	_ =	task.clear_ibuf [dreg:s8], $0x2FFFF;
	_ =	strace $0x9FFFFFFF  }
0xc4: {  	(tm) =	ssettm $0x7FFFFFFF  }
0xc5: {  	_ =	shalt  }
tec
execute0_lowered:
.L_overlay_start_1:
0x0: {  	(tag) =	ssettag $0x1  }
0x1: {  	s1 =	rddreg [dreg:$0x0]  }
0x2: {  	s2 =	rddreg [dreg:$0x1]  }
0x3: {  	s4 =	srdreg.scid;
	s0 =	stileid.u32  }
0x4: {  	s3 =	rddreg [dreg:$0x2];
	s15 =	simm.s32 $0x19640;
	s16 =	simm.s32 $0x5  }
0x5: {  	s17 =	simm.s32 $0x320;
	s18 =	simm.s32 $0x640;
	s19 =	simm.s32 $0xCE40  }
0x6: {  	s20 =	simm.s32 $0x1;
	s21 =	simm.s32 $0x3;
	s22 =	simm.s32 $0x2  }
0x7: {  	s23 =	simm.s32 $0x4;
	s6 =	sand.u32 $0x1, s4;
	s5 =	sshll.u32 s0, $0x1  }
0x8: {  	s24 =	simm.s32 $0x0;
	s4 =	simm.s32 $0x0;
	s7 =	sor.u32 s6, s5  }
0x9: {  	[smem:$0x7FF] =	sst s4;
	s5 =	sadd.s32 $0x1000, s2;
	s12 =	smul.u32 $0x6400, s7  }
0xa: {  	s8 =	ssub.s32 $0x2, s6;
	_ =	strace $0x80000047;
	s9 =	smul.u32 $0x32000, s7  }
0xb: {  	s10 =	sshrl.u32 s8, $0x1;
	s11 =	smul.u32 $0x190000, s7;
	s7 =	sadd.s32 $0x800, s2  }
0xc: {  	s31 =	ssub.s32 s8, s10;
	s30 =	sshrl.u32 s12, $0x3;
	s9 =	sadd.s32 s3, s9  }
0xd: {  	s10 =	sadd.s32 $0x640, s12;
	s13 =	sshrl.u32 s11, $0x3;
	s11 =	sor.u32 $0x320, s12  }
0xe: {  	s12 =	sadd.s32 $0x960, s12;
	s6 =	sadd.s32 s1, s30;
	s13 =	sadd.s32 s3, s13  }
0xf: {  	s14 =	smax.u32 s31, $0x1;
	s8 =	sadd.s32 $0x64, s6;
	s13 =	sadd.s32 $0x30700, s13  }
.LBB2_1:
0x10: {  	[tilespmem:s15], [sflag:$0x5] =	stream.linear.gather [hbm4b:s7+s4], $0x3200, $0x38;
	[tilespmem:$0x1C840] =	vst v63  }
0x11: {  	_ =	swait.ge [sflag:s16], $0x3200  }
0x12: {  	[sflag:s16] =	ssyncset.done $0x0  }
0x13: {  	[sflag:s16] =	ssyncadd.s32 $0xFFFFCE00  }
0x14: {  	[tilespmem:s4], [sflag:$0x5] =	stream.linear.gather [hbm4b:s6+s4], $0x320, $0x38;
	[tilespmem:$0x1C840] =	vst v63  }
0x15: {  	_ =	swait.ge [sflag:s16], $0x320  }
0x16: {  	[sflag:s16] =	ssyncset.done $0x0  }
0x17: {  	[sflag:s16] =	ssyncadd.s32 $0xFFFFFCE0  }
0x18: {  	[tilespmem:s18], [sflag:$0x1] =	stream.indirect.gather [hbm4b:s5+s17], $0x40, s4, s17, $0xb8;
	[tilespmem:$0x1C840] =	vst v63  }
0x19: {  	_ = 	snop  }
0x1a: {  	[tilespmem:s17], [sflag:$0x5] =	stream.linear.gather [hbm4b:s8+s4], $0x320, $0x38;
	[tilespmem:$0x1C840] =	vst v63  }
0x1b: {  	_ =	swait.ge [sflag:s16], $0x320  }
0x1c: {  	[sflag:s16] =	ssyncset.done $0x0  }
0x1d: {  	[sflag:s16] =	ssyncadd.s32 $0xFFFFFCE0  }
0x1e: {  	[tilespmem:s19], [sflag:$0x2] =	stream.indirect.gather [hbm4b:s5+s17], $0x40, s17, s17, $0xb8;
	[tilespmem:$0x1C840] =	vst v63  }
0x1f: {  	_ =	swait.ge [sflag:s20], $0xC800  }
0x20: {  	[sflag:s20] =	ssyncset.done $0x0  }
0x21: {  	s25 =	simm.s32 $0x0;
	[sflag:s20] =	ssyncadd.s32 $0xFFFF3800  }
0x22: {  	v0 =	vld [tilespmem:s25+$0x19830]  }
0x23: {  	v1 =	vld [tilespmem:s25+$0x19640]  }
0x24: {  	v2 =	vld [tilespmem:s25+$0x19650]  }
0x25: {  	v3 =	vld [tilespmem:s25+$0x19660]  }
0x26: {  	v4 =	vld [tilespmem:s25+$0x19670]  }
0x27: {  	v5 =	vld [tilespmem:s25+$0x19680]  }
0x28: {  	v6 =	vld [tilespmem:s25+$0x19690]  }
0x29: {  	v7 =	vld [tilespmem:s25+$0x196A0]  }
0x2a: {  	v8 =	vld [tilespmem:s25+$0x196B0]  }
0x2b: {  	v9 =	vld [tilespmem:s25+$0x196C0]  }
0x2c: {  	v10 =	vld [tilespmem:s25+$0x196D0]  }
0x2d: {  	v11 =	vld [tilespmem:s25+$0x196E0]  }
0x2e: {  	v12 =	vld [tilespmem:s25+$0x196F0]  }
0x2f: {  	v13 =	vld [tilespmem:s25+$0x19700]  }
0x30: {  	v14 =	vld [tilespmem:s25+$0x19710]  }
0x31: {  	v15 =	vld [tilespmem:s25+$0x19720]  }
0x32: {  	v16 =	vld [tilespmem:s25+$0x19730]  }
0x33: {  	v17 =	vld [tilespmem:s25+$0x19740]  }
0x34: {  	v18 =	vld [tilespmem:s25+$0x19750]  }
0x35: {  	v19 =	vld [tilespmem:s25+$0x19760]  }
0x36: {  	v20 =	vld [tilespmem:s25+$0x19770]  }
0x37: {  	v21 =	vld [tilespmem:s25+$0x19780]  }
0x38: {  	v22 =	vld [tilespmem:s25+$0x19790]  }
0x39: {  	v23 =	vld [tilespmem:s25+$0x197A0]  }
0x3a: {  	v24 =	vld [tilespmem:s25+$0x197B0]  }
0x3b: {  	v25 =	vld [tilespmem:s25+$0x197C0]  }
0x3c: {  	v26 =	vld [tilespmem:s25+$0x197D0]  }
0x3d: {  	v27 =	vld [tilespmem:s25+$0x197E0]  }
0x3e: {  	v28 =	vld [tilespmem:s25+$0x197F0]  }
0x3f: {  	v29 =	vld [tilespmem:s25+$0x19800]  }
0x40: {  	v30 =	vld [tilespmem:s25+$0x19810]  }
0x41: {  	v31 =	vld [tilespmem:s25+$0x19820]  }
0x42: {  	[tilespmem:s25+$0x9E30] =	vst.add.f32.msk $0xffff, v0  }
0x43: {  	[tilespmem:s25+$0x640] =	vst.add.f32.msk $0xffff, v1  }
0x44: {  	[tilespmem:s25+$0x3840] =	vst.add.f32.msk $0xffff, v1  }
0x45: {  	[tilespmem:s25+$0x6A40] =	vst.add.f32.msk $0xffff, v1  }
0x46: {  	[tilespmem:s25+$0x9C40] =	vst.add.f32.msk $0xffff, v1  }
0x47: {  	[tilespmem:s25+$0x650] =	vst.add.f32.msk $0xffff, v2  }
0x48: {  	[tilespmem:s25+$0x3850] =	vst.add.f32.msk $0xffff, v2  }
0x49: {  	[tilespmem:s25+$0x6A50] =	vst.add.f32.msk $0xffff, v2  }
0x4a: {  	[tilespmem:s25+$0x9C50] =	vst.add.f32.msk $0xffff, v2  }
0x4b: {  	[tilespmem:s25+$0x660] =	vst.add.f32.msk $0xffff, v3  }
0x4c: {  	[tilespmem:s25+$0x3860] =	vst.add.f32.msk $0xffff, v3  }
0x4d: {  	[tilespmem:s25+$0x6A60] =	vst.add.f32.msk $0xffff, v3  }
0x4e: {  	[tilespmem:s25+$0x9C60] =	vst.add.f32.msk $0xffff, v3  }
0x4f: {  	[tilespmem:s25+$0x670] =	vst.add.f32.msk $0xffff, v4  }
0x50: {  	[tilespmem:s25+$0x3870] =	vst.add.f32.msk $0xffff, v4  }
0x51: {  	[tilespmem:s25+$0x6A70] =	vst.add.f32.msk $0xffff, v4  }
0x52: {  	[tilespmem:s25+$0x9C70] =	vst.add.f32.msk $0xffff, v4  }
0x53: {  	[tilespmem:s25+$0x680] =	vst.add.f32.msk $0xffff, v5  }
0x54: {  	[tilespmem:s25+$0x3880] =	vst.add.f32.msk $0xffff, v5  }
0x55: {  	[tilespmem:s25+$0x6A80] =	vst.add.f32.msk $0xffff, v5  }
0x56: {  	[tilespmem:s25+$0x9C80] =	vst.add.f32.msk $0xffff, v5  }
0x57: {  	[tilespmem:s25+$0x690] =	vst.add.f32.msk $0xffff, v6  }
0x58: {  	[tilespmem:s25+$0x3890] =	vst.add.f32.msk $0xffff, v6  }
0x59: {  	[tilespmem:s25+$0x6A90] =	vst.add.f32.msk $0xffff, v6  }
0x5a: {  	[tilespmem:s25+$0x9C90] =	vst.add.f32.msk $0xffff, v6  }
0x5b: {  	[tilespmem:s25+$0x6A0] =	vst.add.f32.msk $0xffff, v7  }
0x5c: {  	[tilespmem:s25+$0x38A0] =	vst.add.f32.msk $0xffff, v7  }
0x5d: {  	[tilespmem:s25+$0x6AA0] =	vst.add.f32.msk $0xffff, v7  }
0x5e: {  	[tilespmem:s25+$0x9CA0] =	vst.add.f32.msk $0xffff, v7  }
0x5f: {  	[tilespmem:s25+$0x6B0] =	vst.add.f32.msk $0xffff, v8  }
0x60: {  	[tilespmem:s25+$0x38B0] =	vst.add.f32.msk $0xffff, v8  }
0x61: {  	[tilespmem:s25+$0x6AB0] =	vst.add.f32.msk $0xffff, v8  }
0x62: {  	[tilespmem:s25+$0x9CB0] =	vst.add.f32.msk $0xffff, v8  }
0x63: {  	[tilespmem:s25+$0x6C0] =	vst.add.f32.msk $0xffff, v9  }
0x64: {  	[tilespmem:s25+$0x38C0] =	vst.add.f32.msk $0xffff, v9  }
0x65: {  	[tilespmem:s25+$0x6AC0] =	vst.add.f32.msk $0xffff, v9  }
0x66: {  	[tilespmem:s25+$0x9CC0] =	vst.add.f32.msk $0xffff, v9  }
0x67: {  	[tilespmem:s25+$0x6D0] =	vst.add.f32.msk $0xffff, v10  }
0x68: {  	[tilespmem:s25+$0x38D0] =	vst.add.f32.msk $0xffff, v10  }
0x69: {  	[tilespmem:s25+$0x6AD0] =	vst.add.f32.msk $0xffff, v10  }
0x6a: {  	[tilespmem:s25+$0x9CD0] =	vst.add.f32.msk $0xffff, v10  }
0x6b: {  	[tilespmem:s25+$0x6E0] =	vst.add.f32.msk $0xffff, v11  }
0x6c: {  	[tilespmem:s25+$0x38E0] =	vst.add.f32.msk $0xffff, v11  }
0x6d: {  	[tilespmem:s25+$0x6AE0] =	vst.add.f32.msk $0xffff, v11  }
0x6e: {  	[tilespmem:s25+$0x9CE0] =	vst.add.f32.msk $0xffff, v11  }
0x6f: {  	[tilespmem:s25+$0x6F0] =	vst.add.f32.msk $0xffff, v12  }
0x70: {  	[tilespmem:s25+$0x38F0] =	vst.add.f32.msk $0xffff, v12  }
0x71: {  	[tilespmem:s25+$0x6AF0] =	vst.add.f32.msk $0xffff, v12  }
0x72: {  	[tilespmem:s25+$0x9CF0] =	vst.add.f32.msk $0xffff, v12  }
0x73: {  	[tilespmem:s25+$0x700] =	vst.add.f32.msk $0xffff, v13  }
0x74: {  	[tilespmem:s25+$0x3900] =	vst.add.f32.msk $0xffff, v13  }
0x75: {  	[tilespmem:s25+$0x6B00] =	vst.add.f32.msk $0xffff, v13  }
0x76: {  	[tilespmem:s25+$0x9D00] =	vst.add.f32.msk $0xffff, v13  }
0x77: {  	[tilespmem:s25+$0x710] =	vst.add.f32.msk $0xffff, v14  }
0x78: {  	[tilespmem:s25+$0x3910] =	vst.add.f32.msk $0xffff, v14  }
0x79: {  	[tilespmem:s25+$0x6B10] =	vst.add.f32.msk $0xffff, v14  }
0x7a: {  	[tilespmem:s25+$0x9D10] =	vst.add.f32.msk $0xffff, v14  }
0x7b: {  	[tilespmem:s25+$0x720] =	vst.add.f32.msk $0xffff, v15  }
0x7c: {  	[tilespmem:s25+$0x3920] =	vst.add.f32.msk $0xffff, v15  }
0x7d: {  	[tilespmem:s25+$0x6B20] =	vst.add.f32.msk $0xffff, v15  }
0x7e: {  	[tilespmem:s25+$0x9D20] =	vst.add.f32.msk $0xffff, v15  }
0x7f: {  	[tilespmem:s25+$0x730] =	vst.add.f32.msk $0xffff, v16  }
0x80: {  	[tilespmem:s25+$0x3930] =	vst.add.f32.msk $0xffff, v16  }
0x81: {  	[tilespmem:s25+$0x6B30] =	vst.add.f32.msk $0xffff, v16  }
0x82: {  	[tilespmem:s25+$0x9D30] =	vst.add.f32.msk $0xffff, v16  }
0x83: {  	[tilespmem:s25+$0x740] =	vst.add.f32.msk $0xffff, v17  }
0x84: {  	[tilespmem:s25+$0x3940] =	vst.add.f32.msk $0xffff, v17  }
0x85: {  	[tilespmem:s25+$0x6B40] =	vst.add.f32.msk $0xffff, v17  }
0x86: {  	[tilespmem:s25+$0x9D40] =	vst.add.f32.msk $0xffff, v17  }
0x87: {  	[tilespmem:s25+$0x750] =	vst.add.f32.msk $0xffff, v18  }
0x88: {  	[tilespmem:s25+$0x3950] =	vst.add.f32.msk $0xffff, v18  }
0x89: {  	[tilespmem:s25+$0x6B50] =	vst.add.f32.msk $0xffff, v18  }
0x8a: {  	[tilespmem:s25+$0x9D50] =	vst.add.f32.msk $0xffff, v18  }
0x8b: {  	[tilespmem:s25+$0x760] =	vst.add.f32.msk $0xffff, v19  }
0x8c: {  	[tilespmem:s25+$0x3960] =	vst.add.f32.msk $0xffff, v19  }
0x8d: {  	[tilespmem:s25+$0x6B60] =	vst.add.f32.msk $0xffff, v19  }
0x8e: {  	[tilespmem:s25+$0x9D60] =	vst.add.f32.msk $0xffff, v19  }
0x8f: {  	[tilespmem:s25+$0x770] =	vst.add.f32.msk $0xffff, v20  }
0x90: {  	[tilespmem:s25+$0x3970] =	vst.add.f32.msk $0xffff, v20  }
0x91: {  	[tilespmem:s25+$0x6B70] =	vst.add.f32.msk $0xffff, v20  }
0x92: {  	[tilespmem:s25+$0x9D70] =	vst.add.f32.msk $0xffff, v20  }
0x93: {  	[tilespmem:s25+$0x780] =	vst.add.f32.msk $0xffff, v21  }
0x94: {  	[tilespmem:s25+$0x3980] =	vst.add.f32.msk $0xffff, v21  }
0x95: {  	[tilespmem:s25+$0x6B80] =	vst.add.f32.msk $0xffff, v21  }
0x96: {  	[tilespmem:s25+$0x9D80] =	vst.add.f32.msk $0xffff, v21  }
0x97: {  	[tilespmem:s25+$0x790] =	vst.add.f32.msk $0xffff, v22  }
0x98: {  	[tilespmem:s25+$0x3990] =	vst.add.f32.msk $0xffff, v22  }
0x99: {  	[tilespmem:s25+$0x6B90] =	vst.add.f32.msk $0xffff, v22  }
0x9a: {  	[tilespmem:s25+$0x9D90] =	vst.add.f32.msk $0xffff, v22  }
0x9b: {  	[tilespmem:s25+$0x7A0] =	vst.add.f32.msk $0xffff, v23  }
0x9c: {  	[tilespmem:s25+$0x39A0] =	vst.add.f32.msk $0xffff, v23  }
0x9d: {  	[tilespmem:s25+$0x6BA0] =	vst.add.f32.msk $0xffff, v23  }
0x9e: {  	[tilespmem:s25+$0x9DA0] =	vst.add.f32.msk $0xffff, v23  }
0x9f: {  	[tilespmem:s25+$0x7B0] =	vst.add.f32.msk $0xffff, v24  }
0xa0: {  	[tilespmem:s25+$0x39B0] =	vst.add.f32.msk $0xffff, v24  }
0xa1: {  	[tilespmem:s25+$0x6BB0] =	vst.add.f32.msk $0xffff, v24  }
0xa2: {  	[tilespmem:s25+$0x9DB0] =	vst.add.f32.msk $0xffff, v24  }
0xa3: {  	[tilespmem:s25+$0x7C0] =	vst.add.f32.msk $0xffff, v25  }
0xa4: {  	[tilespmem:s25+$0x39C0] =	vst.add.f32.msk $0xffff, v25  }
0xa5: {  	[tilespmem:s25+$0x6BC0] =	vst.add.f32.msk $0xffff, v25  }
0xa6: {  	[tilespmem:s25+$0x9DC0] =	vst.add.f32.msk $0xffff, v25  }
0xa7: {  	[tilespmem:s25+$0x7D0] =	vst.add.f32.msk $0xffff, v26  }
0xa8: {  	[tilespmem:s25+$0x39D0] =	vst.add.f32.msk $0xffff, v26  }
0xa9: {  	[tilespmem:s25+$0x6BD0] =	vst.add.f32.msk $0xffff, v26  }
0xaa: {  	[tilespmem:s25+$0x9DD0] =	vst.add.f32.msk $0xffff, v26  }
0xab: {  	[tilespmem:s25+$0x7E0] =	vst.add.f32.msk $0xffff, v27  }
0xac: {  	[tilespmem:s25+$0x39E0] =	vst.add.f32.msk $0xffff, v27  }
0xad: {  	[tilespmem:s25+$0x6BE0] =	vst.add.f32.msk $0xffff, v27  }
0xae: {  	[tilespmem:s25+$0x9DE0] =	vst.add.f32.msk $0xffff, v27  }
0xaf: {  	[tilespmem:s25+$0x7F0] =	vst.add.f32.msk $0xffff, v28  }
0xb0: {  	[tilespmem:s25+$0x39F0] =	vst.add.f32.msk $0xffff, v28  }
0xb1: {  	[tilespmem:s25+$0x6BF0] =	vst.add.f32.msk $0xffff, v28  }
0xb2: {  	[tilespmem:s25+$0x9DF0] =	vst.add.f32.msk $0xffff, v28  }
0xb3: {  	[tilespmem:s25+$0x800] =	vst.add.f32.msk $0xffff, v29  }
0xb4: {  	[tilespmem:s25+$0x3A00] =	vst.add.f32.msk $0xffff, v29  }
0xb5: {  	[tilespmem:s25+$0x6C00] =	vst.add.f32.msk $0xffff, v29  }
0xb6: {  	[tilespmem:s25+$0x9E00] =	vst.add.f32.msk $0xffff, v29  }
0xb7: {  	[tilespmem:s25+$0x810] =	vst.add.f32.msk $0xffff, v30  }
0xb8: {  	[tilespmem:s25+$0x3A10] =	vst.add.f32.msk $0xffff, v30  }
0xb9: {  	[tilespmem:s25+$0x6C10] =	vst.add.f32.msk $0xffff, v30  }
0xba: {  	[tilespmem:s25+$0x9E10] =	vst.add.f32.msk $0xffff, v30  }
0xbb: {  	[tilespmem:s25+$0x820] =	vst.add.f32.msk $0xffff, v31  }
0xbc: {  	[tilespmem:s25+$0x3A20] =	vst.add.f32.msk $0xffff, v31  }
0xbd: {  	[tilespmem:s25+$0x6C20] =	vst.add.f32.msk $0xffff, v31  }
0xbe: {  	[tilespmem:s25+$0x9E20] =	vst.add.f32.msk $0xffff, v31  }
0xbf: {  	[tilespmem:s25+$0x830] =	vst.add.f32.msk $0xffff, v0  }
0xc0: {  	s26 =	simm.s32 $0x0;
	s28 =	simm.s32 $0x800;
	[tilespmem:s25+$0x3A30] =	vst.add.f32.msk $0xffff, v0  }
.LBB2_2:
0xc1: {  	s26 =	sadd.s32 $0x8, s26;
	[tilespmem:s25+$0x6C30] =	vst.add.f32.msk $0xffff, v0;
	s25 =	sshra.s32 s28, $0x2  }
0xc2: {  	v0 =	vld [tilespmem:s25+$0x19830];
	p0 =	slt.u32 s26, $0xC0  }
0xc3: {  	v21 =	vld [tilespmem:s25+$0x19640]  }
0xc4: {  	v22 =	vld [tilespmem:s25+$0x19650]  }
0xc5: {  	v23 =	vld [tilespmem:s25+$0x19660]  }
0xc6: {  	v24 =	vld [tilespmem:s25+$0x19670]  }
0xc7: {  	[tilespmem:s25+$0x9E30] =	vst.add.f32.msk $0xffff, v0  }
0xc8: {  	v25 =	vld [tilespmem:s25+$0x19680]  }
0xc9: {  	v26 =	vld [tilespmem:s25+$0x19690]  }
0xca: {  	v27 =	vld [tilespmem:s25+$0x196A0]  }
0xcb: {  	v28 =	vld [tilespmem:s25+$0x196B0]  }
0xcc: {  	v29 =	vld [tilespmem:s25+$0x196C0]  }
0xcd: {  	v30 =	vld [tilespmem:s25+$0x196D0]  }
0xce: {  	v31 =	vld [tilespmem:s25+$0x196E0]  }
0xcf: {  	v20 =	vld [tilespmem:s25+$0x196F0]  }
0xd0: {  	v19 =	vld [tilespmem:s25+$0x19700]  }
0xd1: {  	v18 =	vld [tilespmem:s25+$0x19710]  }
0xd2: {  	v17 =	vld [tilespmem:s25+$0x19720]  }
0xd3: {  	v16 =	vld [tilespmem:s25+$0x19730]  }
0xd4: {  	v15 =	vld [tilespmem:s25+$0x19740]  }
0xd5: {  	v14 =	vld [tilespmem:s25+$0x19750]  }
0xd6: {  	v13 =	vld [tilespmem:s25+$0x19760]  }
0xd7: {  	v12 =	vld [tilespmem:s25+$0x19770]  }
0xd8: {  	v11 =	vld [tilespmem:s25+$0x19780]  }
0xd9: {  	v10 =	vld [tilespmem:s25+$0x19790]  }
0xda: {  	v9 =	vld [tilespmem:s25+$0x197A0]  }
0xdb: {  	v8 =	vld [tilespmem:s25+$0x197B0]  }
0xdc: {  	v7 =	vld [tilespmem:s25+$0x197C0]  }
0xdd: {  	v6 =	vld [tilespmem:s25+$0x197D0]  }
0xde: {  	v5 =	vld [tilespmem:s25+$0x197E0]  }
0xdf: {  	v4 =	vld [tilespmem:s25+$0x197F0]  }
0xe0: {  	v3 =	vld [tilespmem:s25+$0x19800]  }
0xe1: {  	v2 =	vld [tilespmem:s25+$0x19810]  }
0xe2: {  	v1 =	vld [tilespmem:s25+$0x19820]  }
0xe3: {  	[tilespmem:s25+$0x640] =	vst.add.f32.msk $0xffff, v21  }
0xe4: {  	[tilespmem:s25+$0x3840] =	vst.add.f32.msk $0xffff, v21  }
0xe5: {  	[tilespmem:s25+$0x6A40] =	vst.add.f32.msk $0xffff, v21  }
0xe6: {  	[tilespmem:s25+$0x9C40] =	vst.add.f32.msk $0xffff, v21  }
0xe7: {  	[tilespmem:s25+$0x650] =	vst.add.f32.msk $0xffff, v22  }
0xe8: {  	[tilespmem:s25+$0x3850] =	vst.add.f32.msk $0xffff, v22  }
0xe9: {  	[tilespmem:s25+$0x6A50] =	vst.add.f32.msk $0xffff, v22  }
0xea: {  	[tilespmem:s25+$0x9C50] =	vst.add.f32.msk $0xffff, v22  }
0xeb: {  	[tilespmem:s25+$0x660] =	vst.add.f32.msk $0xffff, v23  }
0xec: {  	[tilespmem:s25+$0x3860] =	vst.add.f32.msk $0xffff, v23  }
0xed: {  	[tilespmem:s25+$0x6A60] =	vst.add.f32.msk $0xffff, v23  }
0xee: {  	[tilespmem:s25+$0x9C60] =	vst.add.f32.msk $0xffff, v23  }
0xef: {  	[tilespmem:s25+$0x670] =	vst.add.f32.msk $0xffff, v24  }
0xf0: {  	[tilespmem:s25+$0x3870] =	vst.add.f32.msk $0xffff, v24  }
0xf1: {  	[tilespmem:s25+$0x6A70] =	vst.add.f32.msk $0xffff, v24  }
0xf2: {  	[tilespmem:s25+$0x9C70] =	vst.add.f32.msk $0xffff, v24  }
0xf3: {  	[tilespmem:s25+$0x680] =	vst.add.f32.msk $0xffff, v25  }
0xf4: {  	[tilespmem:s25+$0x3880] =	vst.add.f32.msk $0xffff, v25  }
0xf5: {  	[tilespmem:s25+$0x6A80] =	vst.add.f32.msk $0xffff, v25  }
0xf6: {  	[tilespmem:s25+$0x9C80] =	vst.add.f32.msk $0xffff, v25  }
0xf7: {  	[tilespmem:s25+$0x690] =	vst.add.f32.msk $0xffff, v26  }
0xf8: {  	[tilespmem:s25+$0x3890] =	vst.add.f32.msk $0xffff, v26  }
0xf9: {  	[tilespmem:s25+$0x6A90] =	vst.add.f32.msk $0xffff, v26  }
0xfa: {  	[tilespmem:s25+$0x9C90] =	vst.add.f32.msk $0xffff, v26  }
0xfb: {  	[tilespmem:s25+$0x6A0] =	vst.add.f32.msk $0xffff, v27  }
0xfc: {  	[tilespmem:s25+$0x38A0] =	vst.add.f32.msk $0xffff, v27  }
0xfd: {  	[tilespmem:s25+$0x6AA0] =	vst.add.f32.msk $0xffff, v27  }
0xfe: {  	[tilespmem:s25+$0x9CA0] =	vst.add.f32.msk $0xffff, v27  }
0xff: {  	[tilespmem:s25+$0x6B0] =	vst.add.f32.msk $0xffff, v28  }
0x100: {  	[tilespmem:s25+$0x38B0] =	vst.add.f32.msk $0xffff, v28  }
0x101: {  	[tilespmem:s25+$0x6AB0] =	vst.add.f32.msk $0xffff, v28  }
0x102: {  	[tilespmem:s25+$0x9CB0] =	vst.add.f32.msk $0xffff, v28  }
0x103: {  	[tilespmem:s25+$0x6C0] =	vst.add.f32.msk $0xffff, v29  }
0x104: {  	[tilespmem:s25+$0x38C0] =	vst.add.f32.msk $0xffff, v29  }
0x105: {  	[tilespmem:s25+$0x6AC0] =	vst.add.f32.msk $0xffff, v29  }
0x106: {  	[tilespmem:s25+$0x9CC0] =	vst.add.f32.msk $0xffff, v29  }
0x107: {  	[tilespmem:s25+$0x6D0] =	vst.add.f32.msk $0xffff, v30  }
0x108: {  	[tilespmem:s25+$0x38D0] =	vst.add.f32.msk $0xffff, v30  }
0x109: {  	[tilespmem:s25+$0x6AD0] =	vst.add.f32.msk $0xffff, v30  }
0x10a: {  	[tilespmem:s25+$0x9CD0] =	vst.add.f32.msk $0xffff, v30  }
0x10b: {  	[tilespmem:s25+$0x6E0] =	vst.add.f32.msk $0xffff, v31  }
0x10c: {  	[tilespmem:s25+$0x38E0] =	vst.add.f32.msk $0xffff, v31  }
0x10d: {  	[tilespmem:s25+$0x6AE0] =	vst.add.f32.msk $0xffff, v31  }
0x10e: {  	[tilespmem:s25+$0x9CE0] =	vst.add.f32.msk $0xffff, v31  }
0x10f: {  	[tilespmem:s25+$0x6F0] =	vst.add.f32.msk $0xffff, v20  }
0x110: {  	[tilespmem:s25+$0x38F0] =	vst.add.f32.msk $0xffff, v20  }
0x111: {  	[tilespmem:s25+$0x6AF0] =	vst.add.f32.msk $0xffff, v20  }
0x112: {  	[tilespmem:s25+$0x9CF0] =	vst.add.f32.msk $0xffff, v20  }
0x113: {  	[tilespmem:s25+$0x700] =	vst.add.f32.msk $0xffff, v19  }
0x114: {  	[tilespmem:s25+$0x3900] =	vst.add.f32.msk $0xffff, v19  }
0x115: {  	[tilespmem:s25+$0x6B00] =	vst.add.f32.msk $0xffff, v19  }
0x116: {  	[tilespmem:s25+$0x9D00] =	vst.add.f32.msk $0xffff, v19  }
0x117: {  	[tilespmem:s25+$0x710] =	vst.add.f32.msk $0xffff, v18  }
0x118: {  	[tilespmem:s25+$0x3910] =	vst.add.f32.msk $0xffff, v18  }
0x119: {  	[tilespmem:s25+$0x6B10] =	vst.add.f32.msk $0xffff, v18  }
0x11a: {  	[tilespmem:s25+$0x9D10] =	vst.add.f32.msk $0xffff, v18  }
0x11b: {  	[tilespmem:s25+$0x720] =	vst.add.f32.msk $0xffff, v17  }
0x11c: {  	[tilespmem:s25+$0x3920] =	vst.add.f32.msk $0xffff, v17  }
0x11d: {  	[tilespmem:s25+$0x6B20] =	vst.add.f32.msk $0xffff, v17  }
0x11e: {  	[tilespmem:s25+$0x9D20] =	vst.add.f32.msk $0xffff, v17  }
0x11f: {  	[tilespmem:s25+$0x730] =	vst.add.f32.msk $0xffff, v16  }
0x120: {  	[tilespmem:s25+$0x3930] =	vst.add.f32.msk $0xffff, v16  }
0x121: {  	[tilespmem:s25+$0x6B30] =	vst.add.f32.msk $0xffff, v16  }
0x122: {  	[tilespmem:s25+$0x9D30] =	vst.add.f32.msk $0xffff, v16  }
0x123: {  	[tilespmem:s25+$0x740] =	vst.add.f32.msk $0xffff, v15  }
0x124: {  	[tilespmem:s25+$0x3940] =	vst.add.f32.msk $0xffff, v15  }
0x125: {  	[tilespmem:s25+$0x6B40] =	vst.add.f32.msk $0xffff, v15  }
0x126: {  	[tilespmem:s25+$0x9D40] =	vst.add.f32.msk $0xffff, v15  }
0x127: {  	[tilespmem:s25+$0x750] =	vst.add.f32.msk $0xffff, v14  }
0x128: {  	[tilespmem:s25+$0x3950] =	vst.add.f32.msk $0xffff, v14  }
0x129: {  	[tilespmem:s25+$0x6B50] =	vst.add.f32.msk $0xffff, v14  }
0x12a: {  	[tilespmem:s25+$0x9D50] =	vst.add.f32.msk $0xffff, v14  }
0x12b: {  	[tilespmem:s25+$0x760] =	vst.add.f32.msk $0xffff, v13  }
0x12c: {  	[tilespmem:s25+$0x3960] =	vst.add.f32.msk $0xffff, v13  }
0x12d: {  	[tilespmem:s25+$0x6B60] =	vst.add.f32.msk $0xffff, v13  }
0x12e: {  	[tilespmem:s25+$0x9D60] =	vst.add.f32.msk $0xffff, v13  }
0x12f: {  	[tilespmem:s25+$0x770] =	vst.add.f32.msk $0xffff, v12  }
0x130: {  	[tilespmem:s25+$0x3970] =	vst.add.f32.msk $0xffff, v12  }
0x131: {  	[tilespmem:s25+$0x6B70] =	vst.add.f32.msk $0xffff, v12  }
0x132: {  	[tilespmem:s25+$0x9D70] =	vst.add.f32.msk $0xffff, v12  }
0x133: {  	[tilespmem:s25+$0x780] =	vst.add.f32.msk $0xffff, v11  }
0x134: {  	[tilespmem:s25+$0x3980] =	vst.add.f32.msk $0xffff, v11  }
0x135: {  	[tilespmem:s25+$0x6B80] =	vst.add.f32.msk $0xffff, v11  }
0x136: {  	[tilespmem:s25+$0x9D80] =	vst.add.f32.msk $0xffff, v11  }
0x137: {  	[tilespmem:s25+$0x790] =	vst.add.f32.msk $0xffff, v10  }
0x138: {  	[tilespmem:s25+$0x3990] =	vst.add.f32.msk $0xffff, v10  }
0x139: {  	[tilespmem:s25+$0x6B90] =	vst.add.f32.msk $0xffff, v10  }
0x13a: {  	[tilespmem:s25+$0x9D90] =	vst.add.f32.msk $0xffff, v10  }
0x13b: {  	[tilespmem:s25+$0x7A0] =	vst.add.f32.msk $0xffff, v9  }
0x13c: {  	[tilespmem:s25+$0x39A0] =	vst.add.f32.msk $0xffff, v9  }
0x13d: {  	[tilespmem:s25+$0x6BA0] =	vst.add.f32.msk $0xffff, v9  }
0x13e: {  	[tilespmem:s25+$0x9DA0] =	vst.add.f32.msk $0xffff, v9  }
0x13f: {  	[tilespmem:s25+$0x7B0] =	vst.add.f32.msk $0xffff, v8  }
0x140: {  	[tilespmem:s25+$0x39B0] =	vst.add.f32.msk $0xffff, v8  }
0x141: {  	[tilespmem:s25+$0x6BB0] =	vst.add.f32.msk $0xffff, v8  }
0x142: {  	[tilespmem:s25+$0x9DB0] =	vst.add.f32.msk $0xffff, v8  }
0x143: {  	[tilespmem:s25+$0x7C0] =	vst.add.f32.msk $0xffff, v7  }
0x144: {  	[tilespmem:s25+$0x39C0] =	vst.add.f32.msk $0xffff, v7  }
0x145: {  	[tilespmem:s25+$0x6BC0] =	vst.add.f32.msk $0xffff, v7  }
0x146: {  	[tilespmem:s25+$0x9DC0] =	vst.add.f32.msk $0xffff, v7  }
0x147: {  	[tilespmem:s25+$0x7D0] =	vst.add.f32.msk $0xffff, v6  }
0x148: {  	[tilespmem:s25+$0x39D0] =	vst.add.f32.msk $0xffff, v6  }
0x149: {  	[tilespmem:s25+$0x6BD0] =	vst.add.f32.msk $0xffff, v6  }
0x14a: {  	[tilespmem:s25+$0x9DD0] =	vst.add.f32.msk $0xffff, v6  }
0x14b: {  	[tilespmem:s25+$0x7E0] =	vst.add.f32.msk $0xffff, v5  }
0x14c: {  	[tilespmem:s25+$0x39E0] =	vst.add.f32.msk $0xffff, v5  }
0x14d: {  	[tilespmem:s25+$0x6BE0] =	vst.add.f32.msk $0xffff, v5  }
0x14e: {  	[tilespmem:s25+$0x9DE0] =	vst.add.f32.msk $0xffff, v5  }
0x14f: {  	[tilespmem:s25+$0x7F0] =	vst.add.f32.msk $0xffff, v4  }
0x150: {  	[tilespmem:s25+$0x39F0] =	vst.add.f32.msk $0xffff, v4  }
0x151: {  	[tilespmem:s25+$0x6BF0] =	vst.add.f32.msk $0xffff, v4  }
0x152: {  	[tilespmem:s25+$0x9DF0] =	vst.add.f32.msk $0xffff, v4  }
0x153: {  	[tilespmem:s25+$0x800] =	vst.add.f32.msk $0xffff, v3  }
0x154: {  	[tilespmem:s25+$0x3A00] =	vst.add.f32.msk $0xffff, v3  }
0x155: {  	[tilespmem:s25+$0x6C00] =	vst.add.f32.msk $0xffff, v3  }
0x156: {  	[tilespmem:s25+$0x9E00] =	vst.add.f32.msk $0xffff, v3  }
0x157: {  	[tilespmem:s25+$0x810] =	vst.add.f32.msk $0xffff, v2  }
0x158: {  	[tilespmem:s25+$0x3A10] =	vst.add.f32.msk $0xffff, v2  }
0x159: {  	[tilespmem:s25+$0x6C10] =	vst.add.f32.msk $0xffff, v2  }
0x15a: {  	[tilespmem:s25+$0x9E10] =	vst.add.f32.msk $0xffff, v2  }
0x15b: {  	[tilespmem:s25+$0x820] =	vst.add.f32.msk $0xffff, v1  }
.Ltmp0:
0x15c: {  	[tilespmem:s25+$0x3A20] =	vst.add.f32.msk $0xffff, v1;
	(pc) =	sbr.rel @p0 .LBB2_2-.Ltmp0, $4  }
0x15d: {  	[tilespmem:s25+$0x6C20] =	vst.add.f32.msk $0xffff, v1  }
0x15e: {  	[tilespmem:s25+$0x9E20] =	vst.add.f32.msk $0xffff, v1  }
0x15f: {  	[tilespmem:s25+$0x830] =	vst.add.f32.msk $0xffff, v0  }
0x160: {  	s28 =	sadd.s32 $0x800, s28;
	[tilespmem:s25+$0x3A30] =	vst.add.f32.msk $0xffff, v0  }
0x161: {  	[tilespmem:s25+$0x6C30] =	vst.add.f32.msk $0xffff, v0;
	s25 =	simm.s32 $0x0;
	s26 =	simm.s32 $0x0  }
0x162: {  	[hbm4b:s9+s25] =	stream.linear.scatter [tilespmem:s18], [sflag:$0x3], $0xC800, $0x38;
	[tilespmem:$0x1C840] =	vst v63  }
.LBB2_4:
0x163: {  	s29 =	smul.u32 $0x640, s26;
	_ =	sdelay $0x1  }
0x164: {  	_ =	swait.ge [sflag:s21], $0xC800;
	s28 =	sadd.s32 s29, s10  }
0x165: {  	[sflag:s21] =	ssyncset.done $0x0;
	s2 =	sshrl.u32 s28, $0x3  }
0x166: {  	[sflag:s21] =	ssyncadd.s32 $0xFFFF3800;
	s2 =	sadd.s32 s1, s2  }
0x167: {  	[tilespmem:s25], [sflag:$0x5] =	stream.linear.gather [hbm4b:s2+s25], $0x320, $0x38;
	[tilespmem:$0x1C840] =	vst v63  }
0x168: {  	_ =	swait.ge [sflag:s16], $0x320  }
0x169: {  	[sflag:s16] =	ssyncset.done $0x0  }
0x16a: {  	[sflag:s16] =	ssyncadd.s32 $0xFFFFFCE0  }
0x16b: {  	[tilespmem:s18], [sflag:$0x1] =	stream.indirect.gather [hbm4b:s5+s17], $0x40, s25, s17, $0xb8;
	[tilespmem:$0x1C840] =	vst v63  }
0x16c: {  	_ =	swait.ge [sflag:s22], $0xC800  }
0x16d: {  	[sflag:s22] =	ssyncset.done $0x0  }
0x16e: {  	s30 =	simm.s32 $0x0;
	[sflag:s22] =	ssyncadd.s32 $0xFFFF3800  }
0x16f: {  	v0 =	vld [tilespmem:s30+$0x19830]  }
0x170: {  	v1 =	vld [tilespmem:s30+$0x19640]  }
0x171: {  	v2 =	vld [tilespmem:s30+$0x19650]  }
0x172: {  	v3 =	vld [tilespmem:s30+$0x19660]  }
0x173: {  	v4 =	vld [tilespmem:s30+$0x19670]  }
0x174: {  	v5 =	vld [tilespmem:s30+$0x19680]  }
0x175: {  	v6 =	vld [tilespmem:s30+$0x19690]  }
0x176: {  	v7 =	vld [tilespmem:s30+$0x196A0]  }
0x177: {  	v8 =	vld [tilespmem:s30+$0x196B0]  }
0x178: {  	v9 =	vld [tilespmem:s30+$0x196C0]  }
0x179: {  	v10 =	vld [tilespmem:s30+$0x196D0]  }
0x17a: {  	v11 =	vld [tilespmem:s30+$0x196E0]  }
0x17b: {  	v12 =	vld [tilespmem:s30+$0x196F0]  }
0x17c: {  	v13 =	vld [tilespmem:s30+$0x19700]  }
0x17d: {  	v14 =	vld [tilespmem:s30+$0x19710]  }
0x17e: {  	v15 =	vld [tilespmem:s30+$0x19720]  }
0x17f: {  	v16 =	vld [tilespmem:s30+$0x19730]  }
0x180: {  	v17 =	vld [tilespmem:s30+$0x19740]  }
0x181: {  	v18 =	vld [tilespmem:s30+$0x19750]  }
0x182: {  	v19 =	vld [tilespmem:s30+$0x19760]  }
0x183: {  	v20 =	vld [tilespmem:s30+$0x19770]  }
0x184: {  	v21 =	vld [tilespmem:s30+$0x19780]  }
0x185: {  	v22 =	vld [tilespmem:s30+$0x19790]  }
0x186: {  	v23 =	vld [tilespmem:s30+$0x197A0]  }
0x187: {  	v24 =	vld [tilespmem:s30+$0x197B0]  }
0x188: {  	v25 =	vld [tilespmem:s30+$0x197C0]  }
0x189: {  	v26 =	vld [tilespmem:s30+$0x197D0]  }
0x18a: {  	v27 =	vld [tilespmem:s30+$0x197E0]  }
0x18b: {  	v28 =	vld [tilespmem:s30+$0x197F0]  }
0x18c: {  	v29 =	vld [tilespmem:s30+$0x19800]  }
0x18d: {  	v30 =	vld [tilespmem:s30+$0x19810]  }
0x18e: {  	v31 =	vld [tilespmem:s30+$0x19820]  }
0x18f: {  	[tilespmem:s30+$0x16630] =	vst.add.f32.msk $0xffff, v0  }
0x190: {  	[tilespmem:s30+$0xCE40] =	vst.add.f32.msk $0xffff, v1  }
0x191: {  	[tilespmem:s30+$0x10040] =	vst.add.f32.msk $0xffff, v1  }
0x192: {  	[tilespmem:s30+$0x13240] =	vst.add.f32.msk $0xffff, v1  }
0x193: {  	[tilespmem:s30+$0x16440] =	vst.add.f32.msk $0xffff, v1  }
0x194: {  	[tilespmem:s30+$0xCE50] =	vst.add.f32.msk $0xffff, v2  }
0x195: {  	[tilespmem:s30+$0x10050] =	vst.add.f32.msk $0xffff, v2  }
0x196: {  	[tilespmem:s30+$0x13250] =	vst.add.f32.msk $0xffff, v2  }
0x197: {  	[tilespmem:s30+$0x16450] =	vst.add.f32.msk $0xffff, v2  }
0x198: {  	[tilespmem:s30+$0xCE60] =	vst.add.f32.msk $0xffff, v3  }
0x199: {  	[tilespmem:s30+$0x10060] =	vst.add.f32.msk $0xffff, v3  }
0x19a: {  	[tilespmem:s30+$0x13260] =	vst.add.f32.msk $0xffff, v3  }
0x19b: {  	[tilespmem:s30+$0x16460] =	vst.add.f32.msk $0xffff, v3  }
0x19c: {  	[tilespmem:s30+$0xCE70] =	vst.add.f32.msk $0xffff, v4  }
0x19d: {  	[tilespmem:s30+$0x10070] =	vst.add.f32.msk $0xffff, v4  }
0x19e: {  	[tilespmem:s30+$0x13270] =	vst.add.f32.msk $0xffff, v4  }
0x19f: {  	[tilespmem:s30+$0x16470] =	vst.add.f32.msk $0xffff, v4  }
0x1a0: {  	[tilespmem:s30+$0xCE80] =	vst.add.f32.msk $0xffff, v5  }
0x1a1: {  	[tilespmem:s30+$0x10080] =	vst.add.f32.msk $0xffff, v5  }
0x1a2: {  	[tilespmem:s30+$0x13280] =	vst.add.f32.msk $0xffff, v5  }
0x1a3: {  	[tilespmem:s30+$0x16480] =	vst.add.f32.msk $0xffff, v5  }
0x1a4: {  	[tilespmem:s30+$0xCE90] =	vst.add.f32.msk $0xffff, v6  }
0x1a5: {  	[tilespmem:s30+$0x10090] =	vst.add.f32.msk $0xffff, v6  }
0x1a6: {  	[tilespmem:s30+$0x13290] =	vst.add.f32.msk $0xffff, v6  }
0x1a7: {  	[tilespmem:s30+$0x16490] =	vst.add.f32.msk $0xffff, v6  }
0x1a8: {  	[tilespmem:s30+$0xCEA0] =	vst.add.f32.msk $0xffff, v7  }
0x1a9: {  	[tilespmem:s30+$0x100A0] =	vst.add.f32.msk $0xffff, v7  }
0x1aa: {  	[tilespmem:s30+$0x132A0] =	vst.add.f32.msk $0xffff, v7  }
0x1ab: {  	[tilespmem:s30+$0x164A0] =	vst.add.f32.msk $0xffff, v7  }
0x1ac: {  	[tilespmem:s30+$0xCEB0] =	vst.add.f32.msk $0xffff, v8  }
0x1ad: {  	[tilespmem:s30+$0x100B0] =	vst.add.f32.msk $0xffff, v8  }
0x1ae: {  	[tilespmem:s30+$0x132B0] =	vst.add.f32.msk $0xffff, v8  }
0x1af: {  	[tilespmem:s30+$0x164B0] =	vst.add.f32.msk $0xffff, v8  }
0x1b0: {  	[tilespmem:s30+$0xCEC0] =	vst.add.f32.msk $0xffff, v9  }
0x1b1: {  	[tilespmem:s30+$0x100C0] =	vst.add.f32.msk $0xffff, v9  }
0x1b2: {  	[tilespmem:s30+$0x132C0] =	vst.add.f32.msk $0xffff, v9  }
0x1b3: {  	[tilespmem:s30+$0x164C0] =	vst.add.f32.msk $0xffff, v9  }
0x1b4: {  	[tilespmem:s30+$0xCED0] =	vst.add.f32.msk $0xffff, v10  }
0x1b5: {  	[tilespmem:s30+$0x100D0] =	vst.add.f32.msk $0xffff, v10  }
0x1b6: {  	[tilespmem:s30+$0x132D0] =	vst.add.f32.msk $0xffff, v10  }
0x1b7: {  	[tilespmem:s30+$0x164D0] =	vst.add.f32.msk $0xffff, v10  }
0x1b8: {  	[tilespmem:s30+$0xCEE0] =	vst.add.f32.msk $0xffff, v11  }
0x1b9: {  	[tilespmem:s30+$0x100E0] =	vst.add.f32.msk $0xffff, v11  }
0x1ba: {  	[tilespmem:s30+$0x132E0] =	vst.add.f32.msk $0xffff, v11  }
0x1bb: {  	[tilespmem:s30+$0x164E0] =	vst.add.f32.msk $0xffff, v11  }
0x1bc: {  	[tilespmem:s30+$0xCEF0] =	vst.add.f32.msk $0xffff, v12  }
0x1bd: {  	[tilespmem:s30+$0x100F0] =	vst.add.f32.msk $0xffff, v12  }
0x1be: {  	[tilespmem:s30+$0x132F0] =	vst.add.f32.msk $0xffff, v12  }
0x1bf: {  	[tilespmem:s30+$0x164F0] =	vst.add.f32.msk $0xffff, v12  }
0x1c0: {  	[tilespmem:s30+$0xCF00] =	vst.add.f32.msk $0xffff, v13  }
0x1c1: {  	[tilespmem:s30+$0x10100] =	vst.add.f32.msk $0xffff, v13  }
0x1c2: {  	[tilespmem:s30+$0x13300] =	vst.add.f32.msk $0xffff, v13  }
0x1c3: {  	[tilespmem:s30+$0x16500] =	vst.add.f32.msk $0xffff, v13  }
0x1c4: {  	[tilespmem:s30+$0xCF10] =	vst.add.f32.msk $0xffff, v14  }
0x1c5: {  	[tilespmem:s30+$0x10110] =	vst.add.f32.msk $0xffff, v14  }
0x1c6: {  	[tilespmem:s30+$0x13310] =	vst.add.f32.msk $0xffff, v14  }
0x1c7: {  	[tilespmem:s30+$0x16510] =	vst.add.f32.msk $0xffff, v14  }
0x1c8: {  	[tilespmem:s30+$0xCF20] =	vst.add.f32.msk $0xffff, v15  }
0x1c9: {  	[tilespmem:s30+$0x10120] =	vst.add.f32.msk $0xffff, v15  }
0x1ca: {  	[tilespmem:s30+$0x13320] =	vst.add.f32.msk $0xffff, v15  }
0x1cb: {  	[tilespmem:s30+$0x16520] =	vst.add.f32.msk $0xffff, v15  }
0x1cc: {  	[tilespmem:s30+$0xCF30] =	vst.add.f32.msk $0xffff, v16  }
0x1cd: {  	[tilespmem:s30+$0x10130] =	vst.add.f32.msk $0xffff, v16  }
0x1ce: {  	[tilespmem:s30+$0x13330] =	vst.add.f32.msk $0xffff, v16  }
0x1cf: {  	[tilespmem:s30+$0x16530] =	vst.add.f32.msk $0xffff, v16  }
0x1d0: {  	[tilespmem:s30+$0xCF40] =	vst.add.f32.msk $0xffff, v17  }
0x1d1: {  	[tilespmem:s30+$0x10140] =	vst.add.f32.msk $0xffff, v17  }
0x1d2: {  	[tilespmem:s30+$0x13340] =	vst.add.f32.msk $0xffff, v17  }
0x1d3: {  	[tilespmem:s30+$0x16540] =	vst.add.f32.msk $0xffff, v17  }
0x1d4: {  	[tilespmem:s30+$0xCF50] =	vst.add.f32.msk $0xffff, v18  }
0x1d5: {  	[tilespmem:s30+$0x10150] =	vst.add.f32.msk $0xffff, v18  }
0x1d6: {  	[tilespmem:s30+$0x13350] =	vst.add.f32.msk $0xffff, v18  }
0x1d7: {  	[tilespmem:s30+$0x16550] =	vst.add.f32.msk $0xffff, v18  }
0x1d8: {  	[tilespmem:s30+$0xCF60] =	vst.add.f32.msk $0xffff, v19  }
0x1d9: {  	[tilespmem:s30+$0x10160] =	vst.add.f32.msk $0xffff, v19  }
0x1da: {  	[tilespmem:s30+$0x13360] =	vst.add.f32.msk $0xffff, v19  }
0x1db: {  	[tilespmem:s30+$0x16560] =	vst.add.f32.msk $0xffff, v19  }
0x1dc: {  	[tilespmem:s30+$0xCF70] =	vst.add.f32.msk $0xffff, v20  }
0x1dd: {  	[tilespmem:s30+$0x10170] =	vst.add.f32.msk $0xffff, v20  }
0x1de: {  	[tilespmem:s30+$0x13370] =	vst.add.f32.msk $0xffff, v20  }
0x1df: {  	[tilespmem:s30+$0x16570] =	vst.add.f32.msk $0xffff, v20  }
0x1e0: {  	[tilespmem:s30+$0xCF80] =	vst.add.f32.msk $0xffff, v21  }
0x1e1: {  	[tilespmem:s30+$0x10180] =	vst.add.f32.msk $0xffff, v21  }
0x1e2: {  	[tilespmem:s30+$0x13380] =	vst.add.f32.msk $0xffff, v21  }
0x1e3: {  	[tilespmem:s30+$0x16580] =	vst.add.f32.msk $0xffff, v21  }
0x1e4: {  	[tilespmem:s30+$0xCF90] =	vst.add.f32.msk $0xffff, v22  }
0x1e5: {  	[tilespmem:s30+$0x10190] =	vst.add.f32.msk $0xffff, v22  }
0x1e6: {  	[tilespmem:s30+$0x13390] =	vst.add.f32.msk $0xffff, v22  }
0x1e7: {  	[tilespmem:s30+$0x16590] =	vst.add.f32.msk $0xffff, v22  }
0x1e8: {  	[tilespmem:s30+$0xCFA0] =	vst.add.f32.msk $0xffff, v23  }
0x1e9: {  	[tilespmem:s30+$0x101A0] =	vst.add.f32.msk $0xffff, v23  }
0x1ea: {  	[tilespmem:s30+$0x133A0] =	vst.add.f32.msk $0xffff, v23  }
0x1eb: {  	[tilespmem:s30+$0x165A0] =	vst.add.f32.msk $0xffff, v23  }
0x1ec: {  	[tilespmem:s30+$0xCFB0] =	vst.add.f32.msk $0xffff, v24  }
0x1ed: {  	[tilespmem:s30+$0x101B0] =	vst.add.f32.msk $0xffff, v24  }
0x1ee: {  	[tilespmem:s30+$0x133B0] =	vst.add.f32.msk $0xffff, v24  }
0x1ef: {  	[tilespmem:s30+$0x165B0] =	vst.add.f32.msk $0xffff, v24  }
0x1f0: {  	[tilespmem:s30+$0xCFC0] =	vst.add.f32.msk $0xffff, v25  }
0x1f1: {  	[tilespmem:s30+$0x101C0] =	vst.add.f32.msk $0xffff, v25  }
0x1f2: {  	[tilespmem:s30+$0x133C0] =	vst.add.f32.msk $0xffff, v25  }
0x1f3: {  	[tilespmem:s30+$0x165C0] =	vst.add.f32.msk $0xffff, v25  }
0x1f4: {  	[tilespmem:s30+$0xCFD0] =	vst.add.f32.msk $0xffff, v26  }
0x1f5: {  	[tilespmem:s30+$0x101D0] =	vst.add.f32.msk $0xffff, v26  }
0x1f6: {  	[tilespmem:s30+$0x133D0] =	vst.add.f32.msk $0xffff, v26  }
0x1f7: {  	[tilespmem:s30+$0x165D0] =	vst.add.f32.msk $0xffff, v26  }
0x1f8: {  	[tilespmem:s30+$0xCFE0] =	vst.add.f32.msk $0xffff, v27  }
0x1f9: {  	[tilespmem:s30+$0x101E0] =	vst.add.f32.msk $0xffff, v27  }
0x1fa: {  	[tilespmem:s30+$0x133E0] =	vst.add.f32.msk $0xffff, v27  }
0x1fb: {  	[tilespmem:s30+$0x165E0] =	vst.add.f32.msk $0xffff, v27  }
0x1fc: {  	[tilespmem:s30+$0xCFF0] =	vst.add.f32.msk $0xffff, v28  }
0x1fd: {  	[tilespmem:s30+$0x101F0] =	vst.add.f32.msk $0xffff, v28  }
0x1fe: {  	[tilespmem:s30+$0x133F0] =	vst.add.f32.msk $0xffff, v28  }
0x1ff: {  	[tilespmem:s30+$0x165F0] =	vst.add.f32.msk $0xffff, v28  }
0x200: {  	[tilespmem:s30+$0xD000] =	vst.add.f32.msk $0xffff, v29  }
0x201: {  	[tilespmem:s30+$0x10200] =	vst.add.f32.msk $0xffff, v29  }
0x202: {  	[tilespmem:s30+$0x13400] =	vst.add.f32.msk $0xffff, v29  }
0x203: {  	[tilespmem:s30+$0x16600] =	vst.add.f32.msk $0xffff, v29  }
0x204: {  	[tilespmem:s30+$0xD010] =	vst.add.f32.msk $0xffff, v30  }
0x205: {  	[tilespmem:s30+$0x10210] =	vst.add.f32.msk $0xffff, v30  }
0x206: {  	[tilespmem:s30+$0x13410] =	vst.add.f32.msk $0xffff, v30  }
0x207: {  	[tilespmem:s30+$0x16610] =	vst.add.f32.msk $0xffff, v30  }
0x208: {  	[tilespmem:s30+$0xD020] =	vst.add.f32.msk $0xffff, v31  }
0x209: {  	[tilespmem:s30+$0x10220] =	vst.add.f32.msk $0xffff, v31  }
0x20a: {  	[tilespmem:s30+$0x13420] =	vst.add.f32.msk $0xffff, v31  }
0x20b: {  	[tilespmem:s30+$0x16620] =	vst.add.f32.msk $0xffff, v31  }
0x20c: {  	[tilespmem:s30+$0xD030] =	vst.add.f32.msk $0xffff, v0  }
0x20d: {  	s31 =	simm.s32 $0x0;
	s2 =	simm.s32 $0x800;
	[tilespmem:s30+$0x10230] =	vst.add.f32.msk $0xffff, v0  }
.LBB2_5:
0x20e: {  	s31 =	sadd.s32 $0x8, s31;
	[tilespmem:s30+$0x13430] =	vst.add.f32.msk $0xffff, v0;
	s30 =	sshra.s32 s2, $0x2  }
0x20f: {  	v0 =	vld [tilespmem:s30+$0x19830];
	p0 =	slt.u32 s31, $0xC0  }
0x210: {  	v21 =	vld [tilespmem:s30+$0x19640]  }
0x211: {  	v22 =	vld [tilespmem:s30+$0x19650]  }
0x212: {  	v23 =	vld [tilespmem:s30+$0x19660]  }
0x213: {  	v24 =	vld [tilespmem:s30+$0x19670]  }
0x214: {  	[tilespmem:s30+$0x16630] =	vst.add.f32.msk $0xffff, v0  }
0x215: {  	v25 =	vld [tilespmem:s30+$0x19680]  }
0x216: {  	v26 =	vld [tilespmem:s30+$0x19690]  }
0x217: {  	v27 =	vld [tilespmem:s30+$0x196A0]  }
0x218: {  	v28 =	vld [tilespmem:s30+$0x196B0]  }
0x219: {  	v29 =	vld [tilespmem:s30+$0x196C0]  }
0x21a: {  	v30 =	vld [tilespmem:s30+$0x196D0]  }
0x21b: {  	v31 =	vld [tilespmem:s30+$0x196E0]  }
0x21c: {  	v20 =	vld [tilespmem:s30+$0x196F0]  }
0x21d: {  	v19 =	vld [tilespmem:s30+$0x19700]  }
0x21e: {  	v18 =	vld [tilespmem:s30+$0x19710]  }
0x21f: {  	v17 =	vld [tilespmem:s30+$0x19720]  }
0x220: {  	v16 =	vld [tilespmem:s30+$0x19730]  }
0x221: {  	v15 =	vld [tilespmem:s30+$0x19740]  }
0x222: {  	v14 =	vld [tilespmem:s30+$0x19750]  }
0x223: {  	v13 =	vld [tilespmem:s30+$0x19760]  }
0x224: {  	v12 =	vld [tilespmem:s30+$0x19770]  }
0x225: {  	v11 =	vld [tilespmem:s30+$0x19780]  }
0x226: {  	v10 =	vld [tilespmem:s30+$0x19790]  }
0x227: {  	v9 =	vld [tilespmem:s30+$0x197A0]  }
0x228: {  	v8 =	vld [tilespmem:s30+$0x197B0]  }
0x229: {  	v7 =	vld [tilespmem:s30+$0x197C0]  }
0x22a: {  	v6 =	vld [tilespmem:s30+$0x197D0]  }
0x22b: {  	v5 =	vld [tilespmem:s30+$0x197E0]  }
0x22c: {  	v4 =	vld [tilespmem:s30+$0x197F0]  }
0x22d: {  	v3 =	vld [tilespmem:s30+$0x19800]  }
0x22e: {  	v2 =	vld [tilespmem:s30+$0x19810]  }
0x22f: {  	v1 =	vld [tilespmem:s30+$0x19820]  }
0x230: {  	[tilespmem:s30+$0xCE40] =	vst.add.f32.msk $0xffff, v21  }
0x231: {  	[tilespmem:s30+$0x10040] =	vst.add.f32.msk $0xffff, v21  }
0x232: {  	[tilespmem:s30+$0x13240] =	vst.add.f32.msk $0xffff, v21  }
0x233: {  	[tilespmem:s30+$0x16440] =	vst.add.f32.msk $0xffff, v21  }
0x234: {  	[tilespmem:s30+$0xCE50] =	vst.add.f32.msk $0xffff, v22  }
0x235: {  	[tilespmem:s30+$0x10050] =	vst.add.f32.msk $0xffff, v22  }
0x236: {  	[tilespmem:s30+$0x13250] =	vst.add.f32.msk $0xffff, v22  }
0x237: {  	[tilespmem:s30+$0x16450] =	vst.add.f32.msk $0xffff, v22  }
0x238: {  	[tilespmem:s30+$0xCE60] =	vst.add.f32.msk $0xffff, v23  }
0x239: {  	[tilespmem:s30+$0x10060] =	vst.add.f32.msk $0xffff, v23  }
0x23a: {  	[tilespmem:s30+$0x13260] =	vst.add.f32.msk $0xffff, v23  }
0x23b: {  	[tilespmem:s30+$0x16460] =	vst.add.f32.msk $0xffff, v23  }
0x23c: {  	[tilespmem:s30+$0xCE70] =	vst.add.f32.msk $0xffff, v24  }
0x23d: {  	[tilespmem:s30+$0x10070] =	vst.add.f32.msk $0xffff, v24  }
0x23e: {  	[tilespmem:s30+$0x13270] =	vst.add.f32.msk $0xffff, v24  }
0x23f: {  	[tilespmem:s30+$0x16470] =	vst.add.f32.msk $0xffff, v24  }
0x240: {  	[tilespmem:s30+$0xCE80] =	vst.add.f32.msk $0xffff, v25  }
0x241: {  	[tilespmem:s30+$0x10080] =	vst.add.f32.msk $0xffff, v25  }
0x242: {  	[tilespmem:s30+$0x13280] =	vst.add.f32.msk $0xffff, v25  }
0x243: {  	[tilespmem:s30+$0x16480] =	vst.add.f32.msk $0xffff, v25  }
0x244: {  	[tilespmem:s30+$0xCE90] =	vst.add.f32.msk $0xffff, v26  }
0x245: {  	[tilespmem:s30+$0x10090] =	vst.add.f32.msk $0xffff, v26  }
0x246: {  	[tilespmem:s30+$0x13290] =	vst.add.f32.msk $0xffff, v26  }
0x247: {  	[tilespmem:s30+$0x16490] =	vst.add.f32.msk $0xffff, v26  }
0x248: {  	[tilespmem:s30+$0xCEA0] =	vst.add.f32.msk $0xffff, v27  }
0x249: {  	[tilespmem:s30+$0x100A0] =	vst.add.f32.msk $0xffff, v27  }
0x24a: {  	[tilespmem:s30+$0x132A0] =	vst.add.f32.msk $0xffff, v27  }
0x24b: {  	[tilespmem:s30+$0x164A0] =	vst.add.f32.msk $0xffff, v27  }
0x24c: {  	[tilespmem:s30+$0xCEB0] =	vst.add.f32.msk $0xffff, v28  }
0x24d: {  	[tilespmem:s30+$0x100B0] =	vst.add.f32.msk $0xffff, v28  }
0x24e: {  	[tilespmem:s30+$0x132B0] =	vst.add.f32.msk $0xffff, v28  }
0x24f: {  	[tilespmem:s30+$0x164B0] =	vst.add.f32.msk $0xffff, v28  }
0x250: {  	[tilespmem:s30+$0xCEC0] =	vst.add.f32.msk $0xffff, v29  }
0x251: {  	[tilespmem:s30+$0x100C0] =	vst.add.f32.msk $0xffff, v29  }
0x252: {  	[tilespmem:s30+$0x132C0] =	vst.add.f32.msk $0xffff, v29  }
0x253: {  	[tilespmem:s30+$0x164C0] =	vst.add.f32.msk $0xffff, v29  }
0x254: {  	[tilespmem:s30+$0xCED0] =	vst.add.f32.msk $0xffff, v30  }
0x255: {  	[tilespmem:s30+$0x100D0] =	vst.add.f32.msk $0xffff, v30  }
0x256: {  	[tilespmem:s30+$0x132D0] =	vst.add.f32.msk $0xffff, v30  }
0x257: {  	[tilespmem:s30+$0x164D0] =	vst.add.f32.msk $0xffff, v30  }
0x258: {  	[tilespmem:s30+$0xCEE0] =	vst.add.f32.msk $0xffff, v31  }
0x259: {  	[tilespmem:s30+$0x100E0] =	vst.add.f32.msk $0xffff, v31  }
0x25a: {  	[tilespmem:s30+$0x132E0] =	vst.add.f32.msk $0xffff, v31  }
0x25b: {  	[tilespmem:s30+$0x164E0] =	vst.add.f32.msk $0xffff, v31  }
0x25c: {  	[tilespmem:s30+$0xCEF0] =	vst.add.f32.msk $0xffff, v20  }
0x25d: {  	[tilespmem:s30+$0x100F0] =	vst.add.f32.msk $0xffff, v20  }
0x25e: {  	[tilespmem:s30+$0x132F0] =	vst.add.f32.msk $0xffff, v20  }
0x25f: {  	[tilespmem:s30+$0x164F0] =	vst.add.f32.msk $0xffff, v20  }
0x260: {  	[tilespmem:s30+$0xCF00] =	vst.add.f32.msk $0xffff, v19  }
0x261: {  	[tilespmem:s30+$0x10100] =	vst.add.f32.msk $0xffff, v19  }
0x262: {  	[tilespmem:s30+$0x13300] =	vst.add.f32.msk $0xffff, v19  }
0x263: {  	[tilespmem:s30+$0x16500] =	vst.add.f32.msk $0xffff, v19  }
0x264: {  	[tilespmem:s30+$0xCF10] =	vst.add.f32.msk $0xffff, v18  }
0x265: {  	[tilespmem:s30+$0x10110] =	vst.add.f32.msk $0xffff, v18  }
0x266: {  	[tilespmem:s30+$0x13310] =	vst.add.f32.msk $0xffff, v18  }
0x267: {  	[tilespmem:s30+$0x16510] =	vst.add.f32.msk $0xffff, v18  }
0x268: {  	[tilespmem:s30+$0xCF20] =	vst.add.f32.msk $0xffff, v17  }
0x269: {  	[tilespmem:s30+$0x10120] =	vst.add.f32.msk $0xffff, v17  }
0x26a: {  	[tilespmem:s30+$0x13320] =	vst.add.f32.msk $0xffff, v17  }
0x26b: {  	[tilespmem:s30+$0x16520] =	vst.add.f32.msk $0xffff, v17  }
0x26c: {  	[tilespmem:s30+$0xCF30] =	vst.add.f32.msk $0xffff, v16  }
0x26d: {  	[tilespmem:s30+$0x10130] =	vst.add.f32.msk $0xffff, v16  }
0x26e: {  	[tilespmem:s30+$0x13330] =	vst.add.f32.msk $0xffff, v16  }
0x26f: {  	[tilespmem:s30+$0x16530] =	vst.add.f32.msk $0xffff, v16  }
0x270: {  	[tilespmem:s30+$0xCF40] =	vst.add.f32.msk $0xffff, v15  }
0x271: {  	[tilespmem:s30+$0x10140] =	vst.add.f32.msk $0xffff, v15  }
0x272: {  	[tilespmem:s30+$0x13340] =	vst.add.f32.msk $0xffff, v15  }
0x273: {  	[tilespmem:s30+$0x16540] =	vst.add.f32.msk $0xffff, v15  }
0x274: {  	[tilespmem:s30+$0xCF50] =	vst.add.f32.msk $0xffff, v14  }
0x275: {  	[tilespmem:s30+$0x10150] =	vst.add.f32.msk $0xffff, v14  }
0x276: {  	[tilespmem:s30+$0x13350] =	vst.add.f32.msk $0xffff, v14  }
0x277: {  	[tilespmem:s30+$0x16550] =	vst.add.f32.msk $0xffff, v14  }
0x278: {  	[tilespmem:s30+$0xCF60] =	vst.add.f32.msk $0xffff, v13  }
0x279: {  	[tilespmem:s30+$0x10160] =	vst.add.f32.msk $0xffff, v13  }
0x27a: {  	[tilespmem:s30+$0x13360] =	vst.add.f32.msk $0xffff, v13  }
0x27b: {  	[tilespmem:s30+$0x16560] =	vst.add.f32.msk $0xffff, v13  }
0x27c: {  	[tilespmem:s30+$0xCF70] =	vst.add.f32.msk $0xffff, v12  }
0x27d: {  	[tilespmem:s30+$0x10170] =	vst.add.f32.msk $0xffff, v12  }
0x27e: {  	[tilespmem:s30+$0x13370] =	vst.add.f32.msk $0xffff, v12  }
0x27f: {  	[tilespmem:s30+$0x16570] =	vst.add.f32.msk $0xffff, v12  }
0x280: {  	[tilespmem:s30+$0xCF80] =	vst.add.f32.msk $0xffff, v11  }
0x281: {  	[tilespmem:s30+$0x10180] =	vst.add.f32.msk $0xffff, v11  }
0x282: {  	[tilespmem:s30+$0x13380] =	vst.add.f32.msk $0xffff, v11  }
0x283: {  	[tilespmem:s30+$0x16580] =	vst.add.f32.msk $0xffff, v11  }
0x284: {  	[tilespmem:s30+$0xCF90] =	vst.add.f32.msk $0xffff, v10  }
0x285: {  	[tilespmem:s30+$0x10190] =	vst.add.f32.msk $0xffff, v10  }
0x286: {  	[tilespmem:s30+$0x13390] =	vst.add.f32.msk $0xffff, v10  }
0x287: {  	[tilespmem:s30+$0x16590] =	vst.add.f32.msk $0xffff, v10  }
0x288: {  	[tilespmem:s30+$0xCFA0] =	vst.add.f32.msk $0xffff, v9  }
0x289: {  	[tilespmem:s30+$0x101A0] =	vst.add.f32.msk $0xffff, v9  }
0x28a: {  	[tilespmem:s30+$0x133A0] =	vst.add.f32.msk $0xffff, v9  }
0x28b: {  	[tilespmem:s30+$0x165A0] =	vst.add.f32.msk $0xffff, v9  }
0x28c: {  	[tilespmem:s30+$0xCFB0] =	vst.add.f32.msk $0xffff, v8  }
0x28d: {  	[tilespmem:s30+$0x101B0] =	vst.add.f32.msk $0xffff, v8  }
0x28e: {  	[tilespmem:s30+$0x133B0] =	vst.add.f32.msk $0xffff, v8  }
0x28f: {  	[tilespmem:s30+$0x165B0] =	vst.add.f32.msk $0xffff, v8  }
0x290: {  	[tilespmem:s30+$0xCFC0] =	vst.add.f32.msk $0xffff, v7  }
0x291: {  	[tilespmem:s30+$0x101C0] =	vst.add.f32.msk $0xffff, v7  }
0x292: {  	[tilespmem:s30+$0x133C0] =	vst.add.f32.msk $0xffff, v7  }
0x293: {  	[tilespmem:s30+$0x165C0] =	vst.add.f32.msk $0xffff, v7  }
0x294: {  	[tilespmem:s30+$0xCFD0] =	vst.add.f32.msk $0xffff, v6  }
0x295: {  	[tilespmem:s30+$0x101D0] =	vst.add.f32.msk $0xffff, v6  }
0x296: {  	[tilespmem:s30+$0x133D0] =	vst.add.f32.msk $0xffff, v6  }
0x297: {  	[tilespmem:s30+$0x165D0] =	vst.add.f32.msk $0xffff, v6  }
0x298: {  	[tilespmem:s30+$0xCFE0] =	vst.add.f32.msk $0xffff, v5  }
0x299: {  	[tilespmem:s30+$0x101E0] =	vst.add.f32.msk $0xffff, v5  }
0x29a: {  	[tilespmem:s30+$0x133E0] =	vst.add.f32.msk $0xffff, v5  }
0x29b: {  	[tilespmem:s30+$0x165E0] =	vst.add.f32.msk $0xffff, v5  }
0x29c: {  	[tilespmem:s30+$0xCFF0] =	vst.add.f32.msk $0xffff, v4  }
0x29d: {  	[tilespmem:s30+$0x101F0] =	vst.add.f32.msk $0xffff, v4  }
0x29e: {  	[tilespmem:s30+$0x133F0] =	vst.add.f32.msk $0xffff, v4  }
0x29f: {  	[tilespmem:s30+$0x165F0] =	vst.add.f32.msk $0xffff, v4  }
0x2a0: {  	[tilespmem:s30+$0xD000] =	vst.add.f32.msk $0xffff, v3  }
0x2a1: {  	[tilespmem:s30+$0x10200] =	vst.add.f32.msk $0xffff, v3  }
0x2a2: {  	[tilespmem:s30+$0x13400] =	vst.add.f32.msk $0xffff, v3  }
0x2a3: {  	[tilespmem:s30+$0x16600] =	vst.add.f32.msk $0xffff, v3  }
0x2a4: {  	[tilespmem:s30+$0xD010] =	vst.add.f32.msk $0xffff, v2  }
0x2a5: {  	[tilespmem:s30+$0x10210] =	vst.add.f32.msk $0xffff, v2  }
0x2a6: {  	[tilespmem:s30+$0x13410] =	vst.add.f32.msk $0xffff, v2  }
0x2a7: {  	[tilespmem:s30+$0x16610] =	vst.add.f32.msk $0xffff, v2  }
0x2a8: {  	[tilespmem:s30+$0xD020] =	vst.add.f32.msk $0xffff, v1  }
.Ltmp1:
0x2a9: {  	[tilespmem:s30+$0x10220] =	vst.add.f32.msk $0xffff, v1;
	(pc) =	sbr.rel @p0 .LBB2_5-.Ltmp1, $4  }
0x2aa: {  	[tilespmem:s30+$0x13420] =	vst.add.f32.msk $0xffff, v1  }
0x2ab: {  	[tilespmem:s30+$0x16620] =	vst.add.f32.msk $0xffff, v1  }
0x2ac: {  	[tilespmem:s30+$0xD030] =	vst.add.f32.msk $0xffff, v0  }
0x2ad: {  	s2 =	sadd.s32 $0x800, s2;
	[tilespmem:s30+$0x10230] =	vst.add.f32.msk $0xffff, v0  }
0x2ae: {  	s2 =	sadd.s32 s29, s11  }
0x2af: {  	s2 =	sshll.u32 s2, $0x3  }
0x2b0: {  	s2 =	sand.u32 $0x1FFFFF00, s2  }
0x2b1: {  	[tilespmem:s30+$0x13430] =	vst.add.f32.msk $0xffff, v0;
	s30 =	simm.s32 $0x0;
	s2 =	sadd.s32 s3, s2  }
0x2b2: {  	[hbm4b:s2+s30] =	stream.linear.scatter [tilespmem:s19], [sflag:$0x4], $0xC800, $0x38;
	[tilespmem:$0x1C840] =	vst v63  }
0x2b3: {  	s31 =	sadd.s32 s29, s12;
	_ =	swait.ge [sflag:s23], $0xC800  }
0x2b4: {  	s2 =	sshrl.u32 s31, $0x3;
	[sflag:s23] =	ssyncset.done $0x0  }
0x2b5: {  	s2 =	sadd.s32 s1, s2;
	[sflag:s23] =	ssyncadd.s32 $0xFFFF3800  }
0x2b6: {  	[tilespmem:s17], [sflag:$0x5] =	stream.linear.gather [hbm4b:s2+s30], $0x320, $0x38;
	[tilespmem:$0x1C840] =	vst v63  }
0x2b7: {  	_ =	swait.ge [sflag:s16], $0x320  }
0x2b8: {  	[sflag:s16] =	ssyncset.done $0x0  }
0x2b9: {  	[sflag:s16] =	ssyncadd.s32 $0xFFFFFCE0  }
0x2ba: {  	[tilespmem:s19], [sflag:$0x2] =	stream.indirect.gather [hbm4b:s5+s17], $0x40, s17, s17, $0xb8;
	[tilespmem:$0x1C840] =	vst v63  }
0x2bb: {  	_ =	swait.ge [sflag:s20], $0xC800  }
0x2bc: {  	[sflag:s20] =	ssyncset.done $0x0  }
0x2bd: {  	s29 =	simm.s32 $0x0;
	[sflag:s20] =	ssyncadd.s32 $0xFFFF3800  }
0x2be: {  	v0 =	vld [tilespmem:s29+$0x19830]  }
0x2bf: {  	v1 =	vld [tilespmem:s29+$0x19640]  }
0x2c0: {  	v2 =	vld [tilespmem:s29+$0x19650]  }
0x2c1: {  	v3 =	vld [tilespmem:s29+$0x19660]  }
0x2c2: {  	v4 =	vld [tilespmem:s29+$0x19670]  }
0x2c3: {  	v5 =	vld [tilespmem:s29+$0x19680]  }
0x2c4: {  	v6 =	vld [tilespmem:s29+$0x19690]  }
0x2c5: {  	v7 =	vld [tilespmem:s29+$0x196A0]  }
0x2c6: {  	v8 =	vld [tilespmem:s29+$0x196B0]  }
0x2c7: {  	v9 =	vld [tilespmem:s29+$0x196C0]  }
0x2c8: {  	v10 =	vld [tilespmem:s29+$0x196D0]  }
0x2c9: {  	v11 =	vld [tilespmem:s29+$0x196E0]  }
0x2ca: {  	v12 =	vld [tilespmem:s29+$0x196F0]  }
0x2cb: {  	v13 =	vld [tilespmem:s29+$0x19700]  }
0x2cc: {  	v14 =	vld [tilespmem:s29+$0x19710]  }
0x2cd: {  	v15 =	vld [tilespmem:s29+$0x19720]  }
0x2ce: {  	v16 =	vld [tilespmem:s29+$0x19730]  }
0x2cf: {  	v17 =	vld [tilespmem:s29+$0x19740]  }
0x2d0: {  	v18 =	vld [tilespmem:s29+$0x19750]  }
0x2d1: {  	v19 =	vld [tilespmem:s29+$0x19760]  }
0x2d2: {  	v20 =	vld [tilespmem:s29+$0x19770]  }
0x2d3: {  	v21 =	vld [tilespmem:s29+$0x19780]  }
0x2d4: {  	v22 =	vld [tilespmem:s29+$0x19790]  }
0x2d5: {  	v23 =	vld [tilespmem:s29+$0x197A0]  }
0x2d6: {  	v24 =	vld [tilespmem:s29+$0x197B0]  }
0x2d7: {  	v25 =	vld [tilespmem:s29+$0x197C0]  }
0x2d8: {  	v26 =	vld [tilespmem:s29+$0x197D0]  }
0x2d9: {  	v27 =	vld [tilespmem:s29+$0x197E0]  }
0x2da: {  	v28 =	vld [tilespmem:s29+$0x197F0]  }
0x2db: {  	v29 =	vld [tilespmem:s29+$0x19800]  }
0x2dc: {  	v30 =	vld [tilespmem:s29+$0x19810]  }
0x2dd: {  	v31 =	vld [tilespmem:s29+$0x19820]  }
0x2de: {  	[tilespmem:s29+$0x9E30] =	vst.add.f32.msk $0xffff, v0  }
0x2df: {  	[tilespmem:s29+$0x640] =	vst.add.f32.msk $0xffff, v1  }
0x2e0: {  	[tilespmem:s29+$0x3840] =	vst.add.f32.msk $0xffff, v1  }
0x2e1: {  	[tilespmem:s29+$0x6A40] =	vst.add.f32.msk $0xffff, v1  }
0x2e2: {  	[tilespmem:s29+$0x9C40] =	vst.add.f32.msk $0xffff, v1  }
0x2e3: {  	[tilespmem:s29+$0x650] =	vst.add.f32.msk $0xffff, v2  }
0x2e4: {  	[tilespmem:s29+$0x3850] =	vst.add.f32.msk $0xffff, v2  }
0x2e5: {  	[tilespmem:s29+$0x6A50] =	vst.add.f32.msk $0xffff, v2  }
0x2e6: {  	[tilespmem:s29+$0x9C50] =	vst.add.f32.msk $0xffff, v2  }
0x2e7: {  	[tilespmem:s29+$0x660] =	vst.add.f32.msk $0xffff, v3  }
0x2e8: {  	[tilespmem:s29+$0x3860] =	vst.add.f32.msk $0xffff, v3  }
0x2e9: {  	[tilespmem:s29+$0x6A60] =	vst.add.f32.msk $0xffff, v3  }
0x2ea: {  	[tilespmem:s29+$0x9C60] =	vst.add.f32.msk $0xffff, v3  }
0x2eb: {  	[tilespmem:s29+$0x670] =	vst.add.f32.msk $0xffff, v4  }
0x2ec: {  	[tilespmem:s29+$0x3870] =	vst.add.f32.msk $0xffff, v4  }
0x2ed: {  	[tilespmem:s29+$0x6A70] =	vst.add.f32.msk $0xffff, v4  }
0x2ee: {  	[tilespmem:s29+$0x9C70] =	vst.add.f32.msk $0xffff, v4  }
0x2ef: {  	[tilespmem:s29+$0x680] =	vst.add.f32.msk $0xffff, v5  }
0x2f0: {  	[tilespmem:s29+$0x3880] =	vst.add.f32.msk $0xffff, v5  }
0x2f1: {  	[tilespmem:s29+$0x6A80] =	vst.add.f32.msk $0xffff, v5  }
0x2f2: {  	[tilespmem:s29+$0x9C80] =	vst.add.f32.msk $0xffff, v5  }
0x2f3: {  	[tilespmem:s29+$0x690] =	vst.add.f32.msk $0xffff, v6  }
0x2f4: {  	[tilespmem:s29+$0x3890] =	vst.add.f32.msk $0xffff, v6  }
0x2f5: {  	[tilespmem:s29+$0x6A90] =	vst.add.f32.msk $0xffff, v6  }
0x2f6: {  	[tilespmem:s29+$0x9C90] =	vst.add.f32.msk $0xffff, v6  }
0x2f7: {  	[tilespmem:s29+$0x6A0] =	vst.add.f32.msk $0xffff, v7  }
0x2f8: {  	[tilespmem:s29+$0x38A0] =	vst.add.f32.msk $0xffff, v7  }
0x2f9: {  	[tilespmem:s29+$0x6AA0] =	vst.add.f32.msk $0xffff, v7  }
0x2fa: {  	[tilespmem:s29+$0x9CA0] =	vst.add.f32.msk $0xffff, v7  }
0x2fb: {  	[tilespmem:s29+$0x6B0] =	vst.add.f32.msk $0xffff, v8  }
0x2fc: {  	[tilespmem:s29+$0x38B0] =	vst.add.f32.msk $0xffff, v8  }
0x2fd: {  	[tilespmem:s29+$0x6AB0] =	vst.add.f32.msk $0xffff, v8  }
0x2fe: {  	[tilespmem:s29+$0x9CB0] =	vst.add.f32.msk $0xffff, v8  }
0x2ff: {  	[tilespmem:s29+$0x6C0] =	vst.add.f32.msk $0xffff, v9  }
0x300: {  	[tilespmem:s29+$0x38C0] =	vst.add.f32.msk $0xffff, v9  }
0x301: {  	[tilespmem:s29+$0x6AC0] =	vst.add.f32.msk $0xffff, v9  }
0x302: {  	[tilespmem:s29+$0x9CC0] =	vst.add.f32.msk $0xffff, v9  }
0x303: {  	[tilespmem:s29+$0x6D0] =	vst.add.f32.msk $0xffff, v10  }
0x304: {  	[tilespmem:s29+$0x38D0] =	vst.add.f32.msk $0xffff, v10  }
0x305: {  	[tilespmem:s29+$0x6AD0] =	vst.add.f32.msk $0xffff, v10  }
0x306: {  	[tilespmem:s29+$0x9CD0] =	vst.add.f32.msk $0xffff, v10  }
0x307: {  	[tilespmem:s29+$0x6E0] =	vst.add.f32.msk $0xffff, v11  }
0x308: {  	[tilespmem:s29+$0x38E0] =	vst.add.f32.msk $0xffff, v11  }
0x309: {  	[tilespmem:s29+$0x6AE0] =	vst.add.f32.msk $0xffff, v11  }
0x30a: {  	[tilespmem:s29+$0x9CE0] =	vst.add.f32.msk $0xffff, v11  }
0x30b: {  	[tilespmem:s29+$0x6F0] =	vst.add.f32.msk $0xffff, v12  }
0x30c: {  	[tilespmem:s29+$0x38F0] =	vst.add.f32.msk $0xffff, v12  }
0x30d: {  	[tilespmem:s29+$0x6AF0] =	vst.add.f32.msk $0xffff, v12  }
0x30e: {  	[tilespmem:s29+$0x9CF0] =	vst.add.f32.msk $0xffff, v12  }
0x30f: {  	[tilespmem:s29+$0x700] =	vst.add.f32.msk $0xffff, v13  }
0x310: {  	[tilespmem:s29+$0x3900] =	vst.add.f32.msk $0xffff, v13  }
0x311: {  	[tilespmem:s29+$0x6B00] =	vst.add.f32.msk $0xffff, v13  }
0x312: {  	[tilespmem:s29+$0x9D00] =	vst.add.f32.msk $0xffff, v13  }
0x313: {  	[tilespmem:s29+$0x710] =	vst.add.f32.msk $0xffff, v14  }
0x314: {  	[tilespmem:s29+$0x3910] =	vst.add.f32.msk $0xffff, v14  }
0x315: {  	[tilespmem:s29+$0x6B10] =	vst.add.f32.msk $0xffff, v14  }
0x316: {  	[tilespmem:s29+$0x9D10] =	vst.add.f32.msk $0xffff, v14  }
0x317: {  	[tilespmem:s29+$0x720] =	vst.add.f32.msk $0xffff, v15  }
0x318: {  	[tilespmem:s29+$0x3920] =	vst.add.f32.msk $0xffff, v15  }
0x319: {  	[tilespmem:s29+$0x6B20] =	vst.add.f32.msk $0xffff, v15  }
0x31a: {  	[tilespmem:s29+$0x9D20] =	vst.add.f32.msk $0xffff, v15  }
0x31b: {  	[tilespmem:s29+$0x730] =	vst.add.f32.msk $0xffff, v16  }
0x31c: {  	[tilespmem:s29+$0x3930] =	vst.add.f32.msk $0xffff, v16  }
0x31d: {  	[tilespmem:s29+$0x6B30] =	vst.add.f32.msk $0xffff, v16  }
0x31e: {  	[tilespmem:s29+$0x9D30] =	vst.add.f32.msk $0xffff, v16  }
0x31f: {  	[tilespmem:s29+$0x740] =	vst.add.f32.msk $0xffff, v17  }
0x320: {  	[tilespmem:s29+$0x3940] =	vst.add.f32.msk $0xffff, v17  }
0x321: {  	[tilespmem:s29+$0x6B40] =	vst.add.f32.msk $0xffff, v17  }
0x322: {  	[tilespmem:s29+$0x9D40] =	vst.add.f32.msk $0xffff, v17  }
0x323: {  	[tilespmem:s29+$0x750] =	vst.add.f32.msk $0xffff, v18  }
0x324: {  	[tilespmem:s29+$0x3950] =	vst.add.f32.msk $0xffff, v18  }
0x325: {  	[tilespmem:s29+$0x6B50] =	vst.add.f32.msk $0xffff, v18  }
0x326: {  	[tilespmem:s29+$0x9D50] =	vst.add.f32.msk $0xffff, v18  }
0x327: {  	[tilespmem:s29+$0x760] =	vst.add.f32.msk $0xffff, v19  }
0x328: {  	[tilespmem:s29+$0x3960] =	vst.add.f32.msk $0xffff, v19  }
0x329: {  	[tilespmem:s29+$0x6B60] =	vst.add.f32.msk $0xffff, v19  }
0x32a: {  	[tilespmem:s29+$0x9D60] =	vst.add.f32.msk $0xffff, v19  }
0x32b: {  	[tilespmem:s29+$0x770] =	vst.add.f32.msk $0xffff, v20  }
0x32c: {  	[tilespmem:s29+$0x3970] =	vst.add.f32.msk $0xffff, v20  }
0x32d: {  	[tilespmem:s29+$0x6B70] =	vst.add.f32.msk $0xffff, v20  }
0x32e: {  	[tilespmem:s29+$0x9D70] =	vst.add.f32.msk $0xffff, v20  }
0x32f: {  	[tilespmem:s29+$0x780] =	vst.add.f32.msk $0xffff, v21  }
0x330: {  	[tilespmem:s29+$0x3980] =	vst.add.f32.msk $0xffff, v21  }
0x331: {  	[tilespmem:s29+$0x6B80] =	vst.add.f32.msk $0xffff, v21  }
0x332: {  	[tilespmem:s29+$0x9D80] =	vst.add.f32.msk $0xffff, v21  }
0x333: {  	[tilespmem:s29+$0x790] =	vst.add.f32.msk $0xffff, v22  }
0x334: {  	[tilespmem:s29+$0x3990] =	vst.add.f32.msk $0xffff, v22  }
0x335: {  	[tilespmem:s29+$0x6B90] =	vst.add.f32.msk $0xffff, v22  }
0x336: {  	[tilespmem:s29+$0x9D90] =	vst.add.f32.msk $0xffff, v22  }
0x337: {  	[tilespmem:s29+$0x7A0] =	vst.add.f32.msk $0xffff, v23  }
0x338: {  	[tilespmem:s29+$0x39A0] =	vst.add.f32.msk $0xffff, v23  }
0x339: {  	[tilespmem:s29+$0x6BA0] =	vst.add.f32.msk $0xffff, v23  }
0x33a: {  	[tilespmem:s29+$0x9DA0] =	vst.add.f32.msk $0xffff, v23  }
0x33b: {  	[tilespmem:s29+$0x7B0] =	vst.add.f32.msk $0xffff, v24  }
0x33c: {  	[tilespmem:s29+$0x39B0] =	vst.add.f32.msk $0xffff, v24  }
0x33d: {  	[tilespmem:s29+$0x6BB0] =	vst.add.f32.msk $0xffff, v24  }
0x33e: {  	[tilespmem:s29+$0x9DB0] =	vst.add.f32.msk $0xffff, v24  }
0x33f: {  	[tilespmem:s29+$0x7C0] =	vst.add.f32.msk $0xffff, v25  }
0x340: {  	[tilespmem:s29+$0x39C0] =	vst.add.f32.msk $0xffff, v25  }
0x341: {  	[tilespmem:s29+$0x6BC0] =	vst.add.f32.msk $0xffff, v25  }
0x342: {  	[tilespmem:s29+$0x9DC0] =	vst.add.f32.msk $0xffff, v25  }
0x343: {  	[tilespmem:s29+$0x7D0] =	vst.add.f32.msk $0xffff, v26  }
0x344: {  	[tilespmem:s29+$0x39D0] =	vst.add.f32.msk $0xffff, v26  }
0x345: {  	[tilespmem:s29+$0x6BD0] =	vst.add.f32.msk $0xffff, v26  }
0x346: {  	[tilespmem:s29+$0x9DD0] =	vst.add.f32.msk $0xffff, v26  }
0x347: {  	[tilespmem:s29+$0x7E0] =	vst.add.f32.msk $0xffff, v27  }
0x348: {  	[tilespmem:s29+$0x39E0] =	vst.add.f32.msk $0xffff, v27  }
0x349: {  	[tilespmem:s29+$0x6BE0] =	vst.add.f32.msk $0xffff, v27  }
0x34a: {  	[tilespmem:s29+$0x9DE0] =	vst.add.f32.msk $0xffff, v27  }
0x34b: {  	[tilespmem:s29+$0x7F0] =	vst.add.f32.msk $0xffff, v28  }
0x34c: {  	[tilespmem:s29+$0x39F0] =	vst.add.f32.msk $0xffff, v28  }
0x34d: {  	[tilespmem:s29+$0x6BF0] =	vst.add.f32.msk $0xffff, v28  }
0x34e: {  	[tilespmem:s29+$0x9DF0] =	vst.add.f32.msk $0xffff, v28  }
0x34f: {  	[tilespmem:s29+$0x800] =	vst.add.f32.msk $0xffff, v29  }
0x350: {  	[tilespmem:s29+$0x3A00] =	vst.add.f32.msk $0xffff, v29  }
0x351: {  	[tilespmem:s29+$0x6C00] =	vst.add.f32.msk $0xffff, v29  }
0x352: {  	[tilespmem:s29+$0x9E00] =	vst.add.f32.msk $0xffff, v29  }
0x353: {  	[tilespmem:s29+$0x810] =	vst.add.f32.msk $0xffff, v30  }
0x354: {  	[tilespmem:s29+$0x3A10] =	vst.add.f32.msk $0xffff, v30  }
0x355: {  	[tilespmem:s29+$0x6C10] =	vst.add.f32.msk $0xffff, v30  }
0x356: {  	[tilespmem:s29+$0x9E10] =	vst.add.f32.msk $0xffff, v30  }
0x357: {  	[tilespmem:s29+$0x820] =	vst.add.f32.msk $0xffff, v31  }
0x358: {  	[tilespmem:s29+$0x3A20] =	vst.add.f32.msk $0xffff, v31  }
0x359: {  	[tilespmem:s29+$0x6C20] =	vst.add.f32.msk $0xffff, v31  }
0x35a: {  	[tilespmem:s29+$0x9E20] =	vst.add.f32.msk $0xffff, v31  }
0x35b: {  	[tilespmem:s29+$0x830] =	vst.add.f32.msk $0xffff, v0  }
0x35c: {  	s30 =	simm.s32 $0x0;
	s2 =	simm.s32 $0x800;
	[tilespmem:s29+$0x3A30] =	vst.add.f32.msk $0xffff, v0  }
.LBB2_7:
0x35d: {  	s30 =	sadd.s32 $0x8, s30;
	[tilespmem:s29+$0x6C30] =	vst.add.f32.msk $0xffff, v0;
	s29 =	sshra.s32 s2, $0x2  }
0x35e: {  	v0 =	vld [tilespmem:s29+$0x19830];
	p0 =	slt.u32 s30, $0xC0  }
0x35f: {  	v21 =	vld [tilespmem:s29+$0x19640]  }
0x360: {  	v22 =	vld [tilespmem:s29+$0x19650]  }
0x361: {  	v23 =	vld [tilespmem:s29+$0x19660]  }
0x362: {  	v24 =	vld [tilespmem:s29+$0x19670]  }
0x363: {  	[tilespmem:s29+$0x9E30] =	vst.add.f32.msk $0xffff, v0  }
0x364: {  	v25 =	vld [tilespmem:s29+$0x19680]  }
0x365: {  	v26 =	vld [tilespmem:s29+$0x19690]  }
0x366: {  	v27 =	vld [tilespmem:s29+$0x196A0]  }
0x367: {  	v28 =	vld [tilespmem:s29+$0x196B0]  }
0x368: {  	v29 =	vld [tilespmem:s29+$0x196C0]  }
0x369: {  	v30 =	vld [tilespmem:s29+$0x196D0]  }
0x36a: {  	v31 =	vld [tilespmem:s29+$0x196E0]  }
0x36b: {  	v20 =	vld [tilespmem:s29+$0x196F0]  }
0x36c: {  	v19 =	vld [tilespmem:s29+$0x19700]  }
0x36d: {  	v18 =	vld [tilespmem:s29+$0x19710]  }
0x36e: {  	v17 =	vld [tilespmem:s29+$0x19720]  }
0x36f: {  	v16 =	vld [tilespmem:s29+$0x19730]  }
0x370: {  	v15 =	vld [tilespmem:s29+$0x19740]  }
0x371: {  	v14 =	vld [tilespmem:s29+$0x19750]  }
0x372: {  	v13 =	vld [tilespmem:s29+$0x19760]  }
0x373: {  	v12 =	vld [tilespmem:s29+$0x19770]  }
0x374: {  	v11 =	vld [tilespmem:s29+$0x19780]  }
0x375: {  	v10 =	vld [tilespmem:s29+$0x19790]  }
0x376: {  	v9 =	vld [tilespmem:s29+$0x197A0]  }
0x377: {  	v8 =	vld [tilespmem:s29+$0x197B0]  }
0x378: {  	v7 =	vld [tilespmem:s29+$0x197C0]  }
0x379: {  	v6 =	vld [tilespmem:s29+$0x197D0]  }
0x37a: {  	v5 =	vld [tilespmem:s29+$0x197E0]  }
0x37b: {  	v4 =	vld [tilespmem:s29+$0x197F0]  }
0x37c: {  	v3 =	vld [tilespmem:s29+$0x19800]  }
0x37d: {  	v2 =	vld [tilespmem:s29+$0x19810]  }
0x37e: {  	v1 =	vld [tilespmem:s29+$0x19820]  }
0x37f: {  	[tilespmem:s29+$0x640] =	vst.add.f32.msk $0xffff, v21  }
0x380: {  	[tilespmem:s29+$0x3840] =	vst.add.f32.msk $0xffff, v21  }
0x381: {  	[tilespmem:s29+$0x6A40] =	vst.add.f32.msk $0xffff, v21  }
0x382: {  	[tilespmem:s29+$0x9C40] =	vst.add.f32.msk $0xffff, v21  }
0x383: {  	[tilespmem:s29+$0x650] =	vst.add.f32.msk $0xffff, v22  }
0x384: {  	[tilespmem:s29+$0x3850] =	vst.add.f32.msk $0xffff, v22  }
0x385: {  	[tilespmem:s29+$0x6A50] =	vst.add.f32.msk $0xffff, v22  }
0x386: {  	[tilespmem:s29+$0x9C50] =	vst.add.f32.msk $0xffff, v22  }
0x387: {  	[tilespmem:s29+$0x660] =	vst.add.f32.msk $0xffff, v23  }
0x388: {  	[tilespmem:s29+$0x3860] =	vst.add.f32.msk $0xffff, v23  }
0x389: {  	[tilespmem:s29+$0x6A60] =	vst.add.f32.msk $0xffff, v23  }
0x38a: {  	[tilespmem:s29+$0x9C60] =	vst.add.f32.msk $0xffff, v23  }
0x38b: {  	[tilespmem:s29+$0x670] =	vst.add.f32.msk $0xffff, v24  }
0x38c: {  	[tilespmem:s29+$0x3870] =	vst.add.f32.msk $0xffff, v24  }
0x38d: {  	[tilespmem:s29+$0x6A70] =	vst.add.f32.msk $0xffff, v24  }
0x38e: {  	[tilespmem:s29+$0x9C70] =	vst.add.f32.msk $0xffff, v24  }
0x38f: {  	[tilespmem:s29+$0x680] =	vst.add.f32.msk $0xffff, v25  }
0x390: {  	[tilespmem:s29+$0x3880] =	vst.add.f32.msk $0xffff, v25  }
0x391: {  	[tilespmem:s29+$0x6A80] =	vst.add.f32.msk $0xffff, v25  }
0x392: {  	[tilespmem:s29+$0x9C80] =	vst.add.f32.msk $0xffff, v25  }
0x393: {  	[tilespmem:s29+$0x690] =	vst.add.f32.msk $0xffff, v26  }
0x394: {  	[tilespmem:s29+$0x3890] =	vst.add.f32.msk $0xffff, v26  }
0x395: {  	[tilespmem:s29+$0x6A90] =	vst.add.f32.msk $0xffff, v26  }
0x396: {  	[tilespmem:s29+$0x9C90] =	vst.add.f32.msk $0xffff, v26  }
0x397: {  	[tilespmem:s29+$0x6A0] =	vst.add.f32.msk $0xffff, v27  }
0x398: {  	[tilespmem:s29+$0x38A0] =	vst.add.f32.msk $0xffff, v27  }
0x399: {  	[tilespmem:s29+$0x6AA0] =	vst.add.f32.msk $0xffff, v27  }
0x39a: {  	[tilespmem:s29+$0x9CA0] =	vst.add.f32.msk $0xffff, v27  }
0x39b: {  	[tilespmem:s29+$0x6B0] =	vst.add.f32.msk $0xffff, v28  }
0x39c: {  	[tilespmem:s29+$0x38B0] =	vst.add.f32.msk $0xffff, v28  }
0x39d: {  	[tilespmem:s29+$0x6AB0] =	vst.add.f32.msk $0xffff, v28  }
0x39e: {  	[tilespmem:s29+$0x9CB0] =	vst.add.f32.msk $0xffff, v28  }
0x39f: {  	[tilespmem:s29+$0x6C0] =	vst.add.f32.msk $0xffff, v29  }
0x3a0: {  	[tilespmem:s29+$0x38C0] =	vst.add.f32.msk $0xffff, v29  }
0x3a1: {  	[tilespmem:s29+$0x6AC0] =	vst.add.f32.msk $0xffff, v29  }
0x3a2: {  	[tilespmem:s29+$0x9CC0] =	vst.add.f32.msk $0xffff, v29  }
0x3a3: {  	[tilespmem:s29+$0x6D0] =	vst.add.f32.msk $0xffff, v30  }
0x3a4: {  	[tilespmem:s29+$0x38D0] =	vst.add.f32.msk $0xffff, v30  }
0x3a5: {  	[tilespmem:s29+$0x6AD0] =	vst.add.f32.msk $0xffff, v30  }
0x3a6: {  	[tilespmem:s29+$0x9CD0] =	vst.add.f32.msk $0xffff, v30  }
0x3a7: {  	[tilespmem:s29+$0x6E0] =	vst.add.f32.msk $0xffff, v31  }
0x3a8: {  	[tilespmem:s29+$0x38E0] =	vst.add.f32.msk $0xffff, v31  }
0x3a9: {  	[tilespmem:s29+$0x6AE0] =	vst.add.f32.msk $0xffff, v31  }
0x3aa: {  	[tilespmem:s29+$0x9CE0] =	vst.add.f32.msk $0xffff, v31  }
0x3ab: {  	[tilespmem:s29+$0x6F0] =	vst.add.f32.msk $0xffff, v20  }
0x3ac: {  	[tilespmem:s29+$0x38F0] =	vst.add.f32.msk $0xffff, v20  }
0x3ad: {  	[tilespmem:s29+$0x6AF0] =	vst.add.f32.msk $0xffff, v20  }
0x3ae: {  	[tilespmem:s29+$0x9CF0] =	vst.add.f32.msk $0xffff, v20  }
0x3af: {  	[tilespmem:s29+$0x700] =	vst.add.f32.msk $0xffff, v19  }
0x3b0: {  	[tilespmem:s29+$0x3900] =	vst.add.f32.msk $0xffff, v19  }
0x3b1: {  	[tilespmem:s29+$0x6B00] =	vst.add.f32.msk $0xffff, v19  }
0x3b2: {  	[tilespmem:s29+$0x9D00] =	vst.add.f32.msk $0xffff, v19  }
0x3b3: {  	[tilespmem:s29+$0x710] =	vst.add.f32.msk $0xffff, v18  }
0x3b4: {  	[tilespmem:s29+$0x3910] =	vst.add.f32.msk $0xffff, v18  }
0x3b5: {  	[tilespmem:s29+$0x6B10] =	vst.add.f32.msk $0xffff, v18  }
0x3b6: {  	[tilespmem:s29+$0x9D10] =	vst.add.f32.msk $0xffff, v18  }
0x3b7: {  	[tilespmem:s29+$0x720] =	vst.add.f32.msk $0xffff, v17  }
0x3b8: {  	[tilespmem:s29+$0x3920] =	vst.add.f32.msk $0xffff, v17  }
0x3b9: {  	[tilespmem:s29+$0x6B20] =	vst.add.f32.msk $0xffff, v17  }
0x3ba: {  	[tilespmem:s29+$0x9D20] =	vst.add.f32.msk $0xffff, v17  }
0x3bb: {  	[tilespmem:s29+$0x730] =	vst.add.f32.msk $0xffff, v16  }
0x3bc: {  	[tilespmem:s29+$0x3930] =	vst.add.f32.msk $0xffff, v16  }
0x3bd: {  	[tilespmem:s29+$0x6B30] =	vst.add.f32.msk $0xffff, v16  }
0x3be: {  	[tilespmem:s29+$0x9D30] =	vst.add.f32.msk $0xffff, v16  }
0x3bf: {  	[tilespmem:s29+$0x740] =	vst.add.f32.msk $0xffff, v15  }
0x3c0: {  	[tilespmem:s29+$0x3940] =	vst.add.f32.msk $0xffff, v15  }
0x3c1: {  	[tilespmem:s29+$0x6B40] =	vst.add.f32.msk $0xffff, v15  }
0x3c2: {  	[tilespmem:s29+$0x9D40] =	vst.add.f32.msk $0xffff, v15  }
0x3c3: {  	[tilespmem:s29+$0x750] =	vst.add.f32.msk $0xffff, v14  }
0x3c4: {  	[tilespmem:s29+$0x3950] =	vst.add.f32.msk $0xffff, v14  }
0x3c5: {  	[tilespmem:s29+$0x6B50] =	vst.add.f32.msk $0xffff, v14  }
0x3c6: {  	[tilespmem:s29+$0x9D50] =	vst.add.f32.msk $0xffff, v14  }
0x3c7: {  	[tilespmem:s29+$0x760] =	vst.add.f32.msk $0xffff, v13  }
0x3c8: {  	[tilespmem:s29+$0x3960] =	vst.add.f32.msk $0xffff, v13  }
0x3c9: {  	[tilespmem:s29+$0x6B60] =	vst.add.f32.msk $0xffff, v13  }
0x3ca: {  	[tilespmem:s29+$0x9D60] =	vst.add.f32.msk $0xffff, v13  }
0x3cb: {  	[tilespmem:s29+$0x770] =	vst.add.f32.msk $0xffff, v12  }
0x3cc: {  	[tilespmem:s29+$0x3970] =	vst.add.f32.msk $0xffff, v12  }
0x3cd: {  	[tilespmem:s29+$0x6B70] =	vst.add.f32.msk $0xffff, v12  }
0x3ce: {  	[tilespmem:s29+$0x9D70] =	vst.add.f32.msk $0xffff, v12  }
0x3cf: {  	[tilespmem:s29+$0x780] =	vst.add.f32.msk $0xffff, v11  }
0x3d0: {  	[tilespmem:s29+$0x3980] =	vst.add.f32.msk $0xffff, v11  }
0x3d1: {  	[tilespmem:s29+$0x6B80] =	vst.add.f32.msk $0xffff, v11  }
0x3d2: {  	[tilespmem:s29+$0x9D80] =	vst.add.f32.msk $0xffff, v11  }
0x3d3: {  	[tilespmem:s29+$0x790] =	vst.add.f32.msk $0xffff, v10  }
0x3d4: {  	[tilespmem:s29+$0x3990] =	vst.add.f32.msk $0xffff, v10  }
0x3d5: {  	[tilespmem:s29+$0x6B90] =	vst.add.f32.msk $0xffff, v10  }
0x3d6: {  	[tilespmem:s29+$0x9D90] =	vst.add.f32.msk $0xffff, v10  }
0x3d7: {  	[tilespmem:s29+$0x7A0] =	vst.add.f32.msk $0xffff, v9  }
0x3d8: {  	[tilespmem:s29+$0x39A0] =	vst.add.f32.msk $0xffff, v9  }
0x3d9: {  	[tilespmem:s29+$0x6BA0] =	vst.add.f32.msk $0xffff, v9  }
0x3da: {  	[tilespmem:s29+$0x9DA0] =	vst.add.f32.msk $0xffff, v9  }
0x3db: {  	[tilespmem:s29+$0x7B0] =	vst.add.f32.msk $0xffff, v8  }
0x3dc: {  	[tilespmem:s29+$0x39B0] =	vst.add.f32.msk $0xffff, v8  }
0x3dd: {  	[tilespmem:s29+$0x6BB0] =	vst.add.f32.msk $0xffff, v8  }
0x3de: {  	[tilespmem:s29+$0x9DB0] =	vst.add.f32.msk $0xffff, v8  }
0x3df: {  	[tilespmem:s29+$0x7C0] =	vst.add.f32.msk $0xffff, v7  }
0x3e0: {  	[tilespmem:s29+$0x39C0] =	vst.add.f32.msk $0xffff, v7  }
0x3e1: {  	[tilespmem:s29+$0x6BC0] =	vst.add.f32.msk $0xffff, v7  }
0x3e2: {  	[tilespmem:s29+$0x9DC0] =	vst.add.f32.msk $0xffff, v7  }
0x3e3: {  	[tilespmem:s29+$0x7D0] =	vst.add.f32.msk $0xffff, v6  }
0x3e4: {  	[tilespmem:s29+$0x39D0] =	vst.add.f32.msk $0xffff, v6  }
0x3e5: {  	[tilespmem:s29+$0x6BD0] =	vst.add.f32.msk $0xffff, v6  }
0x3e6: {  	[tilespmem:s29+$0x9DD0] =	vst.add.f32.msk $0xffff, v6  }
0x3e7: {  	[tilespmem:s29+$0x7E0] =	vst.add.f32.msk $0xffff, v5  }
0x3e8: {  	[tilespmem:s29+$0x39E0] =	vst.add.f32.msk $0xffff, v5  }
0x3e9: {  	[tilespmem:s29+$0x6BE0] =	vst.add.f32.msk $0xffff, v5  }
0x3ea: {  	[tilespmem:s29+$0x9DE0] =	vst.add.f32.msk $0xffff, v5  }
0x3eb: {  	[tilespmem:s29+$0x7F0] =	vst.add.f32.msk $0xffff, v4  }
0x3ec: {  	[tilespmem:s29+$0x39F0] =	vst.add.f32.msk $0xffff, v4  }
0x3ed: {  	[tilespmem:s29+$0x6BF0] =	vst.add.f32.msk $0xffff, v4  }
0x3ee: {  	[tilespmem:s29+$0x9DF0] =	vst.add.f32.msk $0xffff, v4  }
0x3ef: {  	[tilespmem:s29+$0x800] =	vst.add.f32.msk $0xffff, v3  }
0x3f0: {  	[tilespmem:s29+$0x3A00] =	vst.add.f32.msk $0xffff, v3  }
0x3f1: {  	[tilespmem:s29+$0x6C00] =	vst.add.f32.msk $0xffff, v3  }
0x3f2: {  	[tilespmem:s29+$0x9E00] =	vst.add.f32.msk $0xffff, v3  }
0x3f3: {  	[tilespmem:s29+$0x810] =	vst.add.f32.msk $0xffff, v2  }
0x3f4: {  	[tilespmem:s29+$0x3A10] =	vst.add.f32.msk $0xffff, v2  }
0x3f5: {  	[tilespmem:s29+$0x6C10] =	vst.add.f32.msk $0xffff, v2  }
0x3f6: {  	[tilespmem:s29+$0x9E10] =	vst.add.f32.msk $0xffff, v2  }
0x3f7: {  	[tilespmem:s29+$0x820] =	vst.add.f32.msk $0xffff, v1  }
.Ltmp2:
0x3f8: {  	[tilespmem:s29+$0x3A20] =	vst.add.f32.msk $0xffff, v1;
	(pc) =	sbr.rel @p0 .LBB2_7-.Ltmp2, $4  }
0x3f9: {  	[tilespmem:s29+$0x6C20] =	vst.add.f32.msk $0xffff, v1  }
0x3fa: {  	[tilespmem:s29+$0x9E20] =	vst.add.f32.msk $0xffff, v1  }
0x3fb: {  	[tilespmem:s29+$0x830] =	vst.add.f32.msk $0xffff, v0  }
0x3fc: {  	s2 =	sadd.s32 $0x800, s2;
	[tilespmem:s29+$0x3A30] =	vst.add.f32.msk $0xffff, v0  }
0x3fd: {  	s26 =	sadd.s32 $0x1, s26  }
0x3fe: {  	p0 =	sne.s32 s26, $0xF  }
.Ltmp3:
0x3ff: {  	_ = 	snop;
	(pc) =	sbr.rel @p0 .LBB2_4-.Ltmp3, $4  }
0x400: {  	s2 =	sshll.u32 s28, $0x3  }
0x401: {  	s2 =	sand.u32 $0x1FFFFE00, s2  }
0x402: {  	[tilespmem:s29+$0x6C30] =	vst.add.f32.msk $0xffff, v0;
	s2 =	sadd.s32 s3, s2  }
0x403: {  	[hbm4b:s2+s4] =	stream.linear.scatter [tilespmem:s18], [sflag:$0x3], $0xC800, $0x38;
	[tilespmem:$0x1C840] =	vst v63  }
0x404: {  	_ =	swait.ge [sflag:s21], $0xC800  }
0x405: {  	[sflag:s21] =	ssyncset.done $0x0  }
0x406: {  	[sflag:s21] =	ssyncadd.s32 $0xFFFF3800  }
0x407: {  	_ =	swait.ge [sflag:s22], $0xC800  }
0x408: {  	[sflag:s22] =	ssyncset.done $0x0  }
0x409: {  	s25 =	simm.s32 $0x0;
	[sflag:s22] =	ssyncadd.s32 $0xFFFF3800  }
0x40a: {  	v0 =	vld [tilespmem:s25+$0x19830]  }
0x40b: {  	v1 =	vld [tilespmem:s25+$0x19640]  }
0x40c: {  	v2 =	vld [tilespmem:s25+$0x19650]  }
0x40d: {  	v3 =	vld [tilespmem:s25+$0x19660]  }
0x40e: {  	v4 =	vld [tilespmem:s25+$0x19670]  }
0x40f: {  	v5 =	vld [tilespmem:s25+$0x19680]  }
0x410: {  	v6 =	vld [tilespmem:s25+$0x19690]  }
0x411: {  	v7 =	vld [tilespmem:s25+$0x196A0]  }
0x412: {  	v8 =	vld [tilespmem:s25+$0x196B0]  }
0x413: {  	v9 =	vld [tilespmem:s25+$0x196C0]  }
0x414: {  	v10 =	vld [tilespmem:s25+$0x196D0]  }
0x415: {  	v11 =	vld [tilespmem:s25+$0x196E0]  }
0x416: {  	v12 =	vld [tilespmem:s25+$0x196F0]  }
0x417: {  	v13 =	vld [tilespmem:s25+$0x19700]  }
0x418: {  	v14 =	vld [tilespmem:s25+$0x19710]  }
0x419: {  	v15 =	vld [tilespmem:s25+$0x19720]  }
0x41a: {  	v16 =	vld [tilespmem:s25+$0x19730]  }
0x41b: {  	v17 =	vld [tilespmem:s25+$0x19740]  }
0x41c: {  	v18 =	vld [tilespmem:s25+$0x19750]  }
0x41d: {  	v19 =	vld [tilespmem:s25+$0x19760]  }
0x41e: {  	v20 =	vld [tilespmem:s25+$0x19770]  }
0x41f: {  	v21 =	vld [tilespmem:s25+$0x19780]  }
0x420: {  	v22 =	vld [tilespmem:s25+$0x19790]  }
0x421: {  	v23 =	vld [tilespmem:s25+$0x197A0]  }
0x422: {  	v24 =	vld [tilespmem:s25+$0x197B0]  }
0x423: {  	v25 =	vld [tilespmem:s25+$0x197C0]  }
0x424: {  	v26 =	vld [tilespmem:s25+$0x197D0]  }
0x425: {  	v27 =	vld [tilespmem:s25+$0x197E0]  }
0x426: {  	v28 =	vld [tilespmem:s25+$0x197F0]  }
0x427: {  	v29 =	vld [tilespmem:s25+$0x19800]  }
0x428: {  	v30 =	vld [tilespmem:s25+$0x19810]  }
0x429: {  	v31 =	vld [tilespmem:s25+$0x19820]  }
0x42a: {  	[tilespmem:s25+$0x16630] =	vst.add.f32.msk $0xffff, v0  }
0x42b: {  	[tilespmem:s25+$0xCE40] =	vst.add.f32.msk $0xffff, v1  }
0x42c: {  	[tilespmem:s25+$0x10040] =	vst.add.f32.msk $0xffff, v1  }
0x42d: {  	[tilespmem:s25+$0x13240] =	vst.add.f32.msk $0xffff, v1  }
0x42e: {  	[tilespmem:s25+$0x16440] =	vst.add.f32.msk $0xffff, v1  }
0x42f: {  	[tilespmem:s25+$0xCE50] =	vst.add.f32.msk $0xffff, v2  }
0x430: {  	[tilespmem:s25+$0x10050] =	vst.add.f32.msk $0xffff, v2  }
0x431: {  	[tilespmem:s25+$0x13250] =	vst.add.f32.msk $0xffff, v2  }
0x432: {  	[tilespmem:s25+$0x16450] =	vst.add.f32.msk $0xffff, v2  }
0x433: {  	[tilespmem:s25+$0xCE60] =	vst.add.f32.msk $0xffff, v3  }
0x434: {  	[tilespmem:s25+$0x10060] =	vst.add.f32.msk $0xffff, v3  }
0x435: {  	[tilespmem:s25+$0x13260] =	vst.add.f32.msk $0xffff, v3  }
0x436: {  	[tilespmem:s25+$0x16460] =	vst.add.f32.msk $0xffff, v3  }
0x437: {  	[tilespmem:s25+$0xCE70] =	vst.add.f32.msk $0xffff, v4  }
0x438: {  	[tilespmem:s25+$0x10070] =	vst.add.f32.msk $0xffff, v4  }
0x439: {  	[tilespmem:s25+$0x13270] =	vst.add.f32.msk $0xffff, v4  }
0x43a: {  	[tilespmem:s25+$0x16470] =	vst.add.f32.msk $0xffff, v4  }
0x43b: {  	[tilespmem:s25+$0xCE80] =	vst.add.f32.msk $0xffff, v5  }
0x43c: {  	[tilespmem:s25+$0x10080] =	vst.add.f32.msk $0xffff, v5  }
0x43d: {  	[tilespmem:s25+$0x13280] =	vst.add.f32.msk $0xffff, v5  }
0x43e: {  	[tilespmem:s25+$0x16480] =	vst.add.f32.msk $0xffff, v5  }
0x43f: {  	[tilespmem:s25+$0xCE90] =	vst.add.f32.msk $0xffff, v6  }
0x440: {  	[tilespmem:s25+$0x10090] =	vst.add.f32.msk $0xffff, v6  }
0x441: {  	[tilespmem:s25+$0x13290] =	vst.add.f32.msk $0xffff, v6  }
0x442: {  	[tilespmem:s25+$0x16490] =	vst.add.f32.msk $0xffff, v6  }
0x443: {  	[tilespmem:s25+$0xCEA0] =	vst.add.f32.msk $0xffff, v7  }
0x444: {  	[tilespmem:s25+$0x100A0] =	vst.add.f32.msk $0xffff, v7  }
0x445: {  	[tilespmem:s25+$0x132A0] =	vst.add.f32.msk $0xffff, v7  }
0x446: {  	[tilespmem:s25+$0x164A0] =	vst.add.f32.msk $0xffff, v7  }
0x447: {  	[tilespmem:s25+$0xCEB0] =	vst.add.f32.msk $0xffff, v8  }
0x448: {  	[tilespmem:s25+$0x100B0] =	vst.add.f32.msk $0xffff, v8  }
0x449: {  	[tilespmem:s25+$0x132B0] =	vst.add.f32.msk $0xffff, v8  }
0x44a: {  	[tilespmem:s25+$0x164B0] =	vst.add.f32.msk $0xffff, v8  }
0x44b: {  	[tilespmem:s25+$0xCEC0] =	vst.add.f32.msk $0xffff, v9  }
0x44c: {  	[tilespmem:s25+$0x100C0] =	vst.add.f32.msk $0xffff, v9  }
0x44d: {  	[tilespmem:s25+$0x132C0] =	vst.add.f32.msk $0xffff, v9  }
0x44e: {  	[tilespmem:s25+$0x164C0] =	vst.add.f32.msk $0xffff, v9  }
0x44f: {  	[tilespmem:s25+$0xCED0] =	vst.add.f32.msk $0xffff, v10  }
0x450: {  	[tilespmem:s25+$0x100D0] =	vst.add.f32.msk $0xffff, v10  }
0x451: {  	[tilespmem:s25+$0x132D0] =	vst.add.f32.msk $0xffff, v10  }
0x452: {  	[tilespmem:s25+$0x164D0] =	vst.add.f32.msk $0xffff, v10  }
0x453: {  	[tilespmem:s25+$0xCEE0] =	vst.add.f32.msk $0xffff, v11  }
0x454: {  	[tilespmem:s25+$0x100E0] =	vst.add.f32.msk $0xffff, v11  }
0x455: {  	[tilespmem:s25+$0x132E0] =	vst.add.f32.msk $0xffff, v11  }
0x456: {  	[tilespmem:s25+$0x164E0] =	vst.add.f32.msk $0xffff, v11  }
0x457: {  	[tilespmem:s25+$0xCEF0] =	vst.add.f32.msk $0xffff, v12  }
0x458: {  	[tilespmem:s25+$0x100F0] =	vst.add.f32.msk $0xffff, v12  }
0x459: {  	[tilespmem:s25+$0x132F0] =	vst.add.f32.msk $0xffff, v12  }
0x45a: {  	[tilespmem:s25+$0x164F0] =	vst.add.f32.msk $0xffff, v12  }
0x45b: {  	[tilespmem:s25+$0xCF00] =	vst.add.f32.msk $0xffff, v13  }
0x45c: {  	[tilespmem:s25+$0x10100] =	vst.add.f32.msk $0xffff, v13  }
0x45d: {  	[tilespmem:s25+$0x13300] =	vst.add.f32.msk $0xffff, v13  }
0x45e: {  	[tilespmem:s25+$0x16500] =	vst.add.f32.msk $0xffff, v13  }
0x45f: {  	[tilespmem:s25+$0xCF10] =	vst.add.f32.msk $0xffff, v14  }
0x460: {  	[tilespmem:s25+$0x10110] =	vst.add.f32.msk $0xffff, v14  }
0x461: {  	[tilespmem:s25+$0x13310] =	vst.add.f32.msk $0xffff, v14  }
0x462: {  	[tilespmem:s25+$0x16510] =	vst.add.f32.msk $0xffff, v14  }
0x463: {  	[tilespmem:s25+$0xCF20] =	vst.add.f32.msk $0xffff, v15  }
0x464: {  	[tilespmem:s25+$0x10120] =	vst.add.f32.msk $0xffff, v15  }
0x465: {  	[tilespmem:s25+$0x13320] =	vst.add.f32.msk $0xffff, v15  }
0x466: {  	[tilespmem:s25+$0x16520] =	vst.add.f32.msk $0xffff, v15  }
0x467: {  	[tilespmem:s25+$0xCF30] =	vst.add.f32.msk $0xffff, v16  }
0x468: {  	[tilespmem:s25+$0x10130] =	vst.add.f32.msk $0xffff, v16  }
0x469: {  	[tilespmem:s25+$0x13330] =	vst.add.f32.msk $0xffff, v16  }
0x46a: {  	[tilespmem:s25+$0x16530] =	vst.add.f32.msk $0xffff, v16  }
0x46b: {  	[tilespmem:s25+$0xCF40] =	vst.add.f32.msk $0xffff, v17  }
0x46c: {  	[tilespmem:s25+$0x10140] =	vst.add.f32.msk $0xffff, v17  }
0x46d: {  	[tilespmem:s25+$0x13340] =	vst.add.f32.msk $0xffff, v17  }
0x46e: {  	[tilespmem:s25+$0x16540] =	vst.add.f32.msk $0xffff, v17  }
0x46f: {  	[tilespmem:s25+$0xCF50] =	vst.add.f32.msk $0xffff, v18  }
0x470: {  	[tilespmem:s25+$0x10150] =	vst.add.f32.msk $0xffff, v18  }
0x471: {  	[tilespmem:s25+$0x13350] =	vst.add.f32.msk $0xffff, v18  }
0x472: {  	[tilespmem:s25+$0x16550] =	vst.add.f32.msk $0xffff, v18  }
0x473: {  	[tilespmem:s25+$0xCF60] =	vst.add.f32.msk $0xffff, v19  }
0x474: {  	[tilespmem:s25+$0x10160] =	vst.add.f32.msk $0xffff, v19  }
0x475: {  	[tilespmem:s25+$0x13360] =	vst.add.f32.msk $0xffff, v19  }
0x476: {  	[tilespmem:s25+$0x16560] =	vst.add.f32.msk $0xffff, v19  }
0x477: {  	[tilespmem:s25+$0xCF70] =	vst.add.f32.msk $0xffff, v20  }
0x478: {  	[tilespmem:s25+$0x10170] =	vst.add.f32.msk $0xffff, v20  }
0x479: {  	[tilespmem:s25+$0x13370] =	vst.add.f32.msk $0xffff, v20  }
0x47a: {  	[tilespmem:s25+$0x16570] =	vst.add.f32.msk $0xffff, v20  }
0x47b: {  	[tilespmem:s25+$0xCF80] =	vst.add.f32.msk $0xffff, v21  }
0x47c: {  	[tilespmem:s25+$0x10180] =	vst.add.f32.msk $0xffff, v21  }
0x47d: {  	[tilespmem:s25+$0x13380] =	vst.add.f32.msk $0xffff, v21  }
0x47e: {  	[tilespmem:s25+$0x16580] =	vst.add.f32.msk $0xffff, v21  }
0x47f: {  	[tilespmem:s25+$0xCF90] =	vst.add.f32.msk $0xffff, v22  }
0x480: {  	[tilespmem:s25+$0x10190] =	vst.add.f32.msk $0xffff, v22  }
0x481: {  	[tilespmem:s25+$0x13390] =	vst.add.f32.msk $0xffff, v22  }
0x482: {  	[tilespmem:s25+$0x16590] =	vst.add.f32.msk $0xffff, v22  }
0x483: {  	[tilespmem:s25+$0xCFA0] =	vst.add.f32.msk $0xffff, v23  }
0x484: {  	[tilespmem:s25+$0x101A0] =	vst.add.f32.msk $0xffff, v23  }
0x485: {  	[tilespmem:s25+$0x133A0] =	vst.add.f32.msk $0xffff, v23  }
0x486: {  	[tilespmem:s25+$0x165A0] =	vst.add.f32.msk $0xffff, v23  }
0x487: {  	[tilespmem:s25+$0xCFB0] =	vst.add.f32.msk $0xffff, v24  }
0x488: {  	[tilespmem:s25+$0x101B0] =	vst.add.f32.msk $0xffff, v24  }
0x489: {  	[tilespmem:s25+$0x133B0] =	vst.add.f32.msk $0xffff, v24  }
0x48a: {  	[tilespmem:s25+$0x165B0] =	vst.add.f32.msk $0xffff, v24  }
0x48b: {  	[tilespmem:s25+$0xCFC0] =	vst.add.f32.msk $0xffff, v25  }
0x48c: {  	[tilespmem:s25+$0x101C0] =	vst.add.f32.msk $0xffff, v25  }
0x48d: {  	[tilespmem:s25+$0x133C0] =	vst.add.f32.msk $0xffff, v25  }
0x48e: {  	[tilespmem:s25+$0x165C0] =	vst.add.f32.msk $0xffff, v25  }
0x48f: {  	[tilespmem:s25+$0xCFD0] =	vst.add.f32.msk $0xffff, v26  }
0x490: {  	[tilespmem:s25+$0x101D0] =	vst.add.f32.msk $0xffff, v26  }
0x491: {  	[tilespmem:s25+$0x133D0] =	vst.add.f32.msk $0xffff, v26  }
0x492: {  	[tilespmem:s25+$0x165D0] =	vst.add.f32.msk $0xffff, v26  }
0x493: {  	[tilespmem:s25+$0xCFE0] =	vst.add.f32.msk $0xffff, v27  }
0x494: {  	[tilespmem:s25+$0x101E0] =	vst.add.f32.msk $0xffff, v27  }
0x495: {  	[tilespmem:s25+$0x133E0] =	vst.add.f32.msk $0xffff, v27  }
0x496: {  	[tilespmem:s25+$0x165E0] =	vst.add.f32.msk $0xffff, v27  }
0x497: {  	[tilespmem:s25+$0xCFF0] =	vst.add.f32.msk $0xffff, v28  }
0x498: {  	[tilespmem:s25+$0x101F0] =	vst.add.f32.msk $0xffff, v28  }
0x499: {  	[tilespmem:s25+$0x133F0] =	vst.add.f32.msk $0xffff, v28  }
0x49a: {  	[tilespmem:s25+$0x165F0] =	vst.add.f32.msk $0xffff, v28  }
0x49b: {  	[tilespmem:s25+$0xD000] =	vst.add.f32.msk $0xffff, v29  }
0x49c: {  	[tilespmem:s25+$0x10200] =	vst.add.f32.msk $0xffff, v29  }
0x49d: {  	[tilespmem:s25+$0x13400] =	vst.add.f32.msk $0xffff, v29  }
0x49e: {  	[tilespmem:s25+$0x16600] =	vst.add.f32.msk $0xffff, v29  }
0x49f: {  	[tilespmem:s25+$0xD010] =	vst.add.f32.msk $0xffff, v30  }
0x4a0: {  	[tilespmem:s25+$0x10210] =	vst.add.f32.msk $0xffff, v30  }
0x4a1: {  	[tilespmem:s25+$0x13410] =	vst.add.f32.msk $0xffff, v30  }
0x4a2: {  	[tilespmem:s25+$0x16610] =	vst.add.f32.msk $0xffff, v30  }
0x4a3: {  	[tilespmem:s25+$0xD020] =	vst.add.f32.msk $0xffff, v31  }
0x4a4: {  	[tilespmem:s25+$0x10220] =	vst.add.f32.msk $0xffff, v31  }
0x4a5: {  	[tilespmem:s25+$0x13420] =	vst.add.f32.msk $0xffff, v31  }
0x4a6: {  	[tilespmem:s25+$0x16620] =	vst.add.f32.msk $0xffff, v31  }
0x4a7: {  	[tilespmem:s25+$0xD030] =	vst.add.f32.msk $0xffff, v0  }
0x4a8: {  	s26 =	simm.s32 $0x0;
	s2 =	simm.s32 $0x800;
	[tilespmem:s25+$0x10230] =	vst.add.f32.msk $0xffff, v0  }
.LBB2_10:
0x4a9: {  	s26 =	sadd.s32 $0x8, s26;
	[tilespmem:s25+$0x13430] =	vst.add.f32.msk $0xffff, v0;
	s25 =	sshra.s32 s2, $0x2  }
0x4aa: {  	v0 =	vld [tilespmem:s25+$0x19830];
	p0 =	slt.u32 s26, $0xC0  }
0x4ab: {  	v21 =	vld [tilespmem:s25+$0x19640]  }
0x4ac: {  	v22 =	vld [tilespmem:s25+$0x19650]  }
0x4ad: {  	v23 =	vld [tilespmem:s25+$0x19660]  }
0x4ae: {  	v24 =	vld [tilespmem:s25+$0x19670]  }
0x4af: {  	[tilespmem:s25+$0x16630] =	vst.add.f32.msk $0xffff, v0  }
0x4b0: {  	v25 =	vld [tilespmem:s25+$0x19680]  }
0x4b1: {  	v26 =	vld [tilespmem:s25+$0x19690]  }
0x4b2: {  	v27 =	vld [tilespmem:s25+$0x196A0]  }
0x4b3: {  	v28 =	vld [tilespmem:s25+$0x196B0]  }
0x4b4: {  	v29 =	vld [tilespmem:s25+$0x196C0]  }
0x4b5: {  	v30 =	vld [tilespmem:s25+$0x196D0]  }
0x4b6: {  	v31 =	vld [tilespmem:s25+$0x196E0]  }
0x4b7: {  	v20 =	vld [tilespmem:s25+$0x196F0]  }
0x4b8: {  	v19 =	vld [tilespmem:s25+$0x19700]  }
0x4b9: {  	v18 =	vld [tilespmem:s25+$0x19710]  }
0x4ba: {  	v17 =	vld [tilespmem:s25+$0x19720]  }
0x4bb: {  	v16 =	vld [tilespmem:s25+$0x19730]  }
0x4bc: {  	v15 =	vld [tilespmem:s25+$0x19740]  }
0x4bd: {  	v14 =	vld [tilespmem:s25+$0x19750]  }
0x4be: {  	v13 =	vld [tilespmem:s25+$0x19760]  }
0x4bf: {  	v12 =	vld [tilespmem:s25+$0x19770]  }
0x4c0: {  	v11 =	vld [tilespmem:s25+$0x19780]  }
0x4c1: {  	v10 =	vld [tilespmem:s25+$0x19790]  }
0x4c2: {  	v9 =	vld [tilespmem:s25+$0x197A0]  }
0x4c3: {  	v8 =	vld [tilespmem:s25+$0x197B0]  }
0x4c4: {  	v7 =	vld [tilespmem:s25+$0x197C0]  }
0x4c5: {  	v6 =	vld [tilespmem:s25+$0x197D0]  }
0x4c6: {  	v5 =	vld [tilespmem:s25+$0x197E0]  }
0x4c7: {  	v4 =	vld [tilespmem:s25+$0x197F0]  }
0x4c8: {  	v3 =	vld [tilespmem:s25+$0x19800]  }
0x4c9: {  	v2 =	vld [tilespmem:s25+$0x19810]  }
0x4ca: {  	v1 =	vld [tilespmem:s25+$0x19820]  }
0x4cb: {  	[tilespmem:s25+$0xCE40] =	vst.add.f32.msk $0xffff, v21  }
0x4cc: {  	[tilespmem:s25+$0x10040] =	vst.add.f32.msk $0xffff, v21  }
0x4cd: {  	[tilespmem:s25+$0x13240] =	vst.add.f32.msk $0xffff, v21  }
0x4ce: {  	[tilespmem:s25+$0x16440] =	vst.add.f32.msk $0xffff, v21  }
0x4cf: {  	[tilespmem:s25+$0xCE50] =	vst.add.f32.msk $0xffff, v22  }
0x4d0: {  	[tilespmem:s25+$0x10050] =	vst.add.f32.msk $0xffff, v22  }
0x4d1: {  	[tilespmem:s25+$0x13250] =	vst.add.f32.msk $0xffff, v22  }
0x4d2: {  	[tilespmem:s25+$0x16450] =	vst.add.f32.msk $0xffff, v22  }
0x4d3: {  	[tilespmem:s25+$0xCE60] =	vst.add.f32.msk $0xffff, v23  }
0x4d4: {  	[tilespmem:s25+$0x10060] =	vst.add.f32.msk $0xffff, v23  }
0x4d5: {  	[tilespmem:s25+$0x13260] =	vst.add.f32.msk $0xffff, v23  }
0x4d6: {  	[tilespmem:s25+$0x16460] =	vst.add.f32.msk $0xffff, v23  }
0x4d7: {  	[tilespmem:s25+$0xCE70] =	vst.add.f32.msk $0xffff, v24  }
0x4d8: {  	[tilespmem:s25+$0x10070] =	vst.add.f32.msk $0xffff, v24  }
0x4d9: {  	[tilespmem:s25+$0x13270] =	vst.add.f32.msk $0xffff, v24  }
0x4da: {  	[tilespmem:s25+$0x16470] =	vst.add.f32.msk $0xffff, v24  }
0x4db: {  	[tilespmem:s25+$0xCE80] =	vst.add.f32.msk $0xffff, v25  }
0x4dc: {  	[tilespmem:s25+$0x10080] =	vst.add.f32.msk $0xffff, v25  }
0x4dd: {  	[tilespmem:s25+$0x13280] =	vst.add.f32.msk $0xffff, v25  }
0x4de: {  	[tilespmem:s25+$0x16480] =	vst.add.f32.msk $0xffff, v25  }
0x4df: {  	[tilespmem:s25+$0xCE90] =	vst.add.f32.msk $0xffff, v26  }
0x4e0: {  	[tilespmem:s25+$0x10090] =	vst.add.f32.msk $0xffff, v26  }
0x4e1: {  	[tilespmem:s25+$0x13290] =	vst.add.f32.msk $0xffff, v26  }
0x4e2: {  	[tilespmem:s25+$0x16490] =	vst.add.f32.msk $0xffff, v26  }
0x4e3: {  	[tilespmem:s25+$0xCEA0] =	vst.add.f32.msk $0xffff, v27  }
0x4e4: {  	[tilespmem:s25+$0x100A0] =	vst.add.f32.msk $0xffff, v27  }
0x4e5: {  	[tilespmem:s25+$0x132A0] =	vst.add.f32.msk $0xffff, v27  }
0x4e6: {  	[tilespmem:s25+$0x164A0] =	vst.add.f32.msk $0xffff, v27  }
0x4e7: {  	[tilespmem:s25+$0xCEB0] =	vst.add.f32.msk $0xffff, v28  }
0x4e8: {  	[tilespmem:s25+$0x100B0] =	vst.add.f32.msk $0xffff, v28  }
0x4e9: {  	[tilespmem:s25+$0x132B0] =	vst.add.f32.msk $0xffff, v28  }
0x4ea: {  	[tilespmem:s25+$0x164B0] =	vst.add.f32.msk $0xffff, v28  }
0x4eb: {  	[tilespmem:s25+$0xCEC0] =	vst.add.f32.msk $0xffff, v29  }
0x4ec: {  	[tilespmem:s25+$0x100C0] =	vst.add.f32.msk $0xffff, v29  }
0x4ed: {  	[tilespmem:s25+$0x132C0] =	vst.add.f32.msk $0xffff, v29  }
0x4ee: {  	[tilespmem:s25+$0x164C0] =	vst.add.f32.msk $0xffff, v29  }
0x4ef: {  	[tilespmem:s25+$0xCED0] =	vst.add.f32.msk $0xffff, v30  }
0x4f0: {  	[tilespmem:s25+$0x100D0] =	vst.add.f32.msk $0xffff, v30  }
0x4f1: {  	[tilespmem:s25+$0x132D0] =	vst.add.f32.msk $0xffff, v30  }
0x4f2: {  	[tilespmem:s25+$0x164D0] =	vst.add.f32.msk $0xffff, v30  }
0x4f3: {  	[tilespmem:s25+$0xCEE0] =	vst.add.f32.msk $0xffff, v31  }
0x4f4: {  	[tilespmem:s25+$0x100E0] =	vst.add.f32.msk $0xffff, v31  }
0x4f5: {  	[tilespmem:s25+$0x132E0] =	vst.add.f32.msk $0xffff, v31  }
0x4f6: {  	[tilespmem:s25+$0x164E0] =	vst.add.f32.msk $0xffff, v31  }
0x4f7: {  	[tilespmem:s25+$0xCEF0] =	vst.add.f32.msk $0xffff, v20  }
0x4f8: {  	[tilespmem:s25+$0x100F0] =	vst.add.f32.msk $0xffff, v20  }
0x4f9: {  	[tilespmem:s25+$0x132F0] =	vst.add.f32.msk $0xffff, v20  }
0x4fa: {  	[tilespmem:s25+$0x164F0] =	vst.add.f32.msk $0xffff, v20  }
0x4fb: {  	[tilespmem:s25+$0xCF00] =	vst.add.f32.msk $0xffff, v19  }
0x4fc: {  	[tilespmem:s25+$0x10100] =	vst.add.f32.msk $0xffff, v19  }
0x4fd: {  	[tilespmem:s25+$0x13300] =	vst.add.f32.msk $0xffff, v19  }
0x4fe: {  	[tilespmem:s25+$0x16500] =	vst.add.f32.msk $0xffff, v19  }
0x4ff: {  	[tilespmem:s25+$0xCF10] =	vst.add.f32.msk $0xffff, v18  }
0x500: {  	[tilespmem:s25+$0x10110] =	vst.add.f32.msk $0xffff, v18  }
0x501: {  	[tilespmem:s25+$0x13310] =	vst.add.f32.msk $0xffff, v18  }
0x502: {  	[tilespmem:s25+$0x16510] =	vst.add.f32.msk $0xffff, v18  }
0x503: {  	[tilespmem:s25+$0xCF20] =	vst.add.f32.msk $0xffff, v17  }
0x504: {  	[tilespmem:s25+$0x10120] =	vst.add.f32.msk $0xffff, v17  }
0x505: {  	[tilespmem:s25+$0x13320] =	vst.add.f32.msk $0xffff, v17  }
0x506: {  	[tilespmem:s25+$0x16520] =	vst.add.f32.msk $0xffff, v17  }
0x507: {  	[tilespmem:s25+$0xCF30] =	vst.add.f32.msk $0xffff, v16  }
0x508: {  	[tilespmem:s25+$0x10130] =	vst.add.f32.msk $0xffff, v16  }
0x509: {  	[tilespmem:s25+$0x13330] =	vst.add.f32.msk $0xffff, v16  }
0x50a: {  	[tilespmem:s25+$0x16530] =	vst.add.f32.msk $0xffff, v16  }
0x50b: {  	[tilespmem:s25+$0xCF40] =	vst.add.f32.msk $0xffff, v15  }
0x50c: {  	[tilespmem:s25+$0x10140] =	vst.add.f32.msk $0xffff, v15  }
0x50d: {  	[tilespmem:s25+$0x13340] =	vst.add.f32.msk $0xffff, v15  }
0x50e: {  	[tilespmem:s25+$0x16540] =	vst.add.f32.msk $0xffff, v15  }
0x50f: {  	[tilespmem:s25+$0xCF50] =	vst.add.f32.msk $0xffff, v14  }
0x510: {  	[tilespmem:s25+$0x10150] =	vst.add.f32.msk $0xffff, v14  }
0x511: {  	[tilespmem:s25+$0x13350] =	vst.add.f32.msk $0xffff, v14  }
0x512: {  	[tilespmem:s25+$0x16550] =	vst.add.f32.msk $0xffff, v14  }
0x513: {  	[tilespmem:s25+$0xCF60] =	vst.add.f32.msk $0xffff, v13  }
0x514: {  	[tilespmem:s25+$0x10160] =	vst.add.f32.msk $0xffff, v13  }
0x515: {  	[tilespmem:s25+$0x13360] =	vst.add.f32.msk $0xffff, v13  }
0x516: {  	[tilespmem:s25+$0x16560] =	vst.add.f32.msk $0xffff, v13  }
0x517: {  	[tilespmem:s25+$0xCF70] =	vst.add.f32.msk $0xffff, v12  }
0x518: {  	[tilespmem:s25+$0x10170] =	vst.add.f32.msk $0xffff, v12  }
0x519: {  	[tilespmem:s25+$0x13370] =	vst.add.f32.msk $0xffff, v12  }
0x51a: {  	[tilespmem:s25+$0x16570] =	vst.add.f32.msk $0xffff, v12  }
0x51b: {  	[tilespmem:s25+$0xCF80] =	vst.add.f32.msk $0xffff, v11  }
0x51c: {  	[tilespmem:s25+$0x10180] =	vst.add.f32.msk $0xffff, v11  }
0x51d: {  	[tilespmem:s25+$0x13380] =	vst.add.f32.msk $0xffff, v11  }
0x51e: {  	[tilespmem:s25+$0x16580] =	vst.add.f32.msk $0xffff, v11  }
0x51f: {  	[tilespmem:s25+$0xCF90] =	vst.add.f32.msk $0xffff, v10  }
0x520: {  	[tilespmem:s25+$0x10190] =	vst.add.f32.msk $0xffff, v10  }
0x521: {  	[tilespmem:s25+$0x13390] =	vst.add.f32.msk $0xffff, v10  }
0x522: {  	[tilespmem:s25+$0x16590] =	vst.add.f32.msk $0xffff, v10  }
0x523: {  	[tilespmem:s25+$0xCFA0] =	vst.add.f32.msk $0xffff, v9  }
0x524: {  	[tilespmem:s25+$0x101A0] =	vst.add.f32.msk $0xffff, v9  }
0x525: {  	[tilespmem:s25+$0x133A0] =	vst.add.f32.msk $0xffff, v9  }
0x526: {  	[tilespmem:s25+$0x165A0] =	vst.add.f32.msk $0xffff, v9  }
0x527: {  	[tilespmem:s25+$0xCFB0] =	vst.add.f32.msk $0xffff, v8  }
0x528: {  	[tilespmem:s25+$0x101B0] =	vst.add.f32.msk $0xffff, v8  }
0x529: {  	[tilespmem:s25+$0x133B0] =	vst.add.f32.msk $0xffff, v8  }
0x52a: {  	[tilespmem:s25+$0x165B0] =	vst.add.f32.msk $0xffff, v8  }
0x52b: {  	[tilespmem:s25+$0xCFC0] =	vst.add.f32.msk $0xffff, v7  }
0x52c: {  	[tilespmem:s25+$0x101C0] =	vst.add.f32.msk $0xffff, v7  }
0x52d: {  	[tilespmem:s25+$0x133C0] =	vst.add.f32.msk $0xffff, v7  }
0x52e: {  	[tilespmem:s25+$0x165C0] =	vst.add.f32.msk $0xffff, v7  }
0x52f: {  	[tilespmem:s25+$0xCFD0] =	vst.add.f32.msk $0xffff, v6  }
0x530: {  	[tilespmem:s25+$0x101D0] =	vst.add.f32.msk $0xffff, v6  }
0x531: {  	[tilespmem:s25+$0x133D0] =	vst.add.f32.msk $0xffff, v6  }
0x532: {  	[tilespmem:s25+$0x165D0] =	vst.add.f32.msk $0xffff, v6  }
0x533: {  	[tilespmem:s25+$0xCFE0] =	vst.add.f32.msk $0xffff, v5  }
0x534: {  	[tilespmem:s25+$0x101E0] =	vst.add.f32.msk $0xffff, v5  }
0x535: {  	[tilespmem:s25+$0x133E0] =	vst.add.f32.msk $0xffff, v5  }
0x536: {  	[tilespmem:s25+$0x165E0] =	vst.add.f32.msk $0xffff, v5  }
0x537: {  	[tilespmem:s25+$0xCFF0] =	vst.add.f32.msk $0xffff, v4  }
0x538: {  	[tilespmem:s25+$0x101F0] =	vst.add.f32.msk $0xffff, v4  }
0x539: {  	[tilespmem:s25+$0x133F0] =	vst.add.f32.msk $0xffff, v4  }
0x53a: {  	[tilespmem:s25+$0x165F0] =	vst.add.f32.msk $0xffff, v4  }
0x53b: {  	[tilespmem:s25+$0xD000] =	vst.add.f32.msk $0xffff, v3  }
0x53c: {  	[tilespmem:s25+$0x10200] =	vst.add.f32.msk $0xffff, v3  }
0x53d: {  	[tilespmem:s25+$0x13400] =	vst.add.f32.msk $0xffff, v3  }
0x53e: {  	[tilespmem:s25+$0x16600] =	vst.add.f32.msk $0xffff, v3  }
0x53f: {  	[tilespmem:s25+$0xD010] =	vst.add.f32.msk $0xffff, v2  }
0x540: {  	[tilespmem:s25+$0x10210] =	vst.add.f32.msk $0xffff, v2  }
0x541: {  	[tilespmem:s25+$0x13410] =	vst.add.f32.msk $0xffff, v2  }
0x542: {  	[tilespmem:s25+$0x16610] =	vst.add.f32.msk $0xffff, v2  }
0x543: {  	[tilespmem:s25+$0xD020] =	vst.add.f32.msk $0xffff, v1  }
.Ltmp4:
0x544: {  	[tilespmem:s25+$0x10220] =	vst.add.f32.msk $0xffff, v1;
	(pc) =	sbr.rel @p0 .LBB2_10-.Ltmp4, $4  }
0x545: {  	[tilespmem:s25+$0x13420] =	vst.add.f32.msk $0xffff, v1  }
0x546: {  	[tilespmem:s25+$0x16620] =	vst.add.f32.msk $0xffff, v1  }
0x547: {  	[tilespmem:s25+$0xD030] =	vst.add.f32.msk $0xffff, v0  }
0x548: {  	s2 =	sadd.s32 $0x800, s2;
	[tilespmem:s25+$0x10230] =	vst.add.f32.msk $0xffff, v0  }
0x549: {  	s24 =	sadd.s32 $0x1, s24  }
0x54a: {  	p0 =	sne.s32 s24, s14  }
.Ltmp5:
0x54b: {  	[tilespmem:s25+$0x13430] =	vst.add.f32.msk $0xffff, v0;
	(pc) =	sbr.rel @p0 .LBB2_1-.Ltmp5, $4  }
0x54c: {  	[hbm4b:s13+s4] =	stream.linear.scatter [tilespmem:s19], [sflag:$0x4], $0xC800, $0x38;
	[tilespmem:$0x1C840] =	vst v63  }
0x54d: {  	_ =	swait.ge [sflag:s23], $0xC800  }
0x54e: {  	[sflag:s23] =	ssyncset.done $0x0  }
0x54f: {  	[sflag:s23] =	ssyncadd.s32 $0xFFFF3800  }
0x550: {  	_ =	sfence.sel $0x180000  }
0x551: {  	[bflag:$0x0] =	sbarrier.arrive $0xFFFF  }
0x552: {  	_ =	strace $0x90000047  }
0x553: {  	[bflag:$0x2] =	sbarrier.arrive $0xFFFF  }
0x554: {  	p0 =	sne.s32 s0, $0x0;
	s0 =	rddreg [dreg:$0x3]  }
0x555: {  	s0 =	sadd.s32 @!p0 $0x100000, s0  }
0x556: {  	[sflag:s0] =	ssyncadd.tile.s32 @!p0 $0x1;
	_ =	shalt  }
.Lfunc_end2:
_tile_overlayer_lowered:
.L_overlay_start_2:
0x557: {  	(tag) =	ssettag $0x2  }
0x558: {  	s0 =	rddreg [dreg:$0x0];
	s2 =	stileid.u32  }
0x559: {  	s1 =	rddreg [dreg:$0x1];
	p0 =	sne.s32 s2, $0x0  }
0x55a: {  	s3 =	rddreg [dreg:$0x2];
	[bflag:$0x3] =	sbarrier.arrive $0xFFFF;
	s2 =	simm.s32 @!p0 $0x1C05  }
0x55b: {  	[timem:s3], [sflag:s2] =	dma.local @!p0 [hbm:s0], s1  }
0x55c: {  	s0 =	simm.s32 @!p0 $0x5  }
0x55d: {  	_ =	swait.ge @!p0 [sflag:s0], s1  }
0x55e: {  	s1 =	ssub.s32 @!p0 $0x0, s1;
	[sflag:s0] =	ssyncset.done @!p0 $0x0  }
0x55f: {  	[sflag:s0] =	ssyncadd.s32 @!p0 s1  }
0x560: {  	[bflag:$0x3] =	sbarrier.arrive $0xFFFF  }
0x561: {  	_ =	shalt  }

// kernel: sparse-core-data-format-call.cloned.1.call-start
scs
called_computation_lowered:
.L_overlay_start_0:
0x0: {  	s2 =	sld [smem:$0x3FD9]  }
0x1: {  	s3 =	sld [smem:$0x3FFE];
	_ =	sdelay $0x1  }
0x2: {  	s1 =	srdreg.scid  }
0x3: {  	s0 =	sand.u32 $0x1, s1  }
0x4: {  	s18 =	sshll.u32 s0, $0xA;
	s2 =	sadd.s32 s3, s2  }
0x5: {  	s2 =	sadd.s32 s2, s18  }
0x6: {  	[smem:$0x3FC5] =	sst s2  }
0x7: {  	_ = 	snop  }
0x8: {  	s2 =	sld [smem:$0x3FD0];
	(tm) =	ssettm $0x1  }
0x9: {  	s19 =	sld [smem:$0x3FFB];
	_ =	sdelay $0x3  }
0xa: {  	_ =	strace s19  }
0xb: {  	s3 =	sld [smem:$0x3FFC];
	_ =	sdelay $0x3  }
0xc: {  	_ =	strace s3  }
0xd: {  	s3 =	sld [smem:$0x3FFD];
	_ =	sdelay $0x3  }
0xe: {  	_ =	strace s3  }
0xf: {  	_ =	strace $0x8FFFFFFF  }
0x10: {  	s20 =	sld [smem:$0x3FDB];
	_ =	sdelay $0x1  }
0x11: {  	s4 =	simm.s32 $_scs_section_size  }
0x12: {  	s5 =	simm.s32 $_size__tile_overlayer_lowered;
	s6 =	simm.s32 $_tile_overlayer_lowered  }
0x13: {  	s23 =	simm.s32 $0x1BFF;
	s22 =	sshll.u32 s6, $0x1;
	s3 =	sadd.s32 s4, s20  }
0x14: {  	s7 =	simm.s32 $0x0;
	s21 =	sshll.u32 s5, $0x1;
	s5 =	sadd.s32 s22, s3  }
0x15: {  	[timem:s7], [sflag:s23] =	dma.local [hbm:s5], s21  }
0x16: {  	_ =	swait.ge [sflag:s23], s21  }
0x17: {  	s4 =	ssub.s32 $0x0, s21;
	[sflag:s23] =	ssyncset.done $0x0  }
0x18: {  	[sflag:s23] =	ssyncadd.s32 s4;
	_ =	sdelay $0x1  }
0x19: {  	s24 =	simm.s32 $0x1B8B  }
0x1a: {  	_ =	swait.ge [sflag:s24], $0x1  }
0x1b: {  	[sflag:s24] =	ssyncset.done $0x0  }
0x1c: {  	s26 =	simm.s32 $0x1B8E;
	s25 =	sld [smem:$0x3FFE];
	[sflag:s24] =	ssyncadd.s32 $0xFFFFFFFF  }
0x1d: {  	s27 =	simm.s32 $execute0_lowered;
	[smem:$0x3FD2] =	sst s26  }
0x1e: {  	s5 =	sshll.u32 s27, $0x1;
	_ =	strace $0x80000049;
	[dreg:$0x1] =	wrdreg $0xFFFFFFFF  }
0x1f: {  	s28 =	simm.s32 $_size_execute0_lowered;
	s3 =	sadd.s32 s3, s5;
	[dreg:$0x0] =	wrdreg $0x0  }
0x20: {  	s5 =	sshll.u32 s28, $0x1;
	[dreg:$0x2] =	wrdreg s3  }
0x21: {  	[dreg:$0x3] =	wrdreg s5  }
0x22: {  	[dreg:$0x4] =	wrdreg $0xC0  }
0x23: {  	_ =	task [dreg:s7], $0x5FFFF  }
0x24: {  	[dreg:$0x1] =	wrdreg $0xFFFFFFFF  }
0x25: {  	[dreg:$0x0] =	wrdreg $0x60  }
0x26: {  	[dreg:$0x2] =	wrdreg s25  }
0x27: {  	[dreg:$0x3] =	wrdreg s2  }
0x28: {  	[dreg:$0x4] =	wrdreg $0x9  }
0x29: {  	_ =	task.clear_ibuf [dreg:s7], $0x5FFFF;
	_ =	strace $0x90000049  }
0x2a: {  	s29 =	simm.s32 $0x9;
	_ =	strace $0x8000004B  }
0x2b: {  	_ =	swait.ge [sflag:s29], $0x1  }
0x2c: {  	[sflag:s29] =	ssyncadd.s32 $0xFFFFFFFF  }
0x2d: {  	_ =	strace $0x9000004B  }
0x2e: {  	_ =	sfence  }
0x2f: {  	s30 =	sld [smem:$0x0];
	_ =	sdelay $0x2  }
0x30: {  	s31 =	sshll.u32 s1, $0xD;
	s1 =	sshrl.u32 s1, $0x2  }
0x31: {  	s3 =	sand.u32 $0x4000, s31;
	s1 =	sadd.s32 s1, s30  }
0x32: {  	s0 =	sor.u32 s3, s0;
	s1 =	sshll.u32 s1, $0x11  }
0x33: {  	s0 =	sor.u32 s1, s0  }
0x34: {  	s0 =	sadd.s32 $0x8F2B, s0  }
0x35: {  	[sflag:s0] =	ssyncadd.remote.s32 $0x1  }
0x36: {  	_ =	sfence.sel $0xFFFF  }
0x37: {  	[dreg:$0x0] =	wrdreg $0xFFFFFFFF;
	(pc) =	sbr.abs _section_cstart, $3  }
0x38: {  	[dreg:$0x1] =	wrdreg $0xFFFFFFFF  }
0x39: {  	_ =	task.clear_ibuf [dreg:s7], $0x2FFFF;
	_ =	strace $0x9FFFFFFF  }
0x3a: {  	(tm) =	ssettm $0x7FFFFFFF  }
0x3b: {  	_ =	shalt  }
tec
execute0_lowered:
.L_overlay_start_1:
0x0: {  	(tag) =	ssettag $0x1  }
0x1: {  	s0 =	srdreg.scid  }
0x2: {  	s1 =	sshll.u32 s0, $0x4  }
0x3: {  	s4 =	rddreg [dreg:$0x0];
	s0 =	stileid.u32;
	s1 =	sand.u32 $0x10, s1  }
0x4: {  	s2 =	rddreg [dreg:$0x1];
	s7 =	simm.s32 $0x1;
	s1 =	sor.u32 s0, s1  }
0x5: {  	s8 =	simm.s32 $0x2;
	s11 =	simm.s32 $0x0;
	s3 =	sshll.u32 s1, $0x7  }
0x6: {  	s10 =	simm.s32 $0x0;
	s4 =	sadd.s32 $0x800, s4;
	s6 =	ssub.s32 $0xC8000, s3  }
.Ltmp0:
0x7: {  	s1 =	rddreg [dreg:$0x2];
	s5 =	sand.u32 $0xF80, s6;
	(pc) =	sbr.rel .LBB1_1-.Ltmp0, $4  }
0x8: {  	_ =	strace $0x8000004A;
	s9 =	smov.u32 s3;
	p0 =	sne.s32 s5, $0x0  }
0x9: {  	s6 =	sshrl.u32 s6, $0xC;
	s5 =	simm.s32 $0x1;
	s7 =	simm.s32 @!p0 $0x0  }
0xa: {  	[sflag:s5] =	ssyncpa.u1 $0x0;
	p0 =	por $0x0, $0x0;
	s6 =	sadd.s32 s7, s6  }
0xb: {  	[sflag:s8] =	ssyncpa.u1 $0x0;
	s8 =	simm.s32 $0x640000;
	s7 =	sadd.s32 $0x1, s6  }
.LBB1_4:
0xc: {  	s14 =	sshll.u32 s11, $0x3  }
0xd: {  	s30 =	sand.u32 $0x7F, s11;
	s15 =	sand.u32 $0xFFFFFC00, s14  }
0xe: {  	s11 =	sor.u32 s30, s15  }
0xf: {  	s15 =	smulhi.u32 $0x51EB851F, s11  }
0x10: {  	s14 =	smulhi.u32 $0x51EB851F, s14  }
0x11: {  	s15 =	sshrl.u32 s15, $0x12  }
0x12: {  	s14 =	sshrl.u32 s14, $0x12;
	s15 =	smul.u32 $0xC8000, s15  }
0x13: {  	s14 =	sand.u32 $0x3F, s14  }
0x14: {  	s14 =	smul.u32 $0x19000, s14;
	s11 =	ssub.s32 s11, s15  }
0x15: {  	[tilespmem:s13+$0x810 ss:$0x81] =	vst.msk $0xffff, v2;
	s15 =	sand.u32 $0x7, s11  }
0x16: {  	[tilespmem:s13+$0x1020 ss:$0x81] =	vst.msk $0xffff, v0;
	s14 =	sadd.s32 s2, s14;
	s11 =	sshrl.u32 s11, $0x3;
	s15 =	sshll.u32 s15, $0x12  }
0x17: {  	[tilespmem:s13+$0x0 ss:$0x81] =	vst.msk $0xffff, v1;
	s11 =	sadd.s32 s11, s14;
	s31 =	sor.u32 $0x400, s15  }
0x18: {  	[hbm4b:s11+s31] =	stream.strided.scatter [tilespmem:s12], [sflag:$0x2], $0x2000, s8, s31, $0x20;
	[tilespmem:$0x8080] =	vst v63  }
.LBB1_5:
0x19: {  	s13 =	sadd.s32 $0x1000, s9  }
0x1a: {  	p2 =	sgt.s32 s13, $0xC7FFF  }
0x1b: {  	s13 =	smov.u32 @p2 s3;
	p2 =	sne.s32 s10, s7  }
.Ltmp1:
0x1c: {  	p1 =	slt.u32 s10, $0x2;
	(pc) =	sbr.rel @!p2 .LBB1_6-.Ltmp1, $4  }
0x1d: {  	s12 =	simm.s32 @!p1 $0x2  }
0x1e: {  	s14 =	sadd.s32 $0x1, s10;
	_ =	swait.ge @!p1 [sflag:s12], $0x2000  }
0x1f: {  	s11 =	smov.u32 s9;
	p0 =	por !p0, !p0;
	[sflag:s12] =	ssyncset.done @!p1 $0x0  }
0x20: {  	s10 =	smov.u32 s14;
	s9 =	smov.u32 s13;
	[sflag:s12] =	ssyncadd.s32 @!p1 $0xFFFFE000  }
.LBB1_1:
0x21: {  	p1 =	sge.u32 s10, s6  }
0x22: {  	s12 =	sand.u32 @!p1 $0x1FFFFFF, s9  }
0x23: {  	s13 =	smulhi.u32 @!p1 $0x147AE15, s12;
	_ =	sdelay $0x1  }
0x24: {  	s13 =	sshrl.u32 @!p1 s13, $0xC  }
0x25: {  	s13 =	smul.u32 @!p1 $0xC8000, s13;
	_ =	sdelay $0x1  }
0x26: {  	s31 =	sadd.s32 $0xFFFFFFFF, s10;
	s14 =	sxor.u32 @!p1 $0xFFFFFFFF, s10;
	s12 =	ssub.s32 @!p1 s12, s13  }
0x27: {  	s15 =	simm.s32 @!p1 $0x80;
	s14 =	sshll.u32 @!p1 s14, $0xD;
	s12 =	sshll.u32 @!p1 s12, $0x4  }
0x28: {  	s13 =	sand.u32 @!p1 $0x2000, s14;
	s14 =	simm.s32 @!p1 $0x40;
	s12 =	sadd.s32 @!p1 s4, s12  }
0x29: {  	[tilespmem:s13], [sflag:$0x1] =	stream.strided.gather @!p1 [hbm4b:s12+s14], $0x2000, s15, s14, $0x38;
	[tilespmem:$0x8080] =	vst v63  }
0x2a: {  	p1 =	sge.u32 s31, s6  }
.Ltmp2:
0x2b: {  	_ = 	snop;
	(pc) =	sbr.rel @p1 .LBB1_5-.Ltmp2, $1  }
0x2c: {  	_ =	sdelay $0x3  }
0x2d: {  	s12 =	simm.s32 $0x1  }
0x2e: {  	_ =	swait.ge [sflag:s5], $0x2000;
	s12 =	simm.s32 @!p0 $0x0  }
0x2f: {  	[sflag:s5] =	ssyncset.done $0x0;
	s13 =	sshll.u32 s12, $0xD  }
0x30: {  	[sflag:s5] =	ssyncadd.s32 $0xFFFFE000;
	s16 =	sor.u32 $0x20, s13  }
0x31: {  	s12 =	smul.u32 $0x8100, s12;
	v3 =	vld [tilespmem:s16+$0x10]  }
0x32: {  	s30 =	sand.u32 $0x1, s10;
	v2 =	vld [tilespmem:s16+$0xFFFFFFF0]  }
0x33: {  	s13 =	smul.u32 $0x8100, s30;
	s12 =	sshrl.u32 s12, $0x2;
	v0 =	vld [tilespmem:s16+$0x0]  }
0x34: {  	v1 =	vld [tilespmem:s16+$0xFFFFFFE0];
	s14 =	sor.u32 $0x4000, s12  }
0x35: {  	s31 =	sshrl.u32 s13, $0x2;
	s13 =	sadd.s32 $0x0, s14  }
0x36: {  	s15 =	simm.s32 $0x4;
	s16 =	sadd.s32 $0x40, s16;
	s12 =	sor.u32 $0x4000, s31;
	[tilespmem:s13+$0x1830 ss:$0x81] =	vst.msk $0xffff, v3  }
.LBB1_3:
0x37: {  	v3 =	vld [tilespmem:s16+$0x10];
	p1 =	sne.s32 s15, $0x1FC;
	[tilespmem:s13+$0x810 ss:$0x81] =	vst.msk $0xffff, v2;
	s17 =	smov.u32 s15;
	s15 =	sadd.s32 $0x4, s15  }
.Ltmp3:
0x38: {  	v2 =	vld [tilespmem:s16+$0xFFFFFFF0];
	[tilespmem:s13+$0x1020 ss:$0x81] =	vst.msk $0xffff, v0;
	(pc) =	sbr.rel @p1 .LBB1_3-.Ltmp3, $4  }
0x39: {  	v0 =	vld [tilespmem:s16+$0x0];
	[tilespmem:s13+$0x0 ss:$0x81] =	vst.msk $0xffff, v1  }
0x3a: {  	s13 =	sshra.s32 s17, $0x2;
	v1 =	vld [tilespmem:s16+$0xFFFFFFE0]  }
0x3b: {  	s13 =	sadd.s32 s13, s14  }
0x3c: {  	s16 =	sadd.s32 $0x40, s16;
	[tilespmem:s13+$0x1830 ss:$0x81] =	vst.msk $0xffff, v3  }
.Ltmp4:
0x3d: {  	_ = 	snop;
	(pc) =	sbr.rel .LBB1_4-.Ltmp4, $1  }
0x3e: {  	_ =	sdelay $0x3  }
.LBB1_6:
0x3f: {  	_ =	sfence.sel $0x180000  }
0x40: {  	s2 =	simm.s32 $0x1;
	[bflag:$0x0] =	sbarrier.arrive $0xFFFF  }
0x41: {  	s31 =	simm.s32 $0x2;
	[sflag:s2] =	ssyncpa.u1 $0x1  }
0x42: {  	[sflag:s31] =	ssyncpa.u1 $0x1  }
0x43: {  	p0 =	sne.s32 s0, $0x0;
	_ =	strace $0x9000004A  }
0x44: {  	s0 =	sadd.s32 @!p0 $0x100000, s1;
	[bflag:$0x2] =	sbarrier.arrive $0xFFFF  }
0x45: {  	[sflag:s0] =	ssyncadd.tile.s32 @!p0 $0x1;
	_ =	shalt  }
.Lfunc_end1:
_tile_overlayer_lowered:
.L_overlay_start_2:
0x46: {  	(tag) =	ssettag $0x2  }
0x47: {  	s0 =	rddreg [dreg:$0x0];
	s2 =	stileid.u32  }
0x48: {  	s1 =	rddreg [dreg:$0x1];
	p0 =	sne.s32 s2, $0x0  }
0x49: {  	s3 =	rddreg [dreg:$0x2];
	[bflag:$0x3] =	sbarrier.arrive $0xFFFF;
	s2 =	simm.s32 @!p0 $0x1C01  }
0x4a: {  	[timem:s3], [sflag:s2] =	dma.local @!p0 [hbm:s0], s1  }
0x4b: {  	s0 =	simm.s32 @!p0 $0x1  }
0x4c: {  	_ =	swait.ge @!p0 [sflag:s0], s1  }
0x4d: {  	s1 =	ssub.s32 @!p0 $0x0, s1;
	[sflag:s0] =	ssyncset.done @!p0 $0x0  }
0x4e: {  	[sflag:s0] =	ssyncadd.s32 @!p0 s1  }
0x4f: {  	[bflag:$0x3] =	sbarrier.arrive $0xFFFF  }
0x50: {  	_ =	shalt  }

</sc_bundles>
